<compile_context>
chip_gen: v7x
topology: tpu7x:2x2x1
jax: 0.10.2.dev20260603
libtpu: 0.0.44.dev20260713+nightly
codegen_flags: <defaults>
</compile_context>

<pallas_src>
import functools
import jax
import jax.numpy as jnp
from jax import lax
from jax.experimental import pallas as pl
from jax.experimental.pallas import tpu as pltpu
from jax.experimental.pallas import tpu_sc as plsc

B, S, D = 2, 2048, 1024
E, K, I = 8, 2, 512
SH = 2 * 512
T = B * S

TM = 512
NT = T * K // TM + E
NROWS = NT * TM
NW = 32
TPW = T // NW
RC = 32
NCH = TPW // RC

_dims_nt = (((1,), (1,)), ((), ()))


def _gate_body(x_ref, gw_ref, gb_ref, w_ref, idx_ref, coeff_ref, d0_ref,
               d1_ref, te_ref, pos_ref, mask_ref):
    x = x_ref[...]
    scores = lax.dot_general(x, gw_ref[...], _dims_nt,
                             preferred_element_type=jnp.float32) + gb_ref[...]
    m = jnp.max(scores, axis=1, keepdims=True)
    ex = jnp.exp(scores - m)
    probs = ex / jnp.sum(ex, axis=1, keepdims=True)
    w_ref[...] = probs
    iota8 = lax.broadcasted_iota(jnp.int32, (T, E), 1)
    m0 = jnp.max(probs, axis=1, keepdims=True)
    i0 = jnp.min(jnp.where(probs == m0, iota8, E), axis=1)
    pm = jnp.where(iota8 == i0[:, None], -jnp.inf, probs)
    m1 = jnp.max(pm, axis=1, keepdims=True)
    i1 = jnp.min(jnp.where(pm == m1, iota8, E), axis=1)
    idx_ref[...] = jnp.concatenate([i0[:, None], i1[:, None]], axis=1)
    coeff_ref[...] = jnp.sum(probs, axis=1, keepdims=True)

    onehot0 = iota8 == i0[:, None]
    onehot1 = iota8 == i1[:, None]
    mask_ref[...] = (onehot0 | onehot1).astype(jnp.float32)
    C = 256
    NCk = T // C
    r_io = lax.broadcasted_iota(jnp.int32, (C, C), 0)
    c_io = lax.broadcasted_iota(jnp.int32, (C, C), 1)
    tril = (c_io < r_io).astype(jnp.bfloat16)

    intra = []
    totals = []
    for c in range(NCk):
        mc = mask_ref[c * C:(c + 1) * C, :]
        intra.append(lax.dot_general(tril, mc.astype(jnp.bfloat16),
                                     (((1,), (0,)), ((), ())),
                                     preferred_element_type=jnp.float32))
        totals.append(jnp.sum(mc, axis=0, keepdims=True))
    tot = jnp.concatenate(totals, axis=0)
    k_r = lax.broadcasted_iota(jnp.int32, (NCk, NCk), 0)
    k_c = lax.broadcasted_iota(jnp.int32, (NCk, NCk), 1)
    trilk = (k_c < k_r).astype(jnp.float32)
    coffs = lax.dot_general(trilk, tot, (((1,), (0,)), ((), ())),
                            preferred_element_type=jnp.float32)
    for c in range(NCk):
        pos_ref[c * C:(c + 1) * C, :] = intra[c] + coffs[c:c + 1, :]
    counts = coffs[NCk - 1:NCk, :] + tot[NCk - 1:NCk, :]
    pc = jnp.floor((counts + (TM - 1)) / TM) * TM
    e_r = lax.broadcasted_iota(jnp.int32, (E, E), 0)
    e_c = lax.broadcasted_iota(jnp.int32, (E, E), 1)
    tril8 = (e_c < e_r).astype(jnp.float32)
    off = lax.dot_general(pc, tril8, _dims_nt,
                          preferred_element_type=jnp.float32)
    ends = ((off + pc) * (1.0 / TM)).astype(jnp.int32)
    t_io = lax.broadcasted_iota(jnp.int32, (NT, E), 0)
    te = jnp.sum((t_io >= ends).astype(jnp.int32), axis=1)
    te_ref[...] = jnp.minimum(te, E - 1)[None, :]
    slot = off + pos_ref[...]
    d0 = jnp.sum(jnp.where(onehot0, slot, 0.0), axis=1)
    d1 = jnp.sum(jnp.where(onehot1, slot, 0.0), axis=1)
    d0_ref[...] = jnp.reshape(d0.astype(jnp.int32), (NW, TPW))
    d1_ref[...] = jnp.reshape(d1.astype(jnp.int32), (NW, TPW))


def _gate(xf, gw, gb):
    return pl.pallas_call(
        _gate_body,
        out_shape=(
            jax.ShapeDtypeStruct((T, E), jnp.float32),
            jax.ShapeDtypeStruct((T, K), jnp.int32),
            jax.ShapeDtypeStruct((T, 1), jnp.float32),
            jax.ShapeDtypeStruct((NW, TPW), jnp.int32),
            jax.ShapeDtypeStruct((NW, TPW), jnp.int32),
            jax.ShapeDtypeStruct((1, NT), jnp.int32),
        ),
        scratch_shapes=[pltpu.VMEM((T, E), jnp.float32),
                        pltpu.VMEM((T, E), jnp.float32)],
    )(xf, gw, gb.reshape(1, E))


def _sc_dispatch(xf, d30, d31):
    mesh = plsc.VectorSubcoreMesh(core_axis_name="c", subcore_axis_name="s")

    @functools.partial(
        pl.kernel, mesh=mesh,
        out_type=jax.ShapeDtypeStruct((NROWS, D), jnp.float32),
        scratch_types=[pltpu.VMEM((NCH, RC), jnp.int32),
                       pltpu.VMEM((NCH, RC), jnp.int32),
                       pltpu.VMEM((RC, D), jnp.float32),
                       pltpu.VMEM((RC, D), jnp.float32),
                       pltpu.SemaphoreType.DMA,
                       pltpu.SemaphoreType.DMA,
                       pltpu.SemaphoreType.DMA,
                       pltpu.SemaphoreType.DMA],
    )
    def run(x_hbm, d30_hbm, d31_hbm, xs_hbm, i0_v, i1_v, b0, b1, l0, l1, s0,
            s1):
        wid = lax.axis_index("s") * 2 + lax.axis_index("c")
        pltpu.sync_copy(d30_hbm.at[wid], i0_v)
        pltpu.sync_copy(d31_hbm.at[wid], i1_v)
        bufs = (b0, b1)
        lsem = (l0, l1)
        ssem = (s0, s1)
        lds = [None] * NCH
        scs = [None] * NCH

        def scatter(c):
            b = bufs[c % 2]
            lds[c].wait()
            h0 = pltpu.async_copy(b, xs_hbm.at[i0_v.at[c]], ssem[c % 2])
            h1 = pltpu.async_copy(b, xs_hbm.at[i1_v.at[c]], ssem[c % 2])
            scs[c] = (h0, h1)

        for c in range(NCH):
            if c >= 2:
                scs[c - 2][0].wait()
                scs[c - 2][1].wait()
            base = wid * TPW + c * RC
            lds[c] = pltpu.async_copy(x_hbm.at[pl.ds(base, RC)], bufs[c % 2],
                                      lsem[c % 2])
            if c >= 1:
                scatter(c - 1)
        scatter(NCH - 1)
        scs[NCH - 2][0].wait()
        scs[NCH - 2][1].wait()
        scs[NCH - 1][0].wait()
        scs[NCH - 1][1].wait()

    return run(xf, d30, d31)


def _sc_combine(o_rows, d30, d31):
    mesh = plsc.VectorSubcoreMesh(core_axis_name="c", subcore_axis_name="s")

    @functools.partial(
        pl.kernel, mesh=mesh,
        out_type=(jax.ShapeDtypeStruct((T, D), jnp.float32),
                  jax.ShapeDtypeStruct((T, D), jnp.float32)),
        scratch_types=[pltpu.VMEM((NCH, RC), jnp.int32),
                       pltpu.VMEM((NCH, RC), jnp.int32),
                       pltpu.VMEM((RC, D), jnp.float32),
                       pltpu.VMEM((RC, D), jnp.float32),
                       pltpu.SemaphoreType.DMA,
                       pltpu.SemaphoreType.DMA,
                       pltpu.SemaphoreType.DMA,
                       pltpu.SemaphoreType.DMA],
    )
    def run(o_hbm, d30_hbm, d31_hbm, y0_hbm, y1_hbm, i0_v, i1_v, b0, b1, g0,
            g1, s0, s1):
        wid = lax.axis_index("s") * 2 + lax.axis_index("c")
        pltpu.sync_copy(d30_hbm.at[wid], i0_v)
        pltpu.sync_copy(d31_hbm.at[wid], i1_v)
        bufs = (b0, b1)
        gsem = (g0, g1)
        ssem = (s0, s1)
        NP = 2 * NCH
        ghs = [None] * NP
        shs = [None] * NP

        def store(p):
            c, k = p // 2, p % 2
            yh = y0_hbm if k == 0 else y1_hbm
            ghs[p].wait()
            shs[p] = pltpu.async_copy(
                bufs[p % 2], yh.at[pl.ds(wid * TPW + c * RC, RC)],
                ssem[p % 2])

        for p in range(NP):
            c, k = p // 2, p % 2
            iv = i0_v if k == 0 else i1_v
            if p >= 2:
                shs[p - 2].wait()
            ghs[p] = pltpu.async_copy(o_hbm.at[iv.at[c]], bufs[p % 2],
                                      gsem[p % 2])
            if p >= 1:
                store(p - 1)
        store(NP - 1)
        shs[NP - 2].wait()
        shs[NP - 1].wait()

    return run(o_rows, d30, d31)


def _group_body(meta_ref, xs_ref, w1_ref, b1_ref, w3_ref, b3_ref, w2_ref,
                b2_ref, o_ref):
    x = xs_ref[...].astype(jnp.bfloat16)
    h1 = lax.dot_general(x, w1_ref[0].astype(jnp.bfloat16), _dims_nt,
                         preferred_element_type=jnp.float32) + b1_ref[0]
    h3 = lax.dot_general(x, w3_ref[0].astype(jnp.bfloat16), _dims_nt,
                         preferred_element_type=jnp.float32) + b3_ref[0]
    h = (jax.nn.silu(h1) * h3).astype(jnp.bfloat16)
    o_ref[...] = lax.dot_general(h, w2_ref[0].astype(jnp.bfloat16), _dims_nt,
                                 preferred_element_type=jnp.float32) + b2_ref[0]


def _grouped_matmul(tile_expert, xs, ew1, eb1, ew3, eb3, ew2, eb2):
    grid_spec = pltpu.PrefetchScalarGridSpec(
        num_scalar_prefetch=1,
        grid=(NT,),
        in_specs=[
            pl.BlockSpec((TM, D), lambda i, m: (i, 0)),
            pl.BlockSpec((1, I, D), lambda i, m: (m[0, i], 0, 0)),
            pl.BlockSpec((1, 1, I), lambda i, m: (m[0, i], 0, 0)),
            pl.BlockSpec((1, I, D), lambda i, m: (m[0, i], 0, 0)),
            pl.BlockSpec((1, 1, I), lambda i, m: (m[0, i], 0, 0)),
            pl.BlockSpec((1, D, I), lambda i, m: (m[0, i], 0, 0)),
            pl.BlockSpec((1, 1, D), lambda i, m: (m[0, i], 0, 0)),
        ],
        out_specs=pl.BlockSpec((TM, D), lambda i, m: (i, 0)),
    )
    return pl.pallas_call(
        _group_body,
        grid_spec=grid_spec,
        out_shape=jax.ShapeDtypeStruct((NROWS, D), jnp.float32),
    )(tile_expert, xs, ew1, eb1.reshape(E, 1, I), ew3, eb3.reshape(E, 1, I),
      ew2, eb2.reshape(E, 1, D))


_TMS = 512


def _shared_h_body(x_ref, sw1_ref, sb1_ref, sw3_ref, sb3_ref, h_ref):
    x = x_ref[...].astype(jnp.bfloat16)
    h1 = lax.dot_general(x, sw1_ref[...].astype(jnp.bfloat16), _dims_nt,
                         preferred_element_type=jnp.float32) + sb1_ref[...]
    h3 = lax.dot_general(x, sw3_ref[...].astype(jnp.bfloat16), _dims_nt,
                         preferred_element_type=jnp.float32) + sb3_ref[...]
    h_ref[...] = (jax.nn.silu(h1) * h3).astype(jnp.bfloat16)


def _shared_h(xf, sw1, sb1, sw3, sb3):
    return pl.pallas_call(
        _shared_h_body,
        grid=(T // _TMS,),
        in_specs=[
            pl.BlockSpec((_TMS, D), lambda i: (i, 0)),
            pl.BlockSpec((SH, D), lambda i: (0, 0)),
            pl.BlockSpec((1, SH), lambda i: (0, 0)),
            pl.BlockSpec((SH, D), lambda i: (0, 0)),
            pl.BlockSpec((1, SH), lambda i: (0, 0)),
        ],
        out_specs=pl.BlockSpec((_TMS, SH), lambda i: (i, 0)),
        out_shape=jax.ShapeDtypeStruct((T, SH), jnp.bfloat16),
    )(xf, sw1, sb1.reshape(1, SH), sw3, sb3.reshape(1, SH))


def _shared_body(h_ref, sw2_ref, sb2_ref, y0_ref, y1_ref, coeff_ref, o_ref):
    z = lax.dot_general(h_ref[...], sw2_ref[...].astype(jnp.bfloat16),
                        _dims_nt,
                        preferred_element_type=jnp.float32) + sb2_ref[...]
    o_ref[...] = (y0_ref[...] + y1_ref[...]) * coeff_ref[...] + z


def _shared_combine(h, sw2, sb2, y0, y1, coeff):
    return pl.pallas_call(
        _shared_body,
        grid=(T // _TMS,),
        in_specs=[
            pl.BlockSpec((_TMS, SH), lambda i: (i, 0)),
            pl.BlockSpec((D, SH), lambda i: (0, 0)),
            pl.BlockSpec((1, D), lambda i: (0, 0)),
            pl.BlockSpec((_TMS, D), lambda i: (i, 0)),
            pl.BlockSpec((_TMS, D), lambda i: (i, 0)),
            pl.BlockSpec((_TMS, 1), lambda i: (i, 0)),
        ],
        out_specs=pl.BlockSpec((_TMS, D), lambda i: (i, 0)),
        out_shape=jax.ShapeDtypeStruct((T, D), jnp.float32),
    )(h, sw2, sb2.reshape(1, D), y0, y1, coeff)


@jax.jit
def kernel(x, gw, gb, ew1, eb1, ew2, eb2, ew3, eb3, sw1, sb1, sw2, sb2, sw3,
           sb3):
    shape = x.shape
    xf = x.reshape(-1, D)
    weights, indices, coeff, dest0, dest1, tile_expert = _gate(xf, gw, gb)

    d30 = dest0.reshape(NW, NCH, RC)
    d31 = dest1.reshape(NW, NCH, RC)

    xs = _sc_dispatch(xf, d30, d31)
    h = _shared_h(xf, sw1, sb1, sw3, sb3)
    o_rows = _grouped_matmul(tile_expert, xs, ew1, eb1, ew3, eb3, ew2, eb2)
    y0, y1 = _sc_combine(o_rows, d30, d31)
    out = _shared_combine(h, sw2, sb2, y0, y1, coeff)
    return (weights, indices, out.reshape(shape))

# --- scband reference (transcript-rebuilt; emitter-appended) ---
"""Pipeline reference for scband-mo-e-58042188038168 (READ-ONLY COPY).

The authoritative reference and input builder live on the scoring server;
editing this copy changes nothing except your own understanding.
"""

import jax, jax.numpy as jnp
import numpy as np

B, S, D = 2, 2048, 1024
E, K, I = 8, 2, 512
SH = 2 * 512  # n_shared_experts * moe_inter_dim

def setup_inputs(seed: int = 0) -> dict:
    key = jax.random.key(seed)
    ks = jax.random.split(key, 16)
    x = jax.random.normal(ks[0], (B, S, D), dtype=jnp.float32)
    gw = jax.random.normal(ks[1], (E, D), dtype=jnp.float32) * 0.02
    gb = jnp.zeros((E,), dtype=jnp.float32)
    ew1 = jax.random.normal(ks[2], (E, I, D), dtype=jnp.float32) * 0.02
    eb1 = jnp.zeros((E, I), dtype=jnp.float32)
    ew2 = jax.random.normal(ks[3], (E, D, I), dtype=jnp.float32) * 0.02
    eb2 = jnp.zeros((E, D), dtype=jnp.float32)
    ew3 = jax.random.normal(ks[4], (E, I, D), dtype=jnp.float32) * 0.02
    eb3 = jnp.zeros((E, I), dtype=jnp.float32)
    sw1 = jax.random.normal(ks[5], (SH, D), dtype=jnp.float32) * 0.02
    sb1 = jnp.zeros((SH,), dtype=jnp.float32)
    sw2 = jax.random.normal(ks[6], (D, SH), dtype=jnp.float32) * 0.02
    sb2 = jnp.zeros((D,), dtype=jnp.float32)
    sw3 = jax.random.normal(ks[7], (SH, D), dtype=jnp.float32) * 0.02
    sb3 = jnp.zeros((SH,), dtype=jnp.float32)
    return {"x": x, "gw": gw, "gb": gb, "ew1": ew1, "eb1": eb1, "ew2": ew2,
            "eb2": eb2, "ew3": ew3, "eb3": eb3, "sw1": sw1, "sb1": sb1,
            "sw2": sw2, "sb2": sb2, "sw3": sw3, "sb3": sb3}

def reference(x, gw, gb, ew1, eb1, ew2, eb2, ew3, eb3, sw1, sb1, sw2, sb2, sw3, sb3):
    shape = x.shape
    xf = x.reshape(-1, D)
    # Gate: scores -> softmax probs -> topk indices. Gate returns (probs, indices).
    scores = xf @ gw.T + gb
    probs = jax.nn.softmax(scores, axis=-1)
    _w_topk, indices = jax.lax.top_k(probs, K)
    weights = probs  # faithful to torch code: gate returns full probs as 'weights'
    coeff = jnp.sum(weights, axis=1, keepdims=True)
    y = jnp.zeros_like(xf)
    for e in range(E):
        mask = jnp.any(indices == e, axis=1)  # [T] bool
        h = jax.nn.silu(xf @ ew1[e].T + eb1[e]) * (xf @ ew3[e].T + eb3[e])
        out = h @ ew2[e].T + eb2[e]
        y = y + jnp.where(mask[:, None], out * coeff, 0.0)
    # shared experts MLP
    z = (jax.nn.silu(xf @ sw1.T + sb1) * (xf @ sw3.T + sb3)) @ sw2.T + sb2
    return (weights, indices, (y + z).reshape(shape))

if __name__ == "__main__":
    import jax
    _d = setup_inputs()
    print(jax.jit(kernel)(*tuple(_d.values())))

</pallas_src>

<mosaic_0001>
#map = affine_map<(d0, d1) -> (0, 0)>
#map1 = affine_map<(d0, d1) -> (0, 0, 0)>
module attributes {stable_mosaic.version = 14 : i64} {
  func.func @run(%arg0: i32, %arg1: i32, %arg2: memref<12288x1024xf32, #tpu.memory_space<hbm>>, %arg3: memref<32x4x32xi32, #tpu.memory_space<hbm>>, %arg4: memref<32x4x32xi32, #tpu.memory_space<hbm>>, %arg5: memref<4096x1024xf32, #tpu.memory_space<hbm>>, %arg6: memref<4096x1024xf32, #tpu.memory_space<hbm>>, %arg7: memref<4x32xi32, #tpu.memory_space<vmem>>, %arg8: memref<4x32xi32, #tpu.memory_space<vmem>>, %arg9: memref<32x1024xf32, #tpu.memory_space<vmem>>, %arg10: memref<32x1024xf32, #tpu.memory_space<vmem>>, %arg11: memref<!tpu.dma_semaphore, #tpu.memory_space<semaphore_mem>>, %arg12: memref<!tpu.dma_semaphore, #tpu.memory_space<semaphore_mem>>, %arg13: memref<!tpu.dma_semaphore, #tpu.memory_space<semaphore_mem>>, %arg14: memref<!tpu.dma_semaphore, #tpu.memory_space<semaphore_mem>>) attributes {dimension_semantics = [#tpu.dimension_semantics<core_parallel>, #tpu.dimension_semantics<subcore_parallel>], iteration_bounds = array<i64: 2, 16>, scalar_prefetch = 0 : i64, scratch_operands = 8 : i64, tpu.core_type = #tpu.core_type<sc_vector_subcore>, window_params = [{transform_indices = #map}, {transform_indices = #map1}, {transform_indices = #map1}, {transform_indices = #map}, {transform_indices = #map}]} {
    %mul3A = arith.constant 2 : i32
    %mul3A_0 = arith.muli %arg1, %mul3A : i32
    %add3A = arith.addi %mul3A_0, %arg0 : i32
    "tpu.region"() ({
      %run_scoped3A = tpu.sem_alloc : memref<!tpu.dma_semaphore, #tpu.memory_space<semaphore_mem>>
      %dma_start3A_207 = arith.constant 0 : i32
      %dma_start3A_208 = arith.constant 0 : i32
      %dma_start3A_209 = tpu.memref_slice %arg3[%add3A, %dma_start3A_207, %dma_start3A_208] : memref<32x4x32xi32, #tpu.memory_space<hbm>> -> memref<1x4x32xi32, #tpu.memory_space<hbm>>
      %dma_start3A_210 = tpu.memref_squeeze %dma_start3A_209 : memref<1x4x32xi32, #tpu.memory_space<hbm>> -> memref<4x32xi32, #tpu.memory_space<hbm>>
      %dma_start3A_211 = arith.constant 0 : i32
      %dma_start3A_212 = arith.constant 0 : i32
      %dma_start3A_213 = tpu.memref_slice %arg3[%add3A, %dma_start3A_211, %dma_start3A_212] : memref<32x4x32xi32, #tpu.memory_space<hbm>> -> memref<1x4x32xi32, #tpu.memory_space<hbm>>
      %dma_start3A_214 = tpu.memref_squeeze %dma_start3A_213 : memref<1x4x32xi32, #tpu.memory_space<hbm>> -> memref<4x32xi32, #tpu.memory_space<hbm>>
      tpu.enqueue_dma source(%dma_start3A_214 : memref<4x32xi32, #tpu.memory_space<hbm>>) target(%arg7 : memref<4x32xi32, #tpu.memory_space<vmem>>) target_semaphore(%run_scoped3A : memref<!tpu.dma_semaphore, #tpu.memory_space<semaphore_mem>>)
      %dma_wait3A_215 = arith.constant 0 : i32
      %dma_wait3A_216 = arith.constant 0 : i32
      %dma_wait3A_217 = tpu.memref_slice %arg3[%add3A, %dma_wait3A_215, %dma_wait3A_216] : memref<32x4x32xi32, #tpu.memory_space<hbm>> -> memref<1x4x32xi32, #tpu.memory_space<hbm>>
      %dma_wait3A_218 = tpu.memref_squeeze %dma_wait3A_217 : memref<1x4x32xi32, #tpu.memory_space<hbm>> -> memref<4x32xi32, #tpu.memory_space<hbm>>
      %dma_wait3A_219 = arith.constant 0 : i32
      %dma_wait3A_220 = arith.constant 0 : i32
      %dma_wait3A_221 = tpu.memref_slice %arg3[%add3A, %dma_wait3A_219, %dma_wait3A_220] : memref<32x4x32xi32, #tpu.memory_space<hbm>> -> memref<1x4x32xi32, #tpu.memory_space<hbm>>
      %dma_wait3A_222 = tpu.memref_squeeze %dma_wait3A_221 : memref<1x4x32xi32, #tpu.memory_space<hbm>> -> memref<4x32xi32, #tpu.memory_space<hbm>>
      tpu.wait_dma2 semaphore(%run_scoped3A : memref<!tpu.dma_semaphore, #tpu.memory_space<semaphore_mem>>) src(%dma_wait3A_222 : memref<4x32xi32, #tpu.memory_space<hbm>>) dst(%arg7 : memref<4x32xi32, #tpu.memory_space<vmem>>)
      tpu.yield
    }) : () -> ()
    "tpu.region"() ({
      %run_scoped3A = tpu.sem_alloc : memref<!tpu.dma_semaphore, #tpu.memory_space<semaphore_mem>>
      %dma_start3A_207 = arith.constant 0 : i32
      %dma_start3A_208 = arith.constant 0 : i32
      %dma_start3A_209 = tpu.memref_slice %arg4[%add3A, %dma_start3A_207, %dma_start3A_208] : memref<32x4x32xi32, #tpu.memory_space<hbm>> -> memref<1x4x32xi32, #tpu.memory_space<hbm>>
      %dma_start3A_210 = tpu.memref_squeeze %dma_start3A_209 : memref<1x4x32xi32, #tpu.memory_space<hbm>> -> memref<4x32xi32, #tpu.memory_space<hbm>>
      %dma_start3A_211 = arith.constant 0 : i32
      %dma_start3A_212 = arith.constant 0 : i32
      %dma_start3A_213 = tpu.memref_slice %arg4[%add3A, %dma_start3A_211, %dma_start3A_212] : memref<32x4x32xi32, #tpu.memory_space<hbm>> -> memref<1x4x32xi32, #tpu.memory_space<hbm>>
      %dma_start3A_214 = tpu.memref_squeeze %dma_start3A_213 : memref<1x4x32xi32, #tpu.memory_space<hbm>> -> memref<4x32xi32, #tpu.memory_space<hbm>>
      tpu.enqueue_dma source(%dma_start3A_214 : memref<4x32xi32, #tpu.memory_space<hbm>>) target(%arg8 : memref<4x32xi32, #tpu.memory_space<vmem>>) target_semaphore(%run_scoped3A : memref<!tpu.dma_semaphore, #tpu.memory_space<semaphore_mem>>)
      %dma_wait3A_215 = arith.constant 0 : i32
      %dma_wait3A_216 = arith.constant 0 : i32
      %dma_wait3A_217 = tpu.memref_slice %arg4[%add3A, %dma_wait3A_215, %dma_wait3A_216] : memref<32x4x32xi32, #tpu.memory_space<hbm>> -> memref<1x4x32xi32, #tpu.memory_space<hbm>>
      %dma_wait3A_218 = tpu.memref_squeeze %dma_wait3A_217 : memref<1x4x32xi32, #tpu.memory_space<hbm>> -> memref<4x32xi32, #tpu.memory_space<hbm>>
      %dma_wait3A_219 = arith.constant 0 : i32
      %dma_wait3A_220 = arith.constant 0 : i32
      %dma_wait3A_221 = tpu.memref_slice %arg4[%add3A, %dma_wait3A_219, %dma_wait3A_220] : memref<32x4x32xi32, #tpu.memory_space<hbm>> -> memref<1x4x32xi32, #tpu.memory_space<hbm>>
      %dma_wait3A_222 = tpu.memref_squeeze %dma_wait3A_221 : memref<1x4x32xi32, #tpu.memory_space<hbm>> -> memref<4x32xi32, #tpu.memory_space<hbm>>
      tpu.wait_dma2 semaphore(%run_scoped3A : memref<!tpu.dma_semaphore, #tpu.memory_space<semaphore_mem>>) src(%dma_wait3A_222 : memref<4x32xi32, #tpu.memory_space<hbm>>) dst(%arg8 : memref<4x32xi32, #tpu.memory_space<vmem>>)
      tpu.yield
    }) : () -> ()
    %dma_start3A = arith.constant 0 : i32
    %dma_start3A_1 = arith.constant 0 : i32
    %dma_start3A_2 = tpu.memref_slice %arg7[%dma_start3A, %dma_start3A_1] : memref<4x32xi32, #tpu.memory_space<vmem>> -> memref<1x32xi32, #tpu.memory_space<vmem>>
    %dma_start3A_3 = tpu.memref_squeeze %dma_start3A_2 : memref<1x32xi32, #tpu.memory_space<vmem>> -> memref<32xi32, #tpu.memory_space<vmem>>
    %dma_start3A_4 = arith.constant 0 : i32
    %dma_start3A_5 = arith.constant 0 : i32
    %dma_start3A_6 = tpu.memref_slice %arg2[%dma_start3A_4, %dma_start3A_5] : memref<12288x1024xf32, #tpu.memory_space<hbm>> -> memref<12288x1024xf32, #tpu.memory_space<hbm>>
    tpu.enqueue_indirect_dma source(%dma_start3A_6 : memref<12288x1024xf32, #tpu.memory_space<hbm>>) target(%arg9 : memref<32x1024xf32, #tpu.memory_space<vmem>>) offsets(%dma_start3A_3 : memref<32xi32, #tpu.memory_space<vmem>>) semaphore(%arg11 : memref<!tpu.dma_semaphore, #tpu.memory_space<semaphore_mem>>)
    %dma_start3A_7 = arith.constant 0 : i32
    %dma_start3A_8 = arith.constant 0 : i32
    %dma_start3A_9 = tpu.memref_slice %arg8[%dma_start3A_7, %dma_start3A_8] : memref<4x32xi32, #tpu.memory_space<vmem>> -> memref<1x32xi32, #tpu.memory_space<vmem>>
    %dma_start3A_10 = tpu.memref_squeeze %dma_start3A_9 : memref<1x32xi32, #tpu.memory_space<vmem>> -> memref<32xi32, #tpu.memory_space<vmem>>
    %dma_start3A_11 = arith.constant 0 : i32
    %dma_start3A_12 = arith.constant 0 : i32
    %dma_start3A_13 = tpu.memref_slice %arg2[%dma_start3A_11, %dma_start3A_12] : memref<12288x1024xf32, #tpu.memory_space<hbm>> -> memref<12288x1024xf32, #tpu.memory_space<hbm>>
    tpu.enqueue_indirect_dma source(%dma_start3A_13 : memref<12288x1024xf32, #tpu.memory_space<hbm>>) target(%arg10 : memref<32x1024xf32, #tpu.memory_space<vmem>>) offsets(%dma_start3A_10 : memref<32xi32, #tpu.memory_space<vmem>>) semaphore(%arg12 : memref<!tpu.dma_semaphore, #tpu.memory_space<semaphore_mem>>)
    %dma_wait3A = arith.constant 0 : i32
    %dma_wait3A_14 = arith.constant 0 : i32
    %dma_wait3A_15 = tpu.memref_slice %arg7[%dma_wait3A, %dma_wait3A_14] : memref<4x32xi32, #tpu.memory_space<vmem>> -> memref<1x32xi32, #tpu.memory_space<vmem>>
    %dma_wait3A_16 = tpu.memref_squeeze %dma_wait3A_15 : memref<1x32xi32, #tpu.memory_space<vmem>> -> memref<32xi32, #tpu.memory_space<vmem>>
    %dma_wait3A_17 = arith.constant 0 : i32
    %dma_wait3A_18 = arith.constant 0 : i32
    %dma_wait3A_19 = tpu.memref_slice %arg2[%dma_wait3A_17, %dma_wait3A_18] : memref<12288x1024xf32, #tpu.memory_space<hbm>> -> memref<12288x1024xf32, #tpu.memory_space<hbm>>
    tpu.wait_indirect_dma semaphore(%arg11 : memref<!tpu.dma_semaphore, #tpu.memory_space<semaphore_mem>>) src(%dma_wait3A_19 : memref<12288x1024xf32, #tpu.memory_space<hbm>>) dst(%arg9 : memref<32x1024xf32, #tpu.memory_space<vmem>>)
    %mul3A_20 = arith.constant 128 : i32
    %mul3A_21 = arith.muli %add3A, %mul3A_20 : i32
    %add3A_22 = arith.constant 0 : i32
    %add3A_23 = arith.addi %mul3A_21, %add3A_22 : i32
    %dma_start3A_24 = arith.constant 0 : i32
    %dma_start3A_25 = tpu.memref_slice %arg5[%add3A_23, %dma_start3A_24] : memref<4096x1024xf32, #tpu.memory_space<hbm>> -> memref<32x1024xf32, #tpu.memory_space<hbm>>
    %dma_start3A_26 = arith.constant 0 : i32
    %dma_start3A_27 = tpu.memref_slice %arg5[%add3A_23, %dma_start3A_26] : memref<4096x1024xf32, #tpu.memory_space<hbm>> -> memref<32x1024xf32, #tpu.memory_space<hbm>>
    tpu.enqueue_dma source(%arg9 : memref<32x1024xf32, #tpu.memory_space<vmem>>) target(%dma_start3A_27 : memref<32x1024xf32, #tpu.memory_space<hbm>>) target_semaphore(%arg13 : memref<!tpu.dma_semaphore, #tpu.memory_space<semaphore_mem>>)
    %dma_wait3A_28 = arith.constant 0 : i32
    %dma_wait3A_29 = tpu.memref_slice %arg5[%add3A_23, %dma_wait3A_28] : memref<4096x1024xf32, #tpu.memory_space<hbm>> -> memref<32x1024xf32, #tpu.memory_space<hbm>>
    %dma_wait3A_30 = arith.constant 0 : i32
    %dma_wait3A_31 = tpu.memref_slice %arg5[%add3A_23, %dma_wait3A_30] : memref<4096x1024xf32, #tpu.memory_space<hbm>> -> memref<32x1024xf32, #tpu.memory_space<hbm>>
    tpu.wait_dma2 semaphore(%arg13 : memref<!tpu.dma_semaphore, #tpu.memory_space<semaphore_mem>>) src(%arg9 : memref<32x1024xf32, #tpu.memory_space<vmem>>) dst(%dma_wait3A_31 : memref<32x1024xf32, #tpu.memory_space<hbm>>)
    %dma_start3A_32 = arith.constant 1 : i32
    %dma_start3A_33 = arith.constant 0 : i32
    %dma_start3A_34 = tpu.memref_slice %arg7[%dma_start3A_32, %dma_start3A_33] : memref<4x32xi32, #tpu.memory_space<vmem>> -> memref<1x32xi32, #tpu.memory_space<vmem>>
    %dma_start3A_35 = tpu.memref_squeeze %dma_start3A_34 : memref<1x32xi32, #tpu.memory_space<vmem>> -> memref<32xi32, #tpu.memory_space<vmem>>
    %dma_start3A_36 = arith.constant 0 : i32
    %dma_start3A_37 = arith.constant 0 : i32
    %dma_start3A_38 = tpu.memref_slice %arg2[%dma_start3A_36, %dma_start3A_37] : memref<12288x1024xf32, #tpu.memory_space<hbm>> -> memref<12288x1024xf32, #tpu.memory_space<hbm>>
    tpu.enqueue_indirect_dma source(%dma_start3A_38 : memref<12288x1024xf32, #tpu.memory_space<hbm>>) target(%arg9 : memref<32x1024xf32, #tpu.memory_space<vmem>>) offsets(%dma_start3A_35 : memref<32xi32, #tpu.memory_space<vmem>>) semaphore(%arg11 : memref<!tpu.dma_semaphore, #tpu.memory_space<semaphore_mem>>)
    %dma_wait3A_39 = arith.constant 0 : i32
    %dma_wait3A_40 = arith.constant 0 : i32
    %dma_wait3A_41 = tpu.memref_slice %arg8[%dma_wait3A_39, %dma_wait3A_40] : memref<4x32xi32, #tpu.memory_space<vmem>> -> memref<1x32xi32, #tpu.memory_space<vmem>>
    %dma_wait3A_42 = tpu.memref_squeeze %dma_wait3A_41 : memref<1x32xi32, #tpu.memory_space<vmem>> -> memref<32xi32, #tpu.memory_space<vmem>>
    %dma_wait3A_43 = arith.constant 0 : i32
    %dma_wait3A_44 = arith.constant 0 : i32
    %dma_wait3A_45 = tpu.memref_slice %arg2[%dma_wait3A_43, %dma_wait3A_44] : memref<12288x1024xf32, #tpu.memory_space<hbm>> -> memref<12288x1024xf32, #tpu.memory_space<hbm>>
    tpu.wait_indirect_dma semaphore(%arg12 : memref<!tpu.dma_semaphore, #tpu.memory_space<semaphore_mem>>) src(%dma_wait3A_45 : memref<12288x1024xf32, #tpu.memory_space<hbm>>) dst(%arg10 : memref<32x1024xf32, #tpu.memory_space<vmem>>)
    %mul3A_46 = arith.constant 128 : i32
    %mul3A_47 = arith.muli %add3A, %mul3A_46 : i32
    %add3A_48 = arith.constant 0 : i32
    %add3A_49 = arith.addi %mul3A_47, %add3A_48 : i32
    %dma_start3A_50 = arith.constant 0 : i32
    %dma_start3A_51 = tpu.memref_slice %arg6[%add3A_49, %dma_start3A_50] : memref<4096x1024xf32, #tpu.memory_space<hbm>> -> memref<32x1024xf32, #tpu.memory_space<hbm>>
    %dma_start3A_52 = arith.constant 0 : i32
    %dma_start3A_53 = tpu.memref_slice %arg6[%add3A_49, %dma_start3A_52] : memref<4096x1024xf32, #tpu.memory_space<hbm>> -> memref<32x1024xf32, #tpu.memory_space<hbm>>
    tpu.enqueue_dma source(%arg10 : memref<32x1024xf32, #tpu.memory_space<vmem>>) target(%dma_start3A_53 : memref<32x1024xf32, #tpu.memory_space<hbm>>) target_semaphore(%arg14 : memref<!tpu.dma_semaphore, #tpu.memory_space<semaphore_mem>>)
    %dma_wait3A_54 = arith.constant 0 : i32
    %dma_wait3A_55 = tpu.memref_slice %arg6[%add3A_49, %dma_wait3A_54] : memref<4096x1024xf32, #tpu.memory_space<hbm>> -> memref<32x1024xf32, #tpu.memory_space<hbm>>
    %dma_wait3A_56 = arith.constant 0 : i32
    %dma_wait3A_57 = tpu.memref_slice %arg6[%add3A_49, %dma_wait3A_56] : memref<4096x1024xf32, #tpu.memory_space<hbm>> -> memref<32x1024xf32, #tpu.memory_space<hbm>>
    tpu.wait_dma2 semaphore(%arg14 : memref<!tpu.dma_semaphore, #tpu.memory_space<semaphore_mem>>) src(%arg10 : memref<32x1024xf32, #tpu.memory_space<vmem>>) dst(%dma_wait3A_57 : memref<32x1024xf32, #tpu.memory_space<hbm>>)
    %dma_start3A_58 = arith.constant 1 : i32
    %dma_start3A_59 = arith.constant 0 : i32
    %dma_start3A_60 = tpu.memref_slice %arg8[%dma_start3A_58, %dma_start3A_59] : memref<4x32xi32, #tpu.memory_space<vmem>> -> memref<1x32xi32, #tpu.memory_space<vmem>>
    %dma_start3A_61 = tpu.memref_squeeze %dma_start3A_60 : memref<1x32xi32, #tpu.memory_space<vmem>> -> memref<32xi32, #tpu.memory_space<vmem>>
    %dma_start3A_62 = arith.constant 0 : i32
    %dma_start3A_63 = arith.constant 0 : i32
    %dma_start3A_64 = tpu.memref_slice %arg2[%dma_start3A_62, %dma_start3A_63] : memref<12288x1024xf32, #tpu.memory_space<hbm>> -> memref<12288x1024xf32, #tpu.memory_space<hbm>>
    tpu.enqueue_indirect_dma source(%dma_start3A_64 : memref<12288x1024xf32, #tpu.memory_space<hbm>>) target(%arg10 : memref<32x1024xf32, #tpu.memory_space<vmem>>) offsets(%dma_start3A_61 : memref<32xi32, #tpu.memory_space<vmem>>) semaphore(%arg12 : memref<!tpu.dma_semaphore, #tpu.memory_space<semaphore_mem>>)
    %dma_wait3A_65 = arith.constant 1 : i32
    %dma_wait3A_66 = arith.constant 0 : i32
    %dma_wait3A_67 = tpu.memref_slice %arg7[%dma_wait3A_65, %dma_wait3A_66] : memref<4x32xi32, #tpu.memory_space<vmem>> -> memref<1x32xi32, #tpu.memory_space<vmem>>
    %dma_wait3A_68 = tpu.memref_squeeze %dma_wait3A_67 : memref<1x32xi32, #tpu.memory_space<vmem>> -> memref<32xi32, #tpu.memory_space<vmem>>
    %dma_wait3A_69 = arith.constant 0 : i32
    %dma_wait3A_70 = arith.constant 0 : i32
    %dma_wait3A_71 = tpu.memref_slice %arg2[%dma_wait3A_69, %dma_wait3A_70] : memref<12288x1024xf32, #tpu.memory_space<hbm>> -> memref<12288x1024xf32, #tpu.memory_space<hbm>>
    tpu.wait_indirect_dma semaphore(%arg11 : memref<!tpu.dma_semaphore, #tpu.memory_space<semaphore_mem>>) src(%dma_wait3A_71 : memref<12288x1024xf32, #tpu.memory_space<hbm>>) dst(%arg9 : memref<32x1024xf32, #tpu.memory_space<vmem>>)
    %mul3A_72 = arith.constant 128 : i32
    %mul3A_73 = arith.muli %add3A, %mul3A_72 : i32
    %add3A_74 = arith.constant 32 : i32
    %add3A_75 = arith.addi %mul3A_73, %add3A_74 : i32
    %dma_start3A_76 = arith.constant 0 : i32
    %dma_start3A_77 = tpu.memref_slice %arg5[%add3A_75, %dma_start3A_76] : memref<4096x1024xf32, #tpu.memory_space<hbm>> -> memref<32x1024xf32, #tpu.memory_space<hbm>>
    %dma_start3A_78 = arith.constant 0 : i32
    %dma_start3A_79 = tpu.memref_slice %arg5[%add3A_75, %dma_start3A_78] : memref<4096x1024xf32, #tpu.memory_space<hbm>> -> memref<32x1024xf32, #tpu.memory_space<hbm>>
    tpu.enqueue_dma source(%arg9 : memref<32x1024xf32, #tpu.memory_space<vmem>>) target(%dma_start3A_79 : memref<32x1024xf32, #tpu.memory_space<hbm>>) target_semaphore(%arg13 : memref<!tpu.dma_semaphore, #tpu.memory_space<semaphore_mem>>)
    %dma_wait3A_80 = arith.constant 0 : i32
    %dma_wait3A_81 = tpu.memref_slice %arg5[%add3A_75, %dma_wait3A_80] : memref<4096x1024xf32, #tpu.memory_space<hbm>> -> memref<32x1024xf32, #tpu.memory_space<hbm>>
    %dma_wait3A_82 = arith.constant 0 : i32
    %dma_wait3A_83 = tpu.memref_slice %arg5[%add3A_75, %dma_wait3A_82] : memref<4096x1024xf32, #tpu.memory_space<hbm>> -> memref<32x1024xf32, #tpu.memory_space<hbm>>
    tpu.wait_dma2 semaphore(%arg13 : memref<!tpu.dma_semaphore, #tpu.memory_space<semaphore_mem>>) src(%arg9 : memref<32x1024xf32, #tpu.memory_space<vmem>>) dst(%dma_wait3A_83 : memref<32x1024xf32, #tpu.memory_space<hbm>>)
    %dma_start3A_84 = arith.constant 2 : i32
    %dma_start3A_85 = arith.constant 0 : i32
    %dma_start3A_86 = tpu.memref_slice %arg7[%dma_start3A_84, %dma_start3A_85] : memref<4x32xi32, #tpu.memory_space<vmem>> -> memref<1x32xi32, #tpu.memory_space<vmem>>
    %dma_start3A_87 = tpu.memref_squeeze %dma_start3A_86 : memref<1x32xi32, #tpu.memory_space<vmem>> -> memref<32xi32, #tpu.memory_space<vmem>>
    %dma_start3A_88 = arith.constant 0 : i32
    %dma_start3A_89 = arith.constant 0 : i32
    %dma_start3A_90 = tpu.memref_slice %arg2[%dma_start3A_88, %dma_start3A_89] : memref<12288x1024xf32, #tpu.memory_space<hbm>> -> memref<12288x1024xf32, #tpu.memory_space<hbm>>
    tpu.enqueue_indirect_dma source(%dma_start3A_90 : memref<12288x1024xf32, #tpu.memory_space<hbm>>) target(%arg9 : memref<32x1024xf32, #tpu.memory_space<vmem>>) offsets(%dma_start3A_87 : memref<32xi32, #tpu.memory_space<vmem>>) semaphore(%arg11 : memref<!tpu.dma_semaphore, #tpu.memory_space<semaphore_mem>>)
    %dma_wait3A_91 = arith.constant 1 : i32
    %dma_wait3A_92 = arith.constant 0 : i32
    %dma_wait3A_93 = tpu.memref_slice %arg8[%dma_wait3A_91, %dma_wait3A_92] : memref<4x32xi32, #tpu.memory_space<vmem>> -> memref<1x32xi32, #tpu.memory_space<vmem>>
    %dma_wait3A_94 = tpu.memref_squeeze %dma_wait3A_93 : memref<1x32xi32, #tpu.memory_space<vmem>> -> memref<32xi32, #tpu.memory_space<vmem>>
    %dma_wait3A_95 = arith.constant 0 : i32
    %dma_wait3A_96 = arith.constant 0 : i32
    %dma_wait3A_97 = tpu.memref_slice %arg2[%dma_wait3A_95, %dma_wait3A_96] : memref<12288x1024xf32, #tpu.memory_space<hbm>> -> memref<12288x1024xf32, #tpu.memory_space<hbm>>
    tpu.wait_indirect_dma semaphore(%arg12 : memref<!tpu.dma_semaphore, #tpu.memory_space<semaphore_mem>>) src(%dma_wait3A_97 : memref<12288x1024xf32, #tpu.memory_space<hbm>>) dst(%arg10 : memref<32x1024xf32, #tpu.memory_space<vmem>>)
    %mul3A_98 = arith.constant 128 : i32
    %mul3A_99 = arith.muli %add3A, %mul3A_98 : i32
    %add3A_100 = arith.constant 32 : i32
    %add3A_101 = arith.addi %mul3A_99, %add3A_100 : i32
    %dma_start3A_102 = arith.constant 0 : i32
    %dma_start3A_103 = tpu.memref_slice %arg6[%add3A_101, %dma_start3A_102] : memref<4096x1024xf32, #tpu.memory_space<hbm>> -> memref<32x1024xf32, #tpu.memory_space<hbm>>
    %dma_start3A_104 = arith.constant 0 : i32
    %dma_start3A_105 = tpu.memref_slice %arg6[%add3A_101, %dma_start3A_104] : memref<4096x1024xf32, #tpu.memory_space<hbm>> -> memref<32x1024xf32, #tpu.memory_space<hbm>>
    tpu.enqueue_dma source(%arg10 : memref<32x1024xf32, #tpu.memory_space<vmem>>) target(%dma_start3A_105 : memref<32x1024xf32, #tpu.memory_space<hbm>>) target_semaphore(%arg14 : memref<!tpu.dma_semaphore, #tpu.memory_space<semaphore_mem>>)
    %dma_wait3A_106 = arith.constant 0 : i32
    %dma_wait3A_107 = tpu.memref_slice %arg6[%add3A_101, %dma_wait3A_106] : memref<4096x1024xf32, #tpu.memory_space<hbm>> -> memref<32x1024xf32, #tpu.memory_space<hbm>>
    %dma_wait3A_108 = arith.constant 0 : i32
    %dma_wait3A_109 = tpu.memref_slice %arg6[%add3A_101, %dma_wait3A_108] : memref<4096x1024xf32, #tpu.memory_space<hbm>> -> memref<32x1024xf32, #tpu.memory_space<hbm>>
    tpu.wait_dma2 semaphore(%arg14 : memref<!tpu.dma_semaphore, #tpu.memory_space<semaphore_mem>>) src(%arg10 : memref<32x1024xf32, #tpu.memory_space<vmem>>) dst(%dma_wait3A_109 : memref<32x1024xf32, #tpu.memory_space<hbm>>)
    %dma_start3A_110 = arith.constant 2 : i32
    %dma_start3A_111 = arith.constant 0 : i32
    %dma_start3A_112 = tpu.memref_slice %arg8[%dma_start3A_110, %dma_start3A_111] : memref<4x32xi32, #tpu.memory_space<vmem>> -> memref<1x32xi32, #tpu.memory_space<vmem>>
    %dma_start3A_113 = tpu.memref_squeeze %dma_start3A_112 : memref<1x32xi32, #tpu.memory_space<vmem>> -> memref<32xi32, #tpu.memory_space<vmem>>
    %dma_start3A_114 = arith.constant 0 : i32
    %dma_start3A_115 = arith.constant 0 : i32
    %dma_start3A_116 = tpu.memref_slice %arg2[%dma_start3A_114, %dma_start3A_115] : memref<12288x1024xf32, #tpu.memory_space<hbm>> -> memref<12288x1024xf32, #tpu.memory_space<hbm>>
    tpu.enqueue_indirect_dma source(%dma_start3A_116 : memref<12288x1024xf32, #tpu.memory_space<hbm>>) target(%arg10 : memref<32x1024xf32, #tpu.memory_space<vmem>>) offsets(%dma_start3A_113 : memref<32xi32, #tpu.memory_space<vmem>>) semaphore(%arg12 : memref<!tpu.dma_semaphore, #tpu.memory_space<semaphore_mem>>)
    %dma_wait3A_117 = arith.constant 2 : i32
    %dma_wait3A_118 = arith.constant 0 : i32
    %dma_wait3A_119 = tpu.memref_slice %arg7[%dma_wait3A_117, %dma_wait3A_118] : memref<4x32xi32, #tpu.memory_space<vmem>> -> memref<1x32xi32, #tpu.memory_space<vmem>>
    %dma_wait3A_120 = tpu.memref_squeeze %dma_wait3A_119 : memref<1x32xi32, #tpu.memory_space<vmem>> -> memref<32xi32, #tpu.memory_space<vmem>>
    %dma_wait3A_121 = arith.constant 0 : i32
    %dma_wait3A_122 = arith.constant 0 : i32
    %dma_wait3A_123 = tpu.memref_slice %arg2[%dma_wait3A_121, %dma_wait3A_122] : memref<12288x1024xf32, #tpu.memory_space<hbm>> -> memref<12288x1024xf32, #tpu.memory_space<hbm>>
    tpu.wait_indirect_dma semaphore(%arg11 : memref<!tpu.dma_semaphore, #tpu.memory_space<semaphore_mem>>) src(%dma_wait3A_123 : memref<12288x1024xf32, #tpu.memory_space<hbm>>) dst(%arg9 : memref<32x1024xf32, #tpu.memory_space<vmem>>)
    %mul3A_124 = arith.constant 128 : i32
    %mul3A_125 = arith.muli %add3A, %mul3A_124 : i32
    %add3A_126 = arith.constant 64 : i32
    %add3A_127 = arith.addi %mul3A_125, %add3A_126 : i32
    %dma_start3A_128 = arith.constant 0 : i32
    %dma_start3A_129 = tpu.memref_slice %arg5[%add3A_127, %dma_start3A_128] : memref<4096x1024xf32, #tpu.memory_space<hbm>> -> memref<32x1024xf32, #tpu.memory_space<hbm>>
    %dma_start3A_130 = arith.constant 0 : i32
    %dma_start3A_131 = tpu.memref_slice %arg5[%add3A_127, %dma_start3A_130] : memref<4096x1024xf32, #tpu.memory_space<hbm>> -> memref<32x1024xf32, #tpu.memory_space<hbm>>
    tpu.enqueue_dma source(%arg9 : memref<32x1024xf32, #tpu.memory_space<vmem>>) target(%dma_start3A_131 : memref<32x1024xf32, #tpu.memory_space<hbm>>) target_semaphore(%arg13 : memref<!tpu.dma_semaphore, #tpu.memory_space<semaphore_mem>>)
    %dma_wait3A_132 = arith.constant 0 : i32
    %dma_wait3A_133 = tpu.memref_slice %arg5[%add3A_127, %dma_wait3A_132] : memref<4096x1024xf32, #tpu.memory_space<hbm>> -> memref<32x1024xf32, #tpu.memory_space<hbm>>
    %dma_wait3A_134 = arith.constant 0 : i32
    %dma_wait3A_135 = tpu.memref_slice %arg5[%add3A_127, %dma_wait3A_134] : memref<4096x1024xf32, #tpu.memory_space<hbm>> -> memref<32x1024xf32, #tpu.memory_space<hbm>>
    tpu.wait_dma2 semaphore(%arg13 : memref<!tpu.dma_semaphore, #tpu.memory_space<semaphore_mem>>) src(%arg9 : memref<32x1024xf32, #tpu.memory_space<vmem>>) dst(%dma_wait3A_135 : memref<32x1024xf32, #tpu.memory_space<hbm>>)
    %dma_start3A_136 = arith.constant 3 : i32
    %dma_start3A_137 = arith.constant 0 : i32
    %dma_start3A_138 = tpu.memref_slice %arg7[%dma_start3A_136, %dma_start3A_137] : memref<4x32xi32, #tpu.memory_space<vmem>> -> memref<1x32xi32, #tpu.memory_space<vmem>>
    %dma_start3A_139 = tpu.memref_squeeze %dma_start3A_138 : memref<1x32xi32, #tpu.memory_space<vmem>> -> memref<32xi32, #tpu.memory_space<vmem>>
    %dma_start3A_140 = arith.constant 0 : i32
    %dma_start3A_141 = arith.constant 0 : i32
    %dma_start3A_142 = tpu.memref_slice %arg2[%dma_start3A_140, %dma_start3A_141] : memref<12288x1024xf32, #tpu.memory_space<hbm>> -> memref<12288x1024xf32, #tpu.memory_space<hbm>>
    tpu.enqueue_indirect_dma source(%dma_start3A_142 : memref<12288x1024xf32, #tpu.memory_space<hbm>>) target(%arg9 : memref<32x1024xf32, #tpu.memory_space<vmem>>) offsets(%dma_start3A_139 : memref<32xi32, #tpu.memory_space<vmem>>) semaphore(%arg11 : memref<!tpu.dma_semaphore, #tpu.memory_space<semaphore_mem>>)
    %dma_wait3A_143 = arith.constant 2 : i32
    %dma_wait3A_144 = arith.constant 0 : i32
    %dma_wait3A_145 = tpu.memref_slice %arg8[%dma_wait3A_143, %dma_wait3A_144] : memref<4x32xi32, #tpu.memory_space<vmem>> -> memref<1x32xi32, #tpu.memory_space<vmem>>
    %dma_wait3A_146 = tpu.memref_squeeze %dma_wait3A_145 : memref<1x32xi32, #tpu.memory_space<vmem>> -> memref<32xi32, #tpu.memory_space<vmem>>
    %dma_wait3A_147 = arith.constant 0 : i32
    %dma_wait3A_148 = arith.constant 0 : i32
    %dma_wait3A_149 = tpu.memref_slice %arg2[%dma_wait3A_147, %dma_wait3A_148] : memref<12288x1024xf32, #tpu.memory_space<hbm>> -> memref<12288x1024xf32, #tpu.memory_space<hbm>>
    tpu.wait_indirect_dma semaphore(%arg12 : memref<!tpu.dma_semaphore, #tpu.memory_space<semaphore_mem>>) src(%dma_wait3A_149 : memref<12288x1024xf32, #tpu.memory_space<hbm>>) dst(%arg10 : memref<32x1024xf32, #tpu.memory_space<vmem>>)
    %mul3A_150 = arith.constant 128 : i32
    %mul3A_151 = arith.muli %add3A, %mul3A_150 : i32
    %add3A_152 = arith.constant 64 : i32
    %add3A_153 = arith.addi %mul3A_151, %add3A_152 : i32
    %dma_start3A_154 = arith.constant 0 : i32
    %dma_start3A_155 = tpu.memref_slice %arg6[%add3A_153, %dma_start3A_154] : memref<4096x1024xf32, #tpu.memory_space<hbm>> -> memref<32x1024xf32, #tpu.memory_space<hbm>>
    %dma_start3A_156 = arith.constant 0 : i32
    %dma_start3A_157 = tpu.memref_slice %arg6[%add3A_153, %dma_start3A_156] : memref<4096x1024xf32, #tpu.memory_space<hbm>> -> memref<32x1024xf32, #tpu.memory_space<hbm>>
    tpu.enqueue_dma source(%arg10 : memref<32x1024xf32, #tpu.memory_space<vmem>>) target(%dma_start3A_157 : memref<32x1024xf32, #tpu.memory_space<hbm>>) target_semaphore(%arg14 : memref<!tpu.dma_semaphore, #tpu.memory_space<semaphore_mem>>)
    %dma_wait3A_158 = arith.constant 0 : i32
    %dma_wait3A_159 = tpu.memref_slice %arg6[%add3A_153, %dma_wait3A_158] : memref<4096x1024xf32, #tpu.memory_space<hbm>> -> memref<32x1024xf32, #tpu.memory_space<hbm>>
    %dma_wait3A_160 = arith.constant 0 : i32
    %dma_wait3A_161 = tpu.memref_slice %arg6[%add3A_153, %dma_wait3A_160] : memref<4096x1024xf32, #tpu.memory_space<hbm>> -> memref<32x1024xf32, #tpu.memory_space<hbm>>
    tpu.wait_dma2 semaphore(%arg14 : memref<!tpu.dma_semaphore, #tpu.memory_space<semaphore_mem>>) src(%arg10 : memref<32x1024xf32, #tpu.memory_space<vmem>>) dst(%dma_wait3A_161 : memref<32x1024xf32, #tpu.memory_space<hbm>>)
    %dma_start3A_162 = arith.constant 3 : i32
    %dma_start3A_163 = arith.constant 0 : i32
    %dma_start3A_164 = tpu.memref_slice %arg8[%dma_start3A_162, %dma_start3A_163] : memref<4x32xi32, #tpu.memory_space<vmem>> -> memref<1x32xi32, #tpu.memory_space<vmem>>
    %dma_start3A_165 = tpu.memref_squeeze %dma_start3A_164 : memref<1x32xi32, #tpu.memory_space<vmem>> -> memref<32xi32, #tpu.memory_space<vmem>>
    %dma_start3A_166 = arith.constant 0 : i32
    %dma_start3A_167 = arith.constant 0 : i32
    %dma_start3A_168 = tpu.memref_slice %arg2[%dma_start3A_166, %dma_start3A_167] : memref<12288x1024xf32, #tpu.memory_space<hbm>> -> memref<12288x1024xf32, #tpu.memory_space<hbm>>
    tpu.enqueue_indirect_dma source(%dma_start3A_168 : memref<12288x1024xf32, #tpu.memory_space<hbm>>) target(%arg10 : memref<32x1024xf32, #tpu.memory_space<vmem>>) offsets(%dma_start3A_165 : memref<32xi32, #tpu.memory_space<vmem>>) semaphore(%arg12 : memref<!tpu.dma_semaphore, #tpu.memory_space<semaphore_mem>>)
    %dma_wait3A_169 = arith.constant 3 : i32
    %dma_wait3A_170 = arith.constant 0 : i32
    %dma_wait3A_171 = tpu.memref_slice %arg7[%dma_wait3A_169, %dma_wait3A_170] : memref<4x32xi32, #tpu.memory_space<vmem>> -> memref<1x32xi32, #tpu.memory_space<vmem>>
    %dma_wait3A_172 = tpu.memref_squeeze %dma_wait3A_171 : memref<1x32xi32, #tpu.memory_space<vmem>> -> memref<32xi32, #tpu.memory_space<vmem>>
    %dma_wait3A_173 = arith.constant 0 : i32
    %dma_wait3A_174 = arith.constant 0 : i32
    %dma_wait3A_175 = tpu.memref_slice %arg2[%dma_wait3A_173, %dma_wait3A_174] : memref<12288x1024xf32, #tpu.memory_space<hbm>> -> memref<12288x1024xf32, #tpu.memory_space<hbm>>
    tpu.wait_indirect_dma semaphore(%arg11 : memref<!tpu.dma_semaphore, #tpu.memory_space<semaphore_mem>>) src(%dma_wait3A_175 : memref<12288x1024xf32, #tpu.memory_space<hbm>>) dst(%arg9 : memref<32x1024xf32, #tpu.memory_space<vmem>>)
    %mul3A_176 = arith.constant 128 : i32
    %mul3A_177 = arith.muli %add3A, %mul3A_176 : i32
    %add3A_178 = arith.constant 96 : i32
    %add3A_179 = arith.addi %mul3A_177, %add3A_178 : i32
    %dma_start3A_180 = arith.constant 0 : i32
    %dma_start3A_181 = tpu.memref_slice %arg5[%add3A_179, %dma_start3A_180] : memref<4096x1024xf32, #tpu.memory_space<hbm>> -> memref<32x1024xf32, #tpu.memory_space<hbm>>
    %dma_start3A_182 = arith.constant 0 : i32
    %dma_start3A_183 = tpu.memref_slice %arg5[%add3A_179, %dma_start3A_182] : memref<4096x1024xf32, #tpu.memory_space<hbm>> -> memref<32x1024xf32, #tpu.memory_space<hbm>>
    tpu.enqueue_dma source(%arg9 : memref<32x1024xf32, #tpu.memory_space<vmem>>) target(%dma_start3A_183 : memref<32x1024xf32, #tpu.memory_space<hbm>>) target_semaphore(%arg13 : memref<!tpu.dma_semaphore, #tpu.memory_space<semaphore_mem>>)
    %dma_wait3A_184 = arith.constant 3 : i32
    %dma_wait3A_185 = arith.constant 0 : i32
    %dma_wait3A_186 = tpu.memref_slice %arg8[%dma_wait3A_184, %dma_wait3A_185] : memref<4x32xi32, #tpu.memory_space<vmem>> -> memref<1x32xi32, #tpu.memory_space<vmem>>
    %dma_wait3A_187 = tpu.memref_squeeze %dma_wait3A_186 : memref<1x32xi32, #tpu.memory_space<vmem>> -> memref<32xi32, #tpu.memory_space<vmem>>
    %dma_wait3A_188 = arith.constant 0 : i32
    %dma_wait3A_189 = arith.constant 0 : i32
    %dma_wait3A_190 = tpu.memref_slice %arg2[%dma_wait3A_188, %dma_wait3A_189] : memref<12288x1024xf32, #tpu.memory_space<hbm>> -> memref<12288x1024xf32, #tpu.memory_space<hbm>>
    tpu.wait_indirect_dma semaphore(%arg12 : memref<!tpu.dma_semaphore, #tpu.memory_space<semaphore_mem>>) src(%dma_wait3A_190 : memref<12288x1024xf32, #tpu.memory_space<hbm>>) dst(%arg10 : memref<32x1024xf32, #tpu.memory_space<vmem>>)
    %mul3A_191 = arith.constant 128 : i32
    %mul3A_192 = arith.muli %add3A, %mul3A_191 : i32
    %add3A_193 = arith.constant 96 : i32
    %add3A_194 = arith.addi %mul3A_192, %add3A_193 : i32
    %dma_start3A_195 = arith.constant 0 : i32
    %dma_start3A_196 = tpu.memref_slice %arg6[%add3A_194, %dma_start3A_195] : memref<4096x1024xf32, #tpu.memory_space<hbm>> -> memref<32x1024xf32, #tpu.memory_space<hbm>>
    %dma_start3A_197 = arith.constant 0 : i32
    %dma_start3A_198 = tpu.memref_slice %arg6[%add3A_194, %dma_start3A_197] : memref<4096x1024xf32, #tpu.memory_space<hbm>> -> memref<32x1024xf32, #tpu.memory_space<hbm>>
    tpu.enqueue_dma source(%arg10 : memref<32x1024xf32, #tpu.memory_space<vmem>>) target(%dma_start3A_198 : memref<32x1024xf32, #tpu.memory_space<hbm>>) target_semaphore(%arg14 : memref<!tpu.dma_semaphore, #tpu.memory_space<semaphore_mem>>)
    %dma_wait3A_199 = arith.constant 0 : i32
    %dma_wait3A_200 = tpu.memref_slice %arg5[%add3A_179, %dma_wait3A_199] : memref<4096x1024xf32, #tpu.memory_space<hbm>> -> memref<32x1024xf32, #tpu.memory_space<hbm>>
    %dma_wait3A_201 = arith.constant 0 : i32
    %dma_wait3A_202 = tpu.memref_slice %arg5[%add3A_179, %dma_wait3A_201] : memref<4096x1024xf32, #tpu.memory_space<hbm>> -> memref<32x1024xf32, #tpu.memory_space<hbm>>
    tpu.wait_dma2 semaphore(%arg13 : memref<!tpu.dma_semaphore, #tpu.memory_space<semaphore_mem>>) src(%arg9 : memref<32x1024xf32, #tpu.memory_space<vmem>>) dst(%dma_wait3A_202 : memref<32x1024xf32, #tpu.memory_space<hbm>>)
    %dma_wait3A_203 = arith.constant 0 : i32
    %dma_wait3A_204 = tpu.memref_slice %arg6[%add3A_194, %dma_wait3A_203] : memref<4096x1024xf32, #tpu.memory_space<hbm>> -> memref<32x1024xf32, #tpu.memory_space<hbm>>
    %dma_wait3A_205 = arith.constant 0 : i32
    %dma_wait3A_206 = tpu.memref_slice %arg6[%add3A_194, %dma_wait3A_205] : memref<4096x1024xf32, #tpu.memory_space<hbm>> -> memref<32x1024xf32, #tpu.memory_space<hbm>>
    tpu.wait_dma2 semaphore(%arg14 : memref<!tpu.dma_semaphore, #tpu.memory_space<semaphore_mem>>) src(%arg10 : memref<32x1024xf32, #tpu.memory_space<vmem>>) dst(%dma_wait3A_206 : memref<32x1024xf32, #tpu.memory_space<hbm>>)
    return
  }
}

#map = affine_map<(d0, d1) -> (0, 0)>
#map1 = affine_map<(d0, d1) -> (0, 0, 0)>
module attributes {stable_mosaic.version = 14 : i64} {
  func.func @run(%arg0: i32, %arg1: i32, %arg2: memref<4096x1024xf32, #tpu.memory_space<hbm>>, %arg3: memref<32x4x32xi32, #tpu.memory_space<hbm>>, %arg4: memref<32x4x32xi32, #tpu.memory_space<hbm>>, %arg5: memref<12288x1024xf32, #tpu.memory_space<hbm>>, %arg6: memref<4x32xi32, #tpu.memory_space<vmem>>, %arg7: memref<4x32xi32, #tpu.memory_space<vmem>>, %arg8: memref<32x1024xf32, #tpu.memory_space<vmem>>, %arg9: memref<32x1024xf32, #tpu.memory_space<vmem>>, %arg10: memref<!tpu.dma_semaphore, #tpu.memory_space<semaphore_mem>>, %arg11: memref<!tpu.dma_semaphore, #tpu.memory_space<semaphore_mem>>, %arg12: memref<!tpu.dma_semaphore, #tpu.memory_space<semaphore_mem>>, %arg13: memref<!tpu.dma_semaphore, #tpu.memory_space<semaphore_mem>>) attributes {dimension_semantics = [#tpu.dimension_semantics<core_parallel>, #tpu.dimension_semantics<subcore_parallel>], iteration_bounds = array<i64: 2, 16>, scalar_prefetch = 0 : i64, scratch_operands = 8 : i64, tpu.core_type = #tpu.core_type<sc_vector_subcore>, window_params = [{transform_indices = #map}, {transform_indices = #map1}, {transform_indices = #map1}, {transform_indices = #map}]} {
    %mul3A = arith.constant 2 : i32
    %mul3A_0 = arith.muli %arg1, %mul3A : i32
    %add3A = arith.addi %mul3A_0, %arg0 : i32
    "tpu.region"() ({
      %run_scoped3A = tpu.sem_alloc : memref<!tpu.dma_semaphore, #tpu.memory_space<semaphore_mem>>
      %dma_start3A_159 = arith.constant 0 : i32
      %dma_start3A_160 = arith.constant 0 : i32
      %dma_start3A_161 = tpu.memref_slice %arg3[%add3A, %dma_start3A_159, %dma_start3A_160] : memref<32x4x32xi32, #tpu.memory_space<hbm>> -> memref<1x4x32xi32, #tpu.memory_space<hbm>>
      %dma_start3A_162 = tpu.memref_squeeze %dma_start3A_161 : memref<1x4x32xi32, #tpu.memory_space<hbm>> -> memref<4x32xi32, #tpu.memory_space<hbm>>
      %dma_start3A_163 = arith.constant 0 : i32
      %dma_start3A_164 = arith.constant 0 : i32
      %dma_start3A_165 = tpu.memref_slice %arg3[%add3A, %dma_start3A_163, %dma_start3A_164] : memref<32x4x32xi32, #tpu.memory_space<hbm>> -> memref<1x4x32xi32, #tpu.memory_space<hbm>>
      %dma_start3A_166 = tpu.memref_squeeze %dma_start3A_165 : memref<1x4x32xi32, #tpu.memory_space<hbm>> -> memref<4x32xi32, #tpu.memory_space<hbm>>
      tpu.enqueue_dma source(%dma_start3A_166 : memref<4x32xi32, #tpu.memory_space<hbm>>) target(%arg6 : memref<4x32xi32, #tpu.memory_space<vmem>>) target_semaphore(%run_scoped3A : memref<!tpu.dma_semaphore, #tpu.memory_space<semaphore_mem>>)
      %dma_wait3A_167 = arith.constant 0 : i32
      %dma_wait3A_168 = arith.constant 0 : i32
      %dma_wait3A_169 = tpu.memref_slice %arg3[%add3A, %dma_wait3A_167, %dma_wait3A_168] : memref<32x4x32xi32, #tpu.memory_space<hbm>> -> memref<1x4x32xi32, #tpu.memory_space<hbm>>
      %dma_wait3A_170 = tpu.memref_squeeze %dma_wait3A_169 : memref<1x4x32xi32, #tpu.memory_space<hbm>> -> memref<4x32xi32, #tpu.memory_space<hbm>>
      %dma_wait3A_171 = arith.constant 0 : i32
      %dma_wait3A_172 = arith.constant 0 : i32
      %dma_wait3A_173 = tpu.memref_slice %arg3[%add3A, %dma_wait3A_171, %dma_wait3A_172] : memref<32x4x32xi32, #tpu.memory_space<hbm>> -> memref<1x4x32xi32, #tpu.memory_space<hbm>>
      %dma_wait3A_174 = tpu.memref_squeeze %dma_wait3A_173 : memref<1x4x32xi32, #tpu.memory_space<hbm>> -> memref<4x32xi32, #tpu.memory_space<hbm>>
      tpu.wait_dma2 semaphore(%run_scoped3A : memref<!tpu.dma_semaphore, #tpu.memory_space<semaphore_mem>>) src(%dma_wait3A_174 : memref<4x32xi32, #tpu.memory_space<hbm>>) dst(%arg6 : memref<4x32xi32, #tpu.memory_space<vmem>>)
      tpu.yield
    }) : () -> ()
    "tpu.region"() ({
      %run_scoped3A = tpu.sem_alloc : memref<!tpu.dma_semaphore, #tpu.memory_space<semaphore_mem>>
      %dma_start3A_159 = arith.constant 0 : i32
      %dma_start3A_160 = arith.constant 0 : i32
      %dma_start3A_161 = tpu.memref_slice %arg4[%add3A, %dma_start3A_159, %dma_start3A_160] : memref<32x4x32xi32, #tpu.memory_space<hbm>> -> memref<1x4x32xi32, #tpu.memory_space<hbm>>
      %dma_start3A_162 = tpu.memref_squeeze %dma_start3A_161 : memref<1x4x32xi32, #tpu.memory_space<hbm>> -> memref<4x32xi32, #tpu.memory_space<hbm>>
      %dma_start3A_163 = arith.constant 0 : i32
      %dma_start3A_164 = arith.constant 0 : i32
      %dma_start3A_165 = tpu.memref_slice %arg4[%add3A, %dma_start3A_163, %dma_start3A_164] : memref<32x4x32xi32, #tpu.memory_space<hbm>> -> memref<1x4x32xi32, #tpu.memory_space<hbm>>
      %dma_start3A_166 = tpu.memref_squeeze %dma_start3A_165 : memref<1x4x32xi32, #tpu.memory_space<hbm>> -> memref<4x32xi32, #tpu.memory_space<hbm>>
      tpu.enqueue_dma source(%dma_start3A_166 : memref<4x32xi32, #tpu.memory_space<hbm>>) target(%arg7 : memref<4x32xi32, #tpu.memory_space<vmem>>) target_semaphore(%run_scoped3A : memref<!tpu.dma_semaphore, #tpu.memory_space<semaphore_mem>>)
      %dma_wait3A_167 = arith.constant 0 : i32
      %dma_wait3A_168 = arith.constant 0 : i32
      %dma_wait3A_169 = tpu.memref_slice %arg4[%add3A, %dma_wait3A_167, %dma_wait3A_168] : memref<32x4x32xi32, #tpu.memory_space<hbm>> -> memref<1x4x32xi32, #tpu.memory_space<hbm>>
      %dma_wait3A_170 = tpu.memref_squeeze %dma_wait3A_169 : memref<1x4x32xi32, #tpu.memory_space<hbm>> -> memref<4x32xi32, #tpu.memory_space<hbm>>
      %dma_wait3A_171 = arith.constant 0 : i32
      %dma_wait3A_172 = arith.constant 0 : i32
      %dma_wait3A_173 = tpu.memref_slice %arg4[%add3A, %dma_wait3A_171, %dma_wait3A_172] : memref<32x4x32xi32, #tpu.memory_space<hbm>> -> memref<1x4x32xi32, #tpu.memory_space<hbm>>
      %dma_wait3A_174 = tpu.memref_squeeze %dma_wait3A_173 : memref<1x4x32xi32, #tpu.memory_space<hbm>> -> memref<4x32xi32, #tpu.memory_space<hbm>>
      tpu.wait_dma2 semaphore(%run_scoped3A : memref<!tpu.dma_semaphore, #tpu.memory_space<semaphore_mem>>) src(%dma_wait3A_174 : memref<4x32xi32, #tpu.memory_space<hbm>>) dst(%arg7 : memref<4x32xi32, #tpu.memory_space<vmem>>)
      tpu.yield
    }) : () -> ()
    %mul3A_1 = arith.constant 128 : i32
    %mul3A_2 = arith.muli %add3A, %mul3A_1 : i32
    %add3A_3 = arith.constant 0 : i32
    %add3A_4 = arith.addi %mul3A_2, %add3A_3 : i32
    %dma_start3A = arith.constant 0 : i32
    %dma_start3A_5 = tpu.memref_slice %arg2[%add3A_4, %dma_start3A] : memref<4096x1024xf32, #tpu.memory_space<hbm>> -> memref<32x1024xf32, #tpu.memory_space<hbm>>
    %dma_start3A_6 = arith.constant 0 : i32
    %dma_start3A_7 = tpu.memref_slice %arg2[%add3A_4, %dma_start3A_6] : memref<4096x1024xf32, #tpu.memory_space<hbm>> -> memref<32x1024xf32, #tpu.memory_space<hbm>>
    tpu.enqueue_dma source(%dma_start3A_7 : memref<32x1024xf32, #tpu.memory_space<hbm>>) target(%arg8 : memref<32x1024xf32, #tpu.memory_space<vmem>>) target_semaphore(%arg10 : memref<!tpu.dma_semaphore, #tpu.memory_space<semaphore_mem>>)
    %mul3A_8 = arith.constant 128 : i32
    %mul3A_9 = arith.muli %add3A, %mul3A_8 : i32
    %add3A_10 = arith.constant 32 : i32
    %add3A_11 = arith.addi %mul3A_9, %add3A_10 : i32
    %dma_start3A_12 = arith.constant 0 : i32
    %dma_start3A_13 = tpu.memref_slice %arg2[%add3A_11, %dma_start3A_12] : memref<4096x1024xf32, #tpu.memory_space<hbm>> -> memref<32x1024xf32, #tpu.memory_space<hbm>>
    %dma_start3A_14 = arith.constant 0 : i32
    %dma_start3A_15 = tpu.memref_slice %arg2[%add3A_11, %dma_start3A_14] : memref<4096x1024xf32, #tpu.memory_space<hbm>> -> memref<32x1024xf32, #tpu.memory_space<hbm>>
    tpu.enqueue_dma source(%dma_start3A_15 : memref<32x1024xf32, #tpu.memory_space<hbm>>) target(%arg9 : memref<32x1024xf32, #tpu.memory_space<vmem>>) target_semaphore(%arg11 : memref<!tpu.dma_semaphore, #tpu.memory_space<semaphore_mem>>)
    %dma_wait3A = arith.constant 0 : i32
    %dma_wait3A_16 = tpu.memref_slice %arg2[%add3A_4, %dma_wait3A] : memref<4096x1024xf32, #tpu.memory_space<hbm>> -> memref<32x1024xf32, #tpu.memory_space<hbm>>
    %dma_wait3A_17 = arith.constant 0 : i32
    %dma_wait3A_18 = tpu.memref_slice %arg2[%add3A_4, %dma_wait3A_17] : memref<4096x1024xf32, #tpu.memory_space<hbm>> -> memref<32x1024xf32, #tpu.memory_space<hbm>>
    tpu.wait_dma2 semaphore(%arg10 : memref<!tpu.dma_semaphore, #tpu.memory_space<semaphore_mem>>) src(%dma_wait3A_18 : memref<32x1024xf32, #tpu.memory_space<hbm>>) dst(%arg8 : memref<32x1024xf32, #tpu.memory_space<vmem>>)
    %dma_start3A_19 = arith.constant 0 : i32
    %dma_start3A_20 = arith.constant 0 : i32
    %dma_start3A_21 = tpu.memref_slice %arg6[%dma_start3A_19, %dma_start3A_20] : memref<4x32xi32, #tpu.memory_space<vmem>> -> memref<1x32xi32, #tpu.memory_space<vmem>>
    %dma_start3A_22 = tpu.memref_squeeze %dma_start3A_21 : memref<1x32xi32, #tpu.memory_space<vmem>> -> memref<32xi32, #tpu.memory_space<vmem>>
    %dma_start3A_23 = arith.constant 0 : i32
    %dma_start3A_24 = arith.constant 0 : i32
    %dma_start3A_25 = tpu.memref_slice %arg5[%dma_start3A_23, %dma_start3A_24] : memref<12288x1024xf32, #tpu.memory_space<hbm>> -> memref<12288x1024xf32, #tpu.memory_space<hbm>>
    tpu.enqueue_indirect_dma source(%arg8 : memref<32x1024xf32, #tpu.memory_space<vmem>>) target(%dma_start3A_25 : memref<12288x1024xf32, #tpu.memory_space<hbm>>) offsets(%dma_start3A_22 : memref<32xi32, #tpu.memory_space<vmem>>) semaphore(%arg12 : memref<!tpu.dma_semaphore, #tpu.memory_space<semaphore_mem>>)
    %dma_start3A_26 = arith.constant 0 : i32
    %dma_start3A_27 = arith.constant 0 : i32
    %dma_start3A_28 = tpu.memref_slice %arg7[%dma_start3A_26, %dma_start3A_27] : memref<4x32xi32, #tpu.memory_space<vmem>> -> memref<1x32xi32, #tpu.memory_space<vmem>>
    %dma_start3A_29 = tpu.memref_squeeze %dma_start3A_28 : memref<1x32xi32, #tpu.memory_space<vmem>> -> memref<32xi32, #tpu.memory_space<vmem>>
    %dma_start3A_30 = arith.constant 0 : i32
    %dma_start3A_31 = arith.constant 0 : i32
    %dma_start3A_32 = tpu.memref_slice %arg5[%dma_start3A_30, %dma_start3A_31] : memref<12288x1024xf32, #tpu.memory_space<hbm>> -> memref<12288x1024xf32, #tpu.memory_space<hbm>>
    tpu.enqueue_indirect_dma source(%arg8 : memref<32x1024xf32, #tpu.memory_space<vmem>>) target(%dma_start3A_32 : memref<12288x1024xf32, #tpu.memory_space<hbm>>) offsets(%dma_start3A_29 : memref<32xi32, #tpu.memory_space<vmem>>) semaphore(%arg12 : memref<!tpu.dma_semaphore, #tpu.memory_space<semaphore_mem>>)
    %dma_wait3A_33 = arith.constant 0 : i32
    %dma_wait3A_34 = arith.constant 0 : i32
    %dma_wait3A_35 = tpu.memref_slice %arg6[%dma_wait3A_33, %dma_wait3A_34] : memref<4x32xi32, #tpu.memory_space<vmem>> -> memref<1x32xi32, #tpu.memory_space<vmem>>
    %dma_wait3A_36 = tpu.memref_squeeze %dma_wait3A_35 : memref<1x32xi32, #tpu.memory_space<vmem>> -> memref<32xi32, #tpu.memory_space<vmem>>
    %dma_wait3A_37 = arith.constant 0 : i32
    %dma_wait3A_38 = arith.constant 0 : i32
    %dma_wait3A_39 = tpu.memref_slice %arg5[%dma_wait3A_37, %dma_wait3A_38] : memref<12288x1024xf32, #tpu.memory_space<hbm>> -> memref<12288x1024xf32, #tpu.memory_space<hbm>>
    tpu.wait_indirect_dma semaphore(%arg12 : memref<!tpu.dma_semaphore, #tpu.memory_space<semaphore_mem>>) src(%arg8 : memref<32x1024xf32, #tpu.memory_space<vmem>>) dst(%dma_wait3A_39 : memref<12288x1024xf32, #tpu.memory_space<hbm>>)
    %dma_wait3A_40 = arith.constant 0 : i32
    %dma_wait3A_41 = arith.constant 0 : i32
    %dma_wait3A_42 = tpu.memref_slice %arg7[%dma_wait3A_40, %dma_wait3A_41] : memref<4x32xi32, #tpu.memory_space<vmem>> -> memref<1x32xi32, #tpu.memory_space<vmem>>
    %dma_wait3A_43 = tpu.memref_squeeze %dma_wait3A_42 : memref<1x32xi32, #tpu.memory_space<vmem>> -> memref<32xi32, #tpu.memory_space<vmem>>
    %dma_wait3A_44 = arith.constant 0 : i32
    %dma_wait3A_45 = arith.constant 0 : i32
    %dma_wait3A_46 = tpu.memref_slice %arg5[%dma_wait3A_44, %dma_wait3A_45] : memref<12288x1024xf32, #tpu.memory_space<hbm>> -> memref<12288x1024xf32, #tpu.memory_space<hbm>>
    tpu.wait_indirect_dma semaphore(%arg12 : memref<!tpu.dma_semaphore, #tpu.memory_space<semaphore_mem>>) src(%arg8 : memref<32x1024xf32, #tpu.memory_space<vmem>>) dst(%dma_wait3A_46 : memref<12288x1024xf32, #tpu.memory_space<hbm>>)
    %mul3A_47 = arith.constant 128 : i32
    %mul3A_48 = arith.muli %add3A, %mul3A_47 : i32
    %add3A_49 = arith.constant 64 : i32
    %add3A_50 = arith.addi %mul3A_48, %add3A_49 : i32
    %dma_start3A_51 = arith.constant 0 : i32
    %dma_start3A_52 = tpu.memref_slice %arg2[%add3A_50, %dma_start3A_51] : memref<4096x1024xf32, #tpu.memory_space<hbm>> -> memref<32x1024xf32, #tpu.memory_space<hbm>>
    %dma_start3A_53 = arith.constant 0 : i32
    %dma_start3A_54 = tpu.memref_slice %arg2[%add3A_50, %dma_start3A_53] : memref<4096x1024xf32, #tpu.memory_space<hbm>> -> memref<32x1024xf32, #tpu.memory_space<hbm>>
    tpu.enqueue_dma source(%dma_start3A_54 : memref<32x1024xf32, #tpu.memory_space<hbm>>) target(%arg8 : memref<32x1024xf32, #tpu.memory_space<vmem>>) target_semaphore(%arg10 : memref<!tpu.dma_semaphore, #tpu.memory_space<semaphore_mem>>)
    %dma_wait3A_55 = arith.constant 0 : i32
    %dma_wait3A_56 = tpu.memref_slice %arg2[%add3A_11, %dma_wait3A_55] : memref<4096x1024xf32, #tpu.memory_space<hbm>> -> memref<32x1024xf32, #tpu.memory_space<hbm>>
    %dma_wait3A_57 = arith.constant 0 : i32
    %dma_wait3A_58 = tpu.memref_slice %arg2[%add3A_11, %dma_wait3A_57] : memref<4096x1024xf32, #tpu.memory_space<hbm>> -> memref<32x1024xf32, #tpu.memory_space<hbm>>
    tpu.wait_dma2 semaphore(%arg11 : memref<!tpu.dma_semaphore, #tpu.memory_space<semaphore_mem>>) src(%dma_wait3A_58 : memref<32x1024xf32, #tpu.memory_space<hbm>>) dst(%arg9 : memref<32x1024xf32, #tpu.memory_space<vmem>>)
    %dma_start3A_59 = arith.constant 1 : i32
    %dma_start3A_60 = arith.constant 0 : i32
    %dma_start3A_61 = tpu.memref_slice %arg6[%dma_start3A_59, %dma_start3A_60] : memref<4x32xi32, #tpu.memory_space<vmem>> -> memref<1x32xi32, #tpu.memory_space<vmem>>
    %dma_start3A_62 = tpu.memref_squeeze %dma_start3A_61 : memref<1x32xi32, #tpu.memory_space<vmem>> -> memref<32xi32, #tpu.memory_space<vmem>>
    %dma_start3A_63 = arith.constant 0 : i32
    %dma_start3A_64 = arith.constant 0 : i32
    %dma_start3A_65 = tpu.memref_slice %arg5[%dma_start3A_63, %dma_start3A_64] : memref<12288x1024xf32, #tpu.memory_space<hbm>> -> memref<12288x1024xf32, #tpu.memory_space<hbm>>
    tpu.enqueue_indirect_dma source(%arg9 : memref<32x1024xf32, #tpu.memory_space<vmem>>) target(%dma_start3A_65 : memref<12288x1024xf32, #tpu.memory_space<hbm>>) offsets(%dma_start3A_62 : memref<32xi32, #tpu.memory_space<vmem>>) semaphore(%arg13 : memref<!tpu.dma_semaphore, #tpu.memory_space<semaphore_mem>>)
    %dma_start3A_66 = arith.constant 1 : i32
    %dma_start3A_67 = arith.constant 0 : i32
    %dma_start3A_68 = tpu.memref_slice %arg7[%dma_start3A_66, %dma_start3A_67] : memref<4x32xi32, #tpu.memory_space<vmem>> -> memref<1x32xi32, #tpu.memory_space<vmem>>
    %dma_start3A_69 = tpu.memref_squeeze %dma_start3A_68 : memref<1x32xi32, #tpu.memory_space<vmem>> -> memref<32xi32, #tpu.memory_space<vmem>>
    %dma_start3A_70 = arith.constant 0 : i32
    %dma_start3A_71 = arith.constant 0 : i32
    %dma_start3A_72 = tpu.memref_slice %arg5[%dma_start3A_70, %dma_start3A_71] : memref<12288x1024xf32, #tpu.memory_space<hbm>> -> memref<12288x1024xf32, #tpu.memory_space<hbm>>
    tpu.enqueue_indirect_dma source(%arg9 : memref<32x1024xf32, #tpu.memory_space<vmem>>) target(%dma_start3A_72 : memref<12288x1024xf32, #tpu.memory_space<hbm>>) offsets(%dma_start3A_69 : memref<32xi32, #tpu.memory_space<vmem>>) semaphore(%arg13 : memref<!tpu.dma_semaphore, #tpu.memory_space<semaphore_mem>>)
    %dma_wait3A_73 = arith.constant 1 : i32
    %dma_wait3A_74 = arith.constant 0 : i32
    %dma_wait3A_75 = tpu.memref_slice %arg6[%dma_wait3A_73, %dma_wait3A_74] : memref<4x32xi32, #tpu.memory_space<vmem>> -> memref<1x32xi32, #tpu.memory_space<vmem>>
    %dma_wait3A_76 = tpu.memref_squeeze %dma_wait3A_75 : memref<1x32xi32, #tpu.memory_space<vmem>> -> memref<32xi32, #tpu.memory_space<vmem>>
    %dma_wait3A_77 = arith.constant 0 : i32
    %dma_wait3A_78 = arith.constant 0 : i32
    %dma_wait3A_79 = tpu.memref_slice %arg5[%dma_wait3A_77, %dma_wait3A_78] : memref<12288x1024xf32, #tpu.memory_space<hbm>> -> memref<12288x1024xf32, #tpu.memory_space<hbm>>
    tpu.wait_indirect_dma semaphore(%arg13 : memref<!tpu.dma_semaphore, #tpu.memory_space<semaphore_mem>>) src(%arg9 : memref<32x1024xf32, #tpu.memory_space<vmem>>) dst(%dma_wait3A_79 : memref<12288x1024xf32, #tpu.memory_space<hbm>>)
    %dma_wait3A_80 = arith.constant 1 : i32
    %dma_wait3A_81 = arith.constant 0 : i32
    %dma_wait3A_82 = tpu.memref_slice %arg7[%dma_wait3A_80, %dma_wait3A_81] : memref<4x32xi32, #tpu.memory_space<vmem>> -> memref<1x32xi32, #tpu.memory_space<vmem>>
    %dma_wait3A_83 = tpu.memref_squeeze %dma_wait3A_82 : memref<1x32xi32, #tpu.memory_space<vmem>> -> memref<32xi32, #tpu.memory_space<vmem>>
    %dma_wait3A_84 = arith.constant 0 : i32
    %dma_wait3A_85 = arith.constant 0 : i32
    %dma_wait3A_86 = tpu.memref_slice %arg5[%dma_wait3A_84, %dma_wait3A_85] : memref<12288x1024xf32, #tpu.memory_space<hbm>> -> memref<12288x1024xf32, #tpu.memory_space<hbm>>
    tpu.wait_indirect_dma semaphore(%arg13 : memref<!tpu.dma_semaphore, #tpu.memory_space<semaphore_mem>>) src(%arg9 : memref<32x1024xf32, #tpu.memory_space<vmem>>) dst(%dma_wait3A_86 : memref<12288x1024xf32, #tpu.memory_space<hbm>>)
    %mul3A_87 = arith.constant 128 : i32
    %mul3A_88 = arith.muli %add3A, %mul3A_87 : i32
    %add3A_89 = arith.constant 96 : i32
    %add3A_90 = arith.addi %mul3A_88, %add3A_89 : i32
    %dma_start3A_91 = arith.constant 0 : i32
    %dma_start3A_92 = tpu.memref_slice %arg2[%add3A_90, %dma_start3A_91] : memref<4096x1024xf32, #tpu.memory_space<hbm>> -> memref<32x1024xf32, #tpu.memory_space<hbm>>
    %dma_start3A_93 = arith.constant 0 : i32
    %dma_start3A_94 = tpu.memref_slice %arg2[%add3A_90, %dma_start3A_93] : memref<4096x1024xf32, #tpu.memory_space<hbm>> -> memref<32x1024xf32, #tpu.memory_space<hbm>>
    tpu.enqueue_dma source(%dma_start3A_94 : memref<32x1024xf32, #tpu.memory_space<hbm>>) target(%arg9 : memref<32x1024xf32, #tpu.memory_space<vmem>>) target_semaphore(%arg11 : memref<!tpu.dma_semaphore, #tpu.memory_space<semaphore_mem>>)
    %dma_wait3A_95 = arith.constant 0 : i32
    %dma_wait3A_96 = tpu.memref_slice %arg2[%add3A_50, %dma_wait3A_95] : memref<4096x1024xf32, #tpu.memory_space<hbm>> -> memref<32x1024xf32, #tpu.memory_space<hbm>>
    %dma_wait3A_97 = arith.constant 0 : i32
    %dma_wait3A_98 = tpu.memref_slice %arg2[%add3A_50, %dma_wait3A_97] : memref<4096x1024xf32, #tpu.memory_space<hbm>> -> memref<32x1024xf32, #tpu.memory_space<hbm>>
    tpu.wait_dma2 semaphore(%arg10 : memref<!tpu.dma_semaphore, #tpu.memory_space<semaphore_mem>>) src(%dma_wait3A_98 : memref<32x1024xf32, #tpu.memory_space<hbm>>) dst(%arg8 : memref<32x1024xf32, #tpu.memory_space<vmem>>)
    %dma_start3A_99 = arith.constant 2 : i32
    %dma_start3A_100 = arith.constant 0 : i32
    %dma_start3A_101 = tpu.memref_slice %arg6[%dma_start3A_99, %dma_start3A_100] : memref<4x32xi32, #tpu.memory_space<vmem>> -> memref<1x32xi32, #tpu.memory_space<vmem>>
    %dma_start3A_102 = tpu.memref_squeeze %dma_start3A_101 : memref<1x32xi32, #tpu.memory_space<vmem>> -> memref<32xi32, #tpu.memory_space<vmem>>
    %dma_start3A_103 = arith.constant 0 : i32
    %dma_start3A_104 = arith.constant 0 : i32
    %dma_start3A_105 = tpu.memref_slice %arg5[%dma_start3A_103, %dma_start3A_104] : memref<12288x1024xf32, #tpu.memory_space<hbm>> -> memref<12288x1024xf32, #tpu.memory_space<hbm>>
    tpu.enqueue_indirect_dma source(%arg8 : memref<32x1024xf32, #tpu.memory_space<vmem>>) target(%dma_start3A_105 : memref<12288x1024xf32, #tpu.memory_space<hbm>>) offsets(%dma_start3A_102 : memref<32xi32, #tpu.memory_space<vmem>>) semaphore(%arg12 : memref<!tpu.dma_semaphore, #tpu.memory_space<semaphore_mem>>)
    %dma_start3A_106 = arith.constant 2 : i32
    %dma_start3A_107 = arith.constant 0 : i32
    %dma_start3A_108 = tpu.memref_slice %arg7[%dma_start3A_106, %dma_start3A_107] : memref<4x32xi32, #tpu.memory_space<vmem>> -> memref<1x32xi32, #tpu.memory_space<vmem>>
    %dma_start3A_109 = tpu.memref_squeeze %dma_start3A_108 : memref<1x32xi32, #tpu.memory_space<vmem>> -> memref<32xi32, #tpu.memory_space<vmem>>
    %dma_start3A_110 = arith.constant 0 : i32
    %dma_start3A_111 = arith.constant 0 : i32
    %dma_start3A_112 = tpu.memref_slice %arg5[%dma_start3A_110, %dma_start3A_111] : memref<12288x1024xf32, #tpu.memory_space<hbm>> -> memref<12288x1024xf32, #tpu.memory_space<hbm>>
    tpu.enqueue_indirect_dma source(%arg8 : memref<32x1024xf32, #tpu.memory_space<vmem>>) target(%dma_start3A_112 : memref<12288x1024xf32, #tpu.memory_space<hbm>>) offsets(%dma_start3A_109 : memref<32xi32, #tpu.memory_space<vmem>>) semaphore(%arg12 : memref<!tpu.dma_semaphore, #tpu.memory_space<semaphore_mem>>)
    %dma_wait3A_113 = arith.constant 0 : i32
    %dma_wait3A_114 = tpu.memref_slice %arg2[%add3A_90, %dma_wait3A_113] : memref<4096x1024xf32, #tpu.memory_space<hbm>> -> memref<32x1024xf32, #tpu.memory_space<hbm>>
    %dma_wait3A_115 = arith.constant 0 : i32
    %dma_wait3A_116 = tpu.memref_slice %arg2[%add3A_90, %dma_wait3A_115] : memref<4096x1024xf32, #tpu.memory_space<hbm>> -> memref<32x1024xf32, #tpu.memory_space<hbm>>
    tpu.wait_dma2 semaphore(%arg11 : memref<!tpu.dma_semaphore, #tpu.memory_space<semaphore_mem>>) src(%dma_wait3A_116 : memref<32x1024xf32, #tpu.memory_space<hbm>>) dst(%arg9 : memref<32x1024xf32, #tpu.memory_space<vmem>>)
    %dma_start3A_117 = arith.constant 3 : i32
    %dma_start3A_118 = arith.constant 0 : i32
    %dma_start3A_119 = tpu.memref_slice %arg6[%dma_start3A_117, %dma_start3A_118] : memref<4x32xi32, #tpu.memory_space<vmem>> -> memref<1x32xi32, #tpu.memory_space<vmem>>
    %dma_start3A_120 = tpu.memref_squeeze %dma_start3A_119 : memref<1x32xi32, #tpu.memory_space<vmem>> -> memref<32xi32, #tpu.memory_space<vmem>>
    %dma_start3A_121 = arith.constant 0 : i32
    %dma_start3A_122 = arith.constant 0 : i32
    %dma_start3A_123 = tpu.memref_slice %arg5[%dma_start3A_121, %dma_start3A_122] : memref<12288x1024xf32, #tpu.memory_space<hbm>> -> memref<12288x1024xf32, #tpu.memory_space<hbm>>
    tpu.enqueue_indirect_dma source(%arg9 : memref<32x1024xf32, #tpu.memory_space<vmem>>) target(%dma_start3A_123 : memref<12288x1024xf32, #tpu.memory_space<hbm>>) offsets(%dma_start3A_120 : memref<32xi32, #tpu.memory_space<vmem>>) semaphore(%arg13 : memref<!tpu.dma_semaphore, #tpu.memory_space<semaphore_mem>>)
    %dma_start3A_124 = arith.constant 3 : i32
    %dma_start3A_125 = arith.constant 0 : i32
    %dma_start3A_126 = tpu.memref_slice %arg7[%dma_start3A_124, %dma_start3A_125] : memref<4x32xi32, #tpu.memory_space<vmem>> -> memref<1x32xi32, #tpu.memory_space<vmem>>
    %dma_start3A_127 = tpu.memref_squeeze %dma_start3A_126 : memref<1x32xi32, #tpu.memory_space<vmem>> -> memref<32xi32, #tpu.memory_space<vmem>>
    %dma_start3A_128 = arith.constant 0 : i32
    %dma_start3A_129 = arith.constant 0 : i32
    %dma_start3A_130 = tpu.memref_slice %arg5[%dma_start3A_128, %dma_start3A_129] : memref<12288x1024xf32, #tpu.memory_space<hbm>> -> memref<12288x1024xf32, #tpu.memory_space<hbm>>
    tpu.enqueue_indirect_dma source(%arg9 : memref<32x1024xf32, #tpu.memory_space<vmem>>) target(%dma_start3A_130 : memref<12288x1024xf32, #tpu.memory_space<hbm>>) offsets(%dma_start3A_127 : memref<32xi32, #tpu.memory_space<vmem>>) semaphore(%arg13 : memref<!tpu.dma_semaphore, #tpu.memory_space<semaphore_mem>>)
    %dma_wait3A_131 = arith.constant 2 : i32
    %dma_wait3A_132 = arith.constant 0 : i32
    %dma_wait3A_133 = tpu.memref_slice %arg6[%dma_wait3A_131, %dma_wait3A_132] : memref<4x32xi32, #tpu.memory_space<vmem>> -> memref<1x32xi32, #tpu.memory_space<vmem>>
    %dma_wait3A_134 = tpu.memref_squeeze %dma_wait3A_133 : memref<1x32xi32, #tpu.memory_space<vmem>> -> memref<32xi32, #tpu.memory_space<vmem>>
    %dma_wait3A_135 = arith.constant 0 : i32
    %dma_wait3A_136 = arith.constant 0 : i32
    %dma_wait3A_137 = tpu.memref_slice %arg5[%dma_wait3A_135, %dma_wait3A_136] : memref<12288x1024xf32, #tpu.memory_space<hbm>> -> memref<12288x1024xf32, #tpu.memory_space<hbm>>
    tpu.wait_indirect_dma semaphore(%arg12 : memref<!tpu.dma_semaphore, #tpu.memory_space<semaphore_mem>>) src(%arg8 : memref<32x1024xf32, #tpu.memory_space<vmem>>) dst(%dma_wait3A_137 : memref<12288x1024xf32, #tpu.memory_space<hbm>>)
    %dma_wait3A_138 = arith.constant 2 : i32
    %dma_wait3A_139 = arith.constant 0 : i32
    %dma_wait3A_140 = tpu.memref_slice %arg7[%dma_wait3A_138, %dma_wait3A_139] : memref<4x32xi32, #tpu.memory_space<vmem>> -> memref<1x32xi32, #tpu.memory_space<vmem>>
    %dma_wait3A_141 = tpu.memref_squeeze %dma_wait3A_140 : memref<1x32xi32, #tpu.memory_space<vmem>> -> memref<32xi32, #tpu.memory_space<vmem>>
    %dma_wait3A_142 = arith.constant 0 : i32
    %dma_wait3A_143 = arith.constant 0 : i32
    %dma_wait3A_144 = tpu.memref_slice %arg5[%dma_wait3A_142, %dma_wait3A_143] : memref<12288x1024xf32, #tpu.memory_space<hbm>> -> memref<12288x1024xf32, #tpu.memory_space<hbm>>
    tpu.wait_indirect_dma semaphore(%arg12 : memref<!tpu.dma_semaphore, #tpu.memory_space<semaphore_mem>>) src(%arg8 : memref<32x1024xf32, #tpu.memory_space<vmem>>) dst(%dma_wait3A_144 : memref<12288x1024xf32, #tpu.memory_space<hbm>>)
    %dma_wait3A_145 = arith.constant 3 : i32
    %dma_wait3A_146 = arith.constant 0 : i32
    %dma_wait3A_147 = tpu.memref_slice %arg6[%dma_wait3A_145, %dma_wait3A_146] : memref<4x32xi32, #tpu.memory_space<vmem>> -> memref<1x32xi32, #tpu.memory_space<vmem>>
    %dma_wait3A_148 = tpu.memref_squeeze %dma_wait3A_147 : memref<1x32xi32, #tpu.memory_space<vmem>> -> memref<32xi32, #tpu.memory_space<vmem>>
    %dma_wait3A_149 = arith.constant 0 : i32
    %dma_wait3A_150 = arith.constant 0 : i32
    %dma_wait3A_151 = tpu.memref_slice %arg5[%dma_wait3A_149, %dma_wait3A_150] : memref<12288x1024xf32, #tpu.memory_space<hbm>> -> memref<12288x1024xf32, #tpu.memory_space<hbm>>
    tpu.wait_indirect_dma semaphore(%arg13 : memref<!tpu.dma_semaphore, #tpu.memory_space<semaphore_mem>>) src(%arg9 : memref<32x1024xf32, #tpu.memory_space<vmem>>) dst(%dma_wait3A_151 : memref<12288x1024xf32, #tpu.memory_space<hbm>>)
    %dma_wait3A_152 = arith.constant 3 : i32
    %dma_wait3A_153 = arith.constant 0 : i32
    %dma_wait3A_154 = tpu.memref_slice %arg7[%dma_wait3A_152, %dma_wait3A_153] : memref<4x32xi32, #tpu.memory_space<vmem>> -> memref<1x32xi32, #tpu.memory_space<vmem>>
    %dma_wait3A_155 = tpu.memref_squeeze %dma_wait3A_154 : memref<1x32xi32, #tpu.memory_space<vmem>> -> memref<32xi32, #tpu.memory_space<vmem>>
    %dma_wait3A_156 = arith.constant 0 : i32
    %dma_wait3A_157 = arith.constant 0 : i32
    %dma_wait3A_158 = tpu.memref_slice %arg5[%dma_wait3A_156, %dma_wait3A_157] : memref<12288x1024xf32, #tpu.memory_space<hbm>> -> memref<12288x1024xf32, #tpu.memory_space<hbm>>
    tpu.wait_indirect_dma semaphore(%arg13 : memref<!tpu.dma_semaphore, #tpu.memory_space<semaphore_mem>>) src(%arg9 : memref<32x1024xf32, #tpu.memory_space<vmem>>) dst(%dma_wait3A_158 : memref<12288x1024xf32, #tpu.memory_space<hbm>>)
    return
  }
}

module attributes {stable_mosaic.version = 14 : i64} {
  func.func @_gate_body(%arg0: memref<4096x1024xf32, #tpu.memory_space<vmem>>, %arg1: memref<8x1024xf32, #tpu.memory_space<vmem>>, %arg2: memref<1x8xf32, #tpu.memory_space<vmem>>, %arg3: memref<4096x8xf32, #tpu.memory_space<vmem>>, %arg4: memref<4096x2xi32, #tpu.memory_space<vmem>>, %arg5: memref<4096x1xf32, #tpu.memory_space<vmem>>, %arg6: memref<32x128xi32, #tpu.memory_space<vmem>>, %arg7: memref<32x128xi32, #tpu.memory_space<vmem>>, %arg8: memref<1x24xi32, #tpu.memory_space<vmem>>, %arg9: memref<4096x8xf32, #tpu.memory_space<vmem>>, %arg10: memref<4096x8xf32, #tpu.memory_space<vmem>>) attributes {dimension_semantics = [], scalar_prefetch = 0 : i64, scratch_operands = 2 : i64, tpu.core_type = #tpu.core_type<tc>} {
    %get3A = arith.constant 0 : index
    %get3A_0 = arith.constant 0 : index
    %get3A_1 = vector.load %arg0[%get3A, %get3A_0] : memref<4096x1024xf32, #tpu.memory_space<vmem>>, vector<4096x1024xf32>
    %get3A_2 = arith.constant 0 : index
    %get3A_3 = arith.constant 0 : index
    %get3A_4 = vector.load %arg1[%get3A_2, %get3A_3] : memref<8x1024xf32, #tpu.memory_space<vmem>>, vector<8x1024xf32>
    %dot_general3A = arith.constant dense<0.000000e+00> : vector<4096x8xf32>
    %dot_general3A_5 = tpu.matmul %get3A_1, %get3A_4, %dot_general3A {dimension_numbers = #tpu.dot_dimension_numbers<[1], [1], [0], [0], [0, 0, 1, 0], [], []>, transpose_lhs_hint = false} : vector<4096x1024xf32>, vector<8x1024xf32>, vector<4096x8xf32> -> vector<4096x8xf32>
    %get3A_6 = arith.constant 0 : index
    %get3A_7 = arith.constant 0 : index
    %get3A_8 = vector.load %arg2[%get3A_6, %get3A_7] : memref<1x8xf32, #tpu.memory_space<vmem>>, vector<1x8xf32>
    %add3A = vector.broadcast %get3A_8 : vector<1x8xf32> to vector<4096x8xf32>
    %add3A_9 = arith.addf %dot_general3A_5, %add3A : vector<4096x8xf32>
    %reduce_max3A = arith.constant dense<0xFF800000> : vector<4096xf32>
    %reduce_max3A_10 = vector.multi_reduction <maximumf>, %add3A_9, %reduce_max3A [1] : vector<4096x8xf32> to vector<4096xf32>
    %broadcast_in_dim3A = vector.shape_cast %reduce_max3A_10 : vector<4096xf32> to vector<4096x1xf32>
    %sub3A = vector.broadcast %broadcast_in_dim3A : vector<4096x1xf32> to vector<4096x8xf32>
    %sub3A_11 = arith.subf %add3A_9, %sub3A : vector<4096x8xf32>
    %exp3A = math.exp %sub3A_11 : vector<4096x8xf32>
    %reduce_sum3A = arith.constant dense<0.000000e+00> : vector<4096xf32>
    %reduce_sum3A_12 = vector.multi_reduction <add>, %exp3A, %reduce_sum3A [1] : vector<4096x8xf32> to vector<4096xf32>
    %broadcast_in_dim3A_13 = vector.shape_cast %reduce_sum3A_12 : vector<4096xf32> to vector<4096x1xf32>
    %div3A = vector.broadcast %broadcast_in_dim3A_13 : vector<4096x1xf32> to vector<4096x8xf32>
    %div3A_14 = arith.divf %exp3A, %div3A : vector<4096x8xf32>
    %swap3A = arith.constant 0 : index
    %swap3A_15 = arith.constant 0 : index
    %swap3A_16 = vector.load %arg3[%swap3A, %swap3A_15] : memref<4096x8xf32, #tpu.memory_space<vmem>>, vector<4096x8xf32>
    tpu.vector_store %arg3[%swap3A, %swap3A_15], %div3A_14 {strides = array<i32>} : memref<4096x8xf32, #tpu.memory_space<vmem>>, vector<4096x8xf32>,
    %iota3A = tpu.iota {dimensions = array<i32: 1>} : vector<4096x8xi32>
    %reduce_max3A_17 = arith.constant dense<0xFF800000> : vector<4096xf32>
    %reduce_max3A_18 = vector.multi_reduction <maximumf>, %div3A_14, %reduce_max3A_17 [1] : vector<4096x8xf32> to vector<4096xf32>
    %broadcast_in_dim3A_19 = vector.shape_cast %reduce_max3A_18 : vector<4096xf32> to vector<4096x1xf32>
    %eq3A = vector.broadcast %broadcast_in_dim3A_19 : vector<4096x1xf32> to vector<4096x8xf32>
    %eq3A_20 = arith.cmpf oeq, %div3A_14, %eq3A : vector<4096x8xf32>
    %jit3A = arith.constant 8 : i32
    %broadcast_in_dim3A_21 = vector.broadcast %jit3A : i32 to vector<4096x8xi32>
    %select_n3A = arith.select %eq3A_20, %iota3A, %broadcast_in_dim3A_21 : vector<4096x8xi1>, vector<4096x8xi32>
    %reduce_min3A = arith.constant dense<2147483647> : vector<4096xi32>
    %reduce_min3A_22 = vector.multi_reduction <minsi>, %select_n3A, %reduce_min3A [1] : vector<4096x8xi32> to vector<4096xi32>
    %broadcast_in_dim3A_23 = vector.shape_cast %reduce_min3A_22 : vector<4096xi32> to vector<4096x1xi32>
    %eq3A_24 = vector.broadcast %broadcast_in_dim3A_23 : vector<4096x1xi32> to vector<4096x8xi32>
    %eq3A_25 = arith.cmpi eq, %iota3A, %eq3A_24 : vector<4096x8xi32>
    %jit3A_26 = arith.constant 0xFF800000 : f32
    %broadcast_in_dim3A_27 = vector.broadcast %jit3A_26 : f32 to vector<4096x8xf32>
    %select_n3A_28 = arith.select %eq3A_25, %broadcast_in_dim3A_27, %div3A_14 : vector<4096x8xi1>, vector<4096x8xf32>
    %reduce_max3A_29 = arith.constant dense<0xFF800000> : vector<4096xf32>
    %reduce_max3A_30 = vector.multi_reduction <maximumf>, %select_n3A_28, %reduce_max3A_29 [1] : vector<4096x8xf32> to vector<4096xf32>
    %broadcast_in_dim3A_31 = vector.shape_cast %reduce_max3A_30 : vector<4096xf32> to vector<4096x1xf32>
    %eq3A_32 = vector.broadcast %broadcast_in_dim3A_31 : vector<4096x1xf32> to vector<4096x8xf32>
    %eq3A_33 = arith.cmpf oeq, %select_n3A_28, %eq3A_32 : vector<4096x8xf32>
    %jit3A_34 = arith.constant 8 : i32
    %broadcast_in_dim3A_35 = vector.broadcast %jit3A_34 : i32 to vector<4096x8xi32>
    %select_n3A_36 = arith.select %eq3A_33, %iota3A, %broadcast_in_dim3A_35 : vector<4096x8xi1>, vector<4096x8xi32>
    %reduce_min3A_37 = arith.constant dense<2147483647> : vector<4096xi32>
    %reduce_min3A_38 = vector.multi_reduction <minsi>, %select_n3A_36, %reduce_min3A_37 [1] : vector<4096x8xi32> to vector<4096xi32>
    %broadcast_in_dim3A_39 = vector.shape_cast %reduce_min3A_22 : vector<4096xi32> to vector<4096x1xi32>
    %broadcast_in_dim3A_40 = vector.shape_cast %reduce_min3A_38 : vector<4096xi32> to vector<4096x1xi32>
    %concatenate3A = tpu.concatenate %broadcast_in_dim3A_39, %broadcast_in_dim3A_40 in 1 : vector<4096x1xi32>, vector<4096x1xi32> -> vector<4096x2xi32>
    %swap3A_41 = arith.constant 0 : index
    %swap3A_42 = arith.constant 0 : index
    %swap3A_43 = vector.load %arg4[%swap3A_41, %swap3A_42] : memref<4096x2xi32, #tpu.memory_space<vmem>>, vector<4096x2xi32>
    tpu.vector_store %arg4[%swap3A_41, %swap3A_42], %concatenate3A {strides = array<i32>} : memref<4096x2xi32, #tpu.memory_space<vmem>>, vector<4096x2xi32>,
    %reduce_sum3A_44 = arith.constant dense<0.000000e+00> : vector<4096xf32>
    %reduce_sum3A_45 = vector.multi_reduction <add>, %div3A_14, %reduce_sum3A_44 [1] : vector<4096x8xf32> to vector<4096xf32>
    %broadcast_in_dim3A_46 = vector.shape_cast %reduce_sum3A_45 : vector<4096xf32> to vector<4096x1xf32>
    %swap3A_47 = arith.constant 0 : index
    %swap3A_48 = arith.constant 0 : index
    %swap3A_49 = vector.load %arg5[%swap3A_47, %swap3A_48] : memref<4096x1xf32, #tpu.memory_space<vmem>>, vector<4096x1xf32>
    tpu.vector_store %arg5[%swap3A_47, %swap3A_48], %broadcast_in_dim3A_46 {strides = array<i32>} : memref<4096x1xf32, #tpu.memory_space<vmem>>, vector<4096x1xf32>,
    %broadcast_in_dim3A_50 = vector.shape_cast %reduce_min3A_22 : vector<4096xi32> to vector<4096x1xi32>
    %eq3A_51 = vector.broadcast %broadcast_in_dim3A_50 : vector<4096x1xi32> to vector<4096x8xi32>
    %eq3A_52 = arith.cmpi eq, %iota3A, %eq3A_51 : vector<4096x8xi32>
    %broadcast_in_dim3A_53 = vector.shape_cast %reduce_min3A_38 : vector<4096xi32> to vector<4096x1xi32>
    %eq3A_54 = vector.broadcast %broadcast_in_dim3A_53 : vector<4096x1xi32> to vector<4096x8xi32>
    %eq3A_55 = arith.cmpi eq, %iota3A, %eq3A_54 : vector<4096x8xi32>
    %or3A = arith.ori %eq3A_52, %eq3A_55 : vector<4096x8xi1>
    %convert_element_type3A = arith.extui %or3A : vector<4096x8xi1> to vector<4096x8xi32>
    %convert_element_type3A_56 = arith.sitofp %convert_element_type3A : vector<4096x8xi32> to vector<4096x8xf32>
    %swap3A_57 = arith.constant 0 : index
    %swap3A_58 = arith.constant 0 : index
    %swap3A_59 = vector.load %arg10[%swap3A_57, %swap3A_58] : memref<4096x8xf32, #tpu.memory_space<vmem>>, vector<4096x8xf32>
    tpu.vector_store %arg10[%swap3A_57, %swap3A_58], %convert_element_type3A_56 {strides = array<i32>} : memref<4096x8xf32, #tpu.memory_space<vmem>>, vector<4096x8xf32>,
    %iota3A_60 = tpu.iota {dimensions = array<i32: 0>} : vector<256x256xi32>
    %iota3A_61 = tpu.iota {dimensions = array<i32: 1>} : vector<256x256xi32>
    %lt3A = arith.cmpi slt, %iota3A_61, %iota3A_60 : vector<256x256xi32>
    %convert_element_type3A_62 = arith.extui %lt3A : vector<256x256xi1> to vector<256x256xi32>
    %convert_element_type3A_63 = arith.sitofp %convert_element_type3A_62 : vector<256x256xi32> to vector<256x256xf32>
    %convert_element_type3A_64 = arith.truncf %convert_element_type3A_63 : vector<256x256xf32> to vector<256x256xbf16>
    %get3A_65 = arith.constant 0 : index
    %get3A_66 = arith.constant 0 : index
    %get3A_67 = vector.load %arg10[%get3A_65, %get3A_66] : memref<4096x8xf32, #tpu.memory_space<vmem>>, vector<256x8xf32>
    %convert_element_type3A_68 = arith.truncf %get3A_67 : vector<256x8xf32> to vector<256x8xbf16>
    %dot_general3A_69 = arith.constant dense<0.000000e+00> : vector<256x8xf32>
    %dot_general3A_70 = tpu.matmul %convert_element_type3A_64, %convert_element_type3A_68, %dot_general3A_69 {dimension_numbers = #tpu.dot_dimension_numbers<[1], [0], [0], [1], [0, 0, 1, 1], [], []>, transpose_lhs_hint = false} : vector<256x256xbf16>, vector<256x8xbf16>, vector<256x8xf32> -> vector<256x8xf32>
    %reduce_sum3A_71 = arith.constant dense<0.000000e+00> : vector<8xf32>
    %reduce_sum3A_72 = vector.multi_reduction <add>, %get3A_67, %reduce_sum3A_71 [0] : vector<256x8xf32> to vector<8xf32>
    %broadcast_in_dim3A_73 = vector.shape_cast %reduce_sum3A_72 : vector<8xf32> to vector<1x8xf32>
    %get3A_74 = arith.constant 256 : index
    %get3A_75 = arith.constant 0 : index
    %get3A_76 = vector.load %arg10[%get3A_74, %get3A_75] : memref<4096x8xf32, #tpu.memory_space<vmem>>, vector<256x8xf32>
    %convert_element_type3A_77 = arith.truncf %get3A_76 : vector<256x8xf32> to vector<256x8xbf16>
    %dot_general3A_78 = arith.constant dense<0.000000e+00> : vector<256x8xf32>
    %dot_general3A_79 = tpu.matmul %convert_element_type3A_64, %convert_element_type3A_77, %dot_general3A_78 {dimension_numbers = #tpu.dot_dimension_numbers<[1], [0], [0], [1], [0, 0, 1, 1], [], []>, transpose_lhs_hint = false} : vector<256x256xbf16>, vector<256x8xbf16>, vector<256x8xf32> -> vector<256x8xf32>
    %reduce_sum3A_80 = arith.constant dense<0.000000e+00> : vector<8xf32>
    %reduce_sum3A_81 = vector.multi_reduction <add>, %get3A_76, %reduce_sum3A_80 [0] : vector<256x8xf32> to vector<8xf32>
    %broadcast_in_dim3A_82 = vector.shape_cast %reduce_sum3A_81 : vector<8xf32> to vector<1x8xf32>
    %get3A_83 = arith.constant 512 : index
    %get3A_84 = arith.constant 0 : index
    %get3A_85 = vector.load %arg10[%get3A_83, %get3A_84] : memref<4096x8xf32, #tpu.memory_space<vmem>>, vector<256x8xf32>
    %convert_element_type3A_86 = arith.truncf %get3A_85 : vector<256x8xf32> to vector<256x8xbf16>
    %dot_general3A_87 = arith.constant dense<0.000000e+00> : vector<256x8xf32>
    %dot_general3A_88 = tpu.matmul %convert_element_type3A_64, %convert_element_type3A_86, %dot_general3A_87 {dimension_numbers = #tpu.dot_dimension_numbers<[1], [0], [0], [1], [0, 0, 1, 1], [], []>, transpose_lhs_hint = false} : vector<256x256xbf16>, vector<256x8xbf16>, vector<256x8xf32> -> vector<256x8xf32>
    %reduce_sum3A_89 = arith.constant dense<0.000000e+00> : vector<8xf32>
    %reduce_sum3A_90 = vector.multi_reduction <add>, %get3A_85, %reduce_sum3A_89 [0] : vector<256x8xf32> to vector<8xf32>
    %broadcast_in_dim3A_91 = vector.shape_cast %reduce_sum3A_90 : vector<8xf32> to vector<1x8xf32>
    %get3A_92 = arith.constant 768 : index
    %get3A_93 = arith.constant 0 : index
    %get3A_94 = vector.load %arg10[%get3A_92, %get3A_93] : memref<4096x8xf32, #tpu.memory_space<vmem>>, vector<256x8xf32>
    %convert_element_type3A_95 = arith.truncf %get3A_94 : vector<256x8xf32> to vector<256x8xbf16>
    %dot_general3A_96 = arith.constant dense<0.000000e+00> : vector<256x8xf32>
    %dot_general3A_97 = tpu.matmul %convert_element_type3A_64, %convert_element_type3A_95, %dot_general3A_96 {dimension_numbers = #tpu.dot_dimension_numbers<[1], [0], [0], [1], [0, 0, 1, 1], [], []>, transpose_lhs_hint = false} : vector<256x256xbf16>, vector<256x8xbf16>, vector<256x8xf32> -> vector<256x8xf32>
    %reduce_sum3A_98 = arith.constant dense<0.000000e+00> : vector<8xf32>
    %reduce_sum3A_99 = vector.multi_reduction <add>, %get3A_94, %reduce_sum3A_98 [0] : vector<256x8xf32> to vector<8xf32>
    %broadcast_in_dim3A_100 = vector.shape_cast %reduce_sum3A_99 : vector<8xf32> to vector<1x8xf32>
    %get3A_101 = arith.constant 1024 : index
    %get3A_102 = arith.constant 0 : index
    %get3A_103 = vector.load %arg10[%get3A_101, %get3A_102] : memref<4096x8xf32, #tpu.memory_space<vmem>>, vector<256x8xf32>
    %convert_element_type3A_104 = arith.truncf %get3A_103 : vector<256x8xf32> to vector<256x8xbf16>
    %dot_general3A_105 = arith.constant dense<0.000000e+00> : vector<256x8xf32>
    %dot_general3A_106 = tpu.matmul %convert_element_type3A_64, %convert_element_type3A_104, %dot_general3A_105 {dimension_numbers = #tpu.dot_dimension_numbers<[1], [0], [0], [1], [0, 0, 1, 1], [], []>, transpose_lhs_hint = false} : vector<256x256xbf16>, vector<256x8xbf16>, vector<256x8xf32> -> vector<256x8xf32>
    %reduce_sum3A_107 = arith.constant dense<0.000000e+00> : vector<8xf32>
    %reduce_sum3A_108 = vector.multi_reduction <add>, %get3A_103, %reduce_sum3A_107 [0] : vector<256x8xf32> to vector<8xf32>
    %broadcast_in_dim3A_109 = vector.shape_cast %reduce_sum3A_108 : vector<8xf32> to vector<1x8xf32>
    %get3A_110 = arith.constant 1280 : index
    %get3A_111 = arith.constant 0 : index
    %get3A_112 = vector.load %arg10[%get3A_110, %get3A_111] : memref<4096x8xf32, #tpu.memory_space<vmem>>, vector<256x8xf32>
    %convert_element_type3A_113 = arith.truncf %get3A_112 : vector<256x8xf32> to vector<256x8xbf16>
    %dot_general3A_114 = arith.constant dense<0.000000e+00> : vector<256x8xf32>
    %dot_general3A_115 = tpu.matmul %convert_element_type3A_64, %convert_element_type3A_113, %dot_general3A_114 {dimension_numbers = #tpu.dot_dimension_numbers<[1], [0], [0], [1], [0, 0, 1, 1], [], []>, transpose_lhs_hint = false} : vector<256x256xbf16>, vector<256x8xbf16>, vector<256x8xf32> -> vector<256x8xf32>
    %reduce_sum3A_116 = arith.constant dense<0.000000e+00> : vector<8xf32>
    %reduce_sum3A_117 = vector.multi_reduction <add>, %get3A_112, %reduce_sum3A_116 [0] : vector<256x8xf32> to vector<8xf32>
    %broadcast_in_dim3A_118 = vector.shape_cast %reduce_sum3A_117 : vector<8xf32> to vector<1x8xf32>
    %get3A_119 = arith.constant 1536 : index
    %get3A_120 = arith.constant 0 : index
    %get3A_121 = vector.load %arg10[%get3A_119, %get3A_120] : memref<4096x8xf32, #tpu.memory_space<vmem>>, vector<256x8xf32>
    %convert_element_type3A_122 = arith.truncf %get3A_121 : vector<256x8xf32> to vector<256x8xbf16>
    %dot_general3A_123 = arith.constant dense<0.000000e+00> : vector<256x8xf32>
    %dot_general3A_124 = tpu.matmul %convert_element_type3A_64, %convert_element_type3A_122, %dot_general3A_123 {dimension_numbers = #tpu.dot_dimension_numbers<[1], [0], [0], [1], [0, 0, 1, 1], [], []>, transpose_lhs_hint = false} : vector<256x256xbf16>, vector<256x8xbf16>, vector<256x8xf32> -> vector<256x8xf32>
    %reduce_sum3A_125 = arith.constant dense<0.000000e+00> : vector<8xf32>
    %reduce_sum3A_126 = vector.multi_reduction <add>, %get3A_121, %reduce_sum3A_125 [0] : vector<256x8xf32> to vector<8xf32>
    %broadcast_in_dim3A_127 = vector.shape_cast %reduce_sum3A_126 : vector<8xf32> to vector<1x8xf32>
    %get3A_128 = arith.constant 1792 : index
    %get3A_129 = arith.constant 0 : index
    %get3A_130 = vector.load %arg10[%get3A_128, %get3A_129] : memref<4096x8xf32, #tpu.memory_space<vmem>>, vector<256x8xf32>
    %convert_element_type3A_131 = arith.truncf %get3A_130 : vector<256x8xf32> to vector<256x8xbf16>
    %dot_general3A_132 = arith.constant dense<0.000000e+00> : vector<256x8xf32>
    %dot_general3A_133 = tpu.matmul %convert_element_type3A_64, %convert_element_type3A_131, %dot_general3A_132 {dimension_numbers = #tpu.dot_dimension_numbers<[1], [0], [0], [1], [0, 0, 1, 1], [], []>, transpose_lhs_hint = false} : vector<256x256xbf16>, vector<256x8xbf16>, vector<256x8xf32> -> vector<256x8xf32>
    %reduce_sum3A_134 = arith.constant dense<0.000000e+00> : vector<8xf32>
    %reduce_sum3A_135 = vector.multi_reduction <add>, %get3A_130, %reduce_sum3A_134 [0] : vector<256x8xf32> to vector<8xf32>
    %broadcast_in_dim3A_136 = vector.shape_cast %reduce_sum3A_135 : vector<8xf32> to vector<1x8xf32>
    %get3A_137 = arith.constant 2048 : index
    %get3A_138 = arith.constant 0 : index
    %get3A_139 = vector.load %arg10[%get3A_137, %get3A_138] : memref<4096x8xf32, #tpu.memory_space<vmem>>, vector<256x8xf32>
    %convert_element_type3A_140 = arith.truncf %get3A_139 : vector<256x8xf32> to vector<256x8xbf16>
    %dot_general3A_141 = arith.constant dense<0.000000e+00> : vector<256x8xf32>
    %dot_general3A_142 = tpu.matmul %convert_element_type3A_64, %convert_element_type3A_140, %dot_general3A_141 {dimension_numbers = #tpu.dot_dimension_numbers<[1], [0], [0], [1], [0, 0, 1, 1], [], []>, transpose_lhs_hint = false} : vector<256x256xbf16>, vector<256x8xbf16>, vector<256x8xf32> -> vector<256x8xf32>
    %reduce_sum3A_143 = arith.constant dense<0.000000e+00> : vector<8xf32>
    %reduce_sum3A_144 = vector.multi_reduction <add>, %get3A_139, %reduce_sum3A_143 [0] : vector<256x8xf32> to vector<8xf32>
    %broadcast_in_dim3A_145 = vector.shape_cast %reduce_sum3A_144 : vector<8xf32> to vector<1x8xf32>
    %get3A_146 = arith.constant 2304 : index
    %get3A_147 = arith.constant 0 : index
    %get3A_148 = vector.load %arg10[%get3A_146, %get3A_147] : memref<4096x8xf32, #tpu.memory_space<vmem>>, vector<256x8xf32>
    %convert_element_type3A_149 = arith.truncf %get3A_148 : vector<256x8xf32> to vector<256x8xbf16>
    %dot_general3A_150 = arith.constant dense<0.000000e+00> : vector<256x8xf32>
    %dot_general3A_151 = tpu.matmul %convert_element_type3A_64, %convert_element_type3A_149, %dot_general3A_150 {dimension_numbers = #tpu.dot_dimension_numbers<[1], [0], [0], [1], [0, 0, 1, 1], [], []>, transpose_lhs_hint = false} : vector<256x256xbf16>, vector<256x8xbf16>, vector<256x8xf32> -> vector<256x8xf32>
    %reduce_sum3A_152 = arith.constant dense<0.000000e+00> : vector<8xf32>
    %reduce_sum3A_153 = vector.multi_reduction <add>, %get3A_148, %reduce_sum3A_152 [0] : vector<256x8xf32> to vector<8xf32>
    %broadcast_in_dim3A_154 = vector.shape_cast %reduce_sum3A_153 : vector<8xf32> to vector<1x8xf32>
    %get3A_155 = arith.constant 2560 : index
    %get3A_156 = arith.constant 0 : index
    %get3A_157 = vector.load %arg10[%get3A_155, %get3A_156] : memref<4096x8xf32, #tpu.memory_space<vmem>>, vector<256x8xf32>
    %convert_element_type3A_158 = arith.truncf %get3A_157 : vector<256x8xf32> to vector<256x8xbf16>
    %dot_general3A_159 = arith.constant dense<0.000000e+00> : vector<256x8xf32>
    %dot_general3A_160 = tpu.matmul %convert_element_type3A_64, %convert_element_type3A_158, %dot_general3A_159 {dimension_numbers = #tpu.dot_dimension_numbers<[1], [0], [0], [1], [0, 0, 1, 1], [], []>, transpose_lhs_hint = false} : vector<256x256xbf16>, vector<256x8xbf16>, vector<256x8xf32> -> vector<256x8xf32>
    %reduce_sum3A_161 = arith.constant dense<0.000000e+00> : vector<8xf32>
    %reduce_sum3A_162 = vector.multi_reduction <add>, %get3A_157, %reduce_sum3A_161 [0] : vector<256x8xf32> to vector<8xf32>
    %broadcast_in_dim3A_163 = vector.shape_cast %reduce_sum3A_162 : vector<8xf32> to vector<1x8xf32>
    %get3A_164 = arith.constant 2816 : index
    %get3A_165 = arith.constant 0 : index
    %get3A_166 = vector.load %arg10[%get3A_164, %get3A_165] : memref<4096x8xf32, #tpu.memory_space<vmem>>, vector<256x8xf32>
    %convert_element_type3A_167 = arith.truncf %get3A_166 : vector<256x8xf32> to vector<256x8xbf16>
    %dot_general3A_168 = arith.constant dense<0.000000e+00> : vector<256x8xf32>
    %dot_general3A_169 = tpu.matmul %convert_element_type3A_64, %convert_element_type3A_167, %dot_general3A_168 {dimension_numbers = #tpu.dot_dimension_numbers<[1], [0], [0], [1], [0, 0, 1, 1], [], []>, transpose_lhs_hint = false} : vector<256x256xbf16>, vector<256x8xbf16>, vector<256x8xf32> -> vector<256x8xf32>
    %reduce_sum3A_170 = arith.constant dense<0.000000e+00> : vector<8xf32>
    %reduce_sum3A_171 = vector.multi_reduction <add>, %get3A_166, %reduce_sum3A_170 [0] : vector<256x8xf32> to vector<8xf32>
    %broadcast_in_dim3A_172 = vector.shape_cast %reduce_sum3A_171 : vector<8xf32> to vector<1x8xf32>
    %get3A_173 = arith.constant 3072 : index
    %get3A_174 = arith.constant 0 : index
    %get3A_175 = vector.load %arg10[%get3A_173, %get3A_174] : memref<4096x8xf32, #tpu.memory_space<vmem>>, vector<256x8xf32>
    %convert_element_type3A_176 = arith.truncf %get3A_175 : vector<256x8xf32> to vector<256x8xbf16>
    %dot_general3A_177 = arith.constant dense<0.000000e+00> : vector<256x8xf32>
    %dot_general3A_178 = tpu.matmul %convert_element_type3A_64, %convert_element_type3A_176, %dot_general3A_177 {dimension_numbers = #tpu.dot_dimension_numbers<[1], [0], [0], [1], [0, 0, 1, 1], [], []>, transpose_lhs_hint = false} : vector<256x256xbf16>, vector<256x8xbf16>, vector<256x8xf32> -> vector<256x8xf32>
    %reduce_sum3A_179 = arith.constant dense<0.000000e+00> : vector<8xf32>
    %reduce_sum3A_180 = vector.multi_reduction <add>, %get3A_175, %reduce_sum3A_179 [0] : vector<256x8xf32> to vector<8xf32>
    %broadcast_in_dim3A_181 = vector.shape_cast %reduce_sum3A_180 : vector<8xf32> to vector<1x8xf32>
    %get3A_182 = arith.constant 3328 : index
    %get3A_183 = arith.constant 0 : index
    %get3A_184 = vector.load %arg10[%get3A_182, %get3A_183] : memref<4096x8xf32, #tpu.memory_space<vmem>>, vector<256x8xf32>
    %convert_element_type3A_185 = arith.truncf %get3A_184 : vector<256x8xf32> to vector<256x8xbf16>
    %dot_general3A_186 = arith.constant dense<0.000000e+00> : vector<256x8xf32>
    %dot_general3A_187 = tpu.matmul %convert_element_type3A_64, %convert_element_type3A_185, %dot_general3A_186 {dimension_numbers = #tpu.dot_dimension_numbers<[1], [0], [0], [1], [0, 0, 1, 1], [], []>, transpose_lhs_hint = false} : vector<256x256xbf16>, vector<256x8xbf16>, vector<256x8xf32> -> vector<256x8xf32>
    %reduce_sum3A_188 = arith.constant dense<0.000000e+00> : vector<8xf32>
    %reduce_sum3A_189 = vector.multi_reduction <add>, %get3A_184, %reduce_sum3A_188 [0] : vector<256x8xf32> to vector<8xf32>
    %broadcast_in_dim3A_190 = vector.shape_cast %reduce_sum3A_189 : vector<8xf32> to vector<1x8xf32>
    %get3A_191 = arith.constant 3584 : index
    %get3A_192 = arith.constant 0 : index
    %get3A_193 = vector.load %arg10[%get3A_191, %get3A_192] : memref<4096x8xf32, #tpu.memory_space<vmem>>, vector<256x8xf32>
    %convert_element_type3A_194 = arith.truncf %get3A_193 : vector<256x8xf32> to vector<256x8xbf16>
    %dot_general3A_195 = arith.constant dense<0.000000e+00> : vector<256x8xf32>
    %dot_general3A_196 = tpu.matmul %convert_element_type3A_64, %convert_element_type3A_194, %dot_general3A_195 {dimension_numbers = #tpu.dot_dimension_numbers<[1], [0], [0], [1], [0, 0, 1, 1], [], []>, transpose_lhs_hint = false} : vector<256x256xbf16>, vector<256x8xbf16>, vector<256x8xf32> -> vector<256x8xf32>
    %reduce_sum3A_197 = arith.constant dense<0.000000e+00> : vector<8xf32>
    %reduce_sum3A_198 = vector.multi_reduction <add>, %get3A_193, %reduce_sum3A_197 [0] : vector<256x8xf32> to vector<8xf32>
    %broadcast_in_dim3A_199 = vector.shape_cast %reduce_sum3A_198 : vector<8xf32> to vector<1x8xf32>
    %get3A_200 = arith.constant 3840 : index
    %get3A_201 = arith.constant 0 : index
    %get3A_202 = vector.load %arg10[%get3A_200, %get3A_201] : memref<4096x8xf32, #tpu.memory_space<vmem>>, vector<256x8xf32>
    %convert_element_type3A_203 = arith.truncf %get3A_202 : vector<256x8xf32> to vector<256x8xbf16>
    %dot_general3A_204 = arith.constant dense<0.000000e+00> : vector<256x8xf32>
    %dot_general3A_205 = tpu.matmul %convert_element_type3A_64, %convert_element_type3A_203, %dot_general3A_204 {dimension_numbers = #tpu.dot_dimension_numbers<[1], [0], [0], [1], [0, 0, 1, 1], [], []>, transpose_lhs_hint = false} : vector<256x256xbf16>, vector<256x8xbf16>, vector<256x8xf32> -> vector<256x8xf32>
    %reduce_sum3A_206 = arith.constant dense<0.000000e+00> : vector<8xf32>
    %reduce_sum3A_207 = vector.multi_reduction <add>, %get3A_202, %reduce_sum3A_206 [0] : vector<256x8xf32> to vector<8xf32>
    %broadcast_in_dim3A_208 = vector.shape_cast %reduce_sum3A_207 : vector<8xf32> to vector<1x8xf32>
    %concatenate3A_209 = tpu.concatenate %broadcast_in_dim3A_73, %broadcast_in_dim3A_82, %broadcast_in_dim3A_91, %broadcast_in_dim3A_100, %broadcast_in_dim3A_109, %broadcast_in_dim3A_118, %broadcast_in_dim3A_127, %broadcast_in_dim3A_136, %broadcast_in_dim3A_145, %broadcast_in_dim3A_154, %broadcast_in_dim3A_163, %broadcast_in_dim3A_172, %broadcast_in_dim3A_181, %broadcast_in_dim3A_190, %broadcast_in_dim3A_199, %broadcast_in_dim3A_208 in 0 : vector<1x8xf32>, vector<1x8xf32>, vector<1x8xf32>, vector<1x8xf32>, vector<1x8xf32>, vector<1x8xf32>, vector<1x8xf32>, vector<1x8xf32>, vector<1x8xf32>, vector<1x8xf32>, vector<1x8xf32>, vector<1x8xf32>, vector<1x8xf32>, vector<1x8xf32>, vector<1x8xf32>, vector<1x8xf32> -> vector<16x8xf32>
    %iota3A_210 = tpu.iota {dimensions = array<i32: 0>} : vector<16x16xi32>
    %iota3A_211 = tpu.iota {dimensions = array<i32: 1>} : vector<16x16xi32>
    %lt3A_212 = arith.cmpi slt, %iota3A_211, %iota3A_210 : vector<16x16xi32>
    %convert_element_type3A_213 = arith.extui %lt3A_212 : vector<16x16xi1> to vector<16x16xi32>
    %convert_element_type3A_214 = arith.sitofp %convert_element_type3A_213 : vector<16x16xi32> to vector<16x16xf32>
    %dot_general3A_215 = arith.constant dense<0.000000e+00> : vector<16x8xf32>
    %dot_general3A_216 = tpu.matmul %convert_element_type3A_214, %concatenate3A_209, %dot_general3A_215 {dimension_numbers = #tpu.dot_dimension_numbers<[1], [0], [0], [1], [0, 0, 1, 1], [], []>, transpose_lhs_hint = false} : vector<16x16xf32>, vector<16x8xf32>, vector<16x8xf32> -> vector<16x8xf32>
    %slice3A = vector.extract_strided_slice %dot_general3A_216 {offsets = [0, 0], sizes = [1, 8], strides = [1, 1]} : vector<16x8xf32> to vector<1x8xf32>
    %add3A_217 = vector.broadcast %slice3A : vector<1x8xf32> to vector<256x8xf32>
    %add3A_218 = arith.addf %dot_general3A_70, %add3A_217 : vector<256x8xf32>
    %swap3A_219 = arith.constant 0 : index
    %swap3A_220 = arith.constant 0 : index
    %swap3A_221 = vector.load %arg9[%swap3A_219, %swap3A_220] : memref<4096x8xf32, #tpu.memory_space<vmem>>, vector<256x8xf32>
    tpu.vector_store %arg9[%swap3A_219, %swap3A_220], %add3A_218 {strides = array<i32>} : memref<4096x8xf32, #tpu.memory_space<vmem>>, vector<256x8xf32>,
    %slice3A_222 = vector.extract_strided_slice %dot_general3A_216 {offsets = [1, 0], sizes = [1, 8], strides = [1, 1]} : vector<16x8xf32> to vector<1x8xf32>
    %add3A_223 = vector.broadcast %slice3A_222 : vector<1x8xf32> to vector<256x8xf32>
    %add3A_224 = arith.addf %dot_general3A_79, %add3A_223 : vector<256x8xf32>
    %swap3A_225 = arith.constant 256 : index
    %swap3A_226 = arith.constant 0 : index
    %swap3A_227 = vector.load %arg9[%swap3A_225, %swap3A_226] : memref<4096x8xf32, #tpu.memory_space<vmem>>, vector<256x8xf32>
    tpu.vector_store %arg9[%swap3A_225, %swap3A_226], %add3A_224 {strides = array<i32>} : memref<4096x8xf32, #tpu.memory_space<vmem>>, vector<256x8xf32>,
    %slice3A_228 = vector.extract_strided_slice %dot_general3A_216 {offsets = [2, 0], sizes = [1, 8], strides = [1, 1]} : vector<16x8xf32> to vector<1x8xf32>
    %add3A_229 = vector.broadcast %slice3A_228 : vector<1x8xf32> to vector<256x8xf32>
    %add3A_230 = arith.addf %dot_general3A_88, %add3A_229 : vector<256x8xf32>
    %swap3A_231 = arith.constant 512 : index
    %swap3A_232 = arith.constant 0 : index
    %swap3A_233 = vector.load %arg9[%swap3A_231, %swap3A_232] : memref<4096x8xf32, #tpu.memory_space<vmem>>, vector<256x8xf32>
    tpu.vector_store %arg9[%swap3A_231, %swap3A_232], %add3A_230 {strides = array<i32>} : memref<4096x8xf32, #tpu.memory_space<vmem>>, vector<256x8xf32>,
    %slice3A_234 = vector.extract_strided_slice %dot_general3A_216 {offsets = [3, 0], sizes = [1, 8], strides = [1, 1]} : vector<16x8xf32> to vector<1x8xf32>
    %add3A_235 = vector.broadcast %slice3A_234 : vector<1x8xf32> to vector<256x8xf32>
    %add3A_236 = arith.addf %dot_general3A_97, %add3A_235 : vector<256x8xf32>
    %swap3A_237 = arith.constant 768 : index
    %swap3A_238 = arith.constant 0 : index
    %swap3A_239 = vector.load %arg9[%swap3A_237, %swap3A_238] : memref<4096x8xf32, #tpu.memory_space<vmem>>, vector<256x8xf32>
    tpu.vector_store %arg9[%swap3A_237, %swap3A_238], %add3A_236 {strides = array<i32>} : memref<4096x8xf32, #tpu.memory_space<vmem>>, vector<256x8xf32>,
    %slice3A_240 = vector.extract_strided_slice %dot_general3A_216 {offsets = [4, 0], sizes = [1, 8], strides = [1, 1]} : vector<16x8xf32> to vector<1x8xf32>
    %add3A_241 = vector.broadcast %slice3A_240 : vector<1x8xf32> to vector<256x8xf32>
    %add3A_242 = arith.addf %dot_general3A_106, %add3A_241 : vector<256x8xf32>
    %swap3A_243 = arith.constant 1024 : index
    %swap3A_244 = arith.constant 0 : index
    %swap3A_245 = vector.load %arg9[%swap3A_243, %swap3A_244] : memref<4096x8xf32, #tpu.memory_space<vmem>>, vector<256x8xf32>
    tpu.vector_store %arg9[%swap3A_243, %swap3A_244], %add3A_242 {strides = array<i32>} : memref<4096x8xf32, #tpu.memory_space<vmem>>, vector<256x8xf32>,
    %slice3A_246 = vector.extract_strided_slice %dot_general3A_216 {offsets = [5, 0], sizes = [1, 8], strides = [1, 1]} : vector<16x8xf32> to vector<1x8xf32>
    %add3A_247 = vector.broadcast %slice3A_246 : vector<1x8xf32> to vector<256x8xf32>
    %add3A_248 = arith.addf %dot_general3A_115, %add3A_247 : vector<256x8xf32>
    %swap3A_249 = arith.constant 1280 : index
    %swap3A_250 = arith.constant 0 : index
    %swap3A_251 = vector.load %arg9[%swap3A_249, %swap3A_250] : memref<4096x8xf32, #tpu.memory_space<vmem>>, vector<256x8xf32>
    tpu.vector_store %arg9[%swap3A_249, %swap3A_250], %add3A_248 {strides = array<i32>} : memref<4096x8xf32, #tpu.memory_space<vmem>>, vector<256x8xf32>,
    %slice3A_252 = vector.extract_strided_slice %dot_general3A_216 {offsets = [6, 0], sizes = [1, 8], strides = [1, 1]} : vector<16x8xf32> to vector<1x8xf32>
    %add3A_253 = vector.broadcast %slice3A_252 : vector<1x8xf32> to vector<256x8xf32>
    %add3A_254 = arith.addf %dot_general3A_124, %add3A_253 : vector<256x8xf32>
    %swap3A_255 = arith.constant 1536 : index
    %swap3A_256 = arith.constant 0 : index
    %swap3A_257 = vector.load %arg9[%swap3A_255, %swap3A_256] : memref<4096x8xf32, #tpu.memory_space<vmem>>, vector<256x8xf32>
    tpu.vector_store %arg9[%swap3A_255, %swap3A_256], %add3A_254 {strides = array<i32>} : memref<4096x8xf32, #tpu.memory_space<vmem>>, vector<256x8xf32>,
    %slice3A_258 = vector.extract_strided_slice %dot_general3A_216 {offsets = [7, 0], sizes = [1, 8], strides = [1, 1]} : vector<16x8xf32> to vector<1x8xf32>
    %add3A_259 = vector.broadcast %slice3A_258 : vector<1x8xf32> to vector<256x8xf32>
    %add3A_260 = arith.addf %dot_general3A_133, %add3A_259 : vector<256x8xf32>
    %swap3A_261 = arith.constant 1792 : index
    %swap3A_262 = arith.constant 0 : index
    %swap3A_263 = vector.load %arg9[%swap3A_261, %swap3A_262] : memref<4096x8xf32, #tpu.memory_space<vmem>>, vector<256x8xf32>
    tpu.vector_store %arg9[%swap3A_261, %swap3A_262], %add3A_260 {strides = array<i32>} : memref<4096x8xf32, #tpu.memory_space<vmem>>, vector<256x8xf32>,
    %slice3A_264 = vector.extract_strided_slice %dot_general3A_216 {offsets = [8, 0], sizes = [1, 8], strides = [1, 1]} : vector<16x8xf32> to vector<1x8xf32>
    %add3A_265 = vector.broadcast %slice3A_264 : vector<1x8xf32> to vector<256x8xf32>
    %add3A_266 = arith.addf %dot_general3A_142, %add3A_265 : vector<256x8xf32>
    %swap3A_267 = arith.constant 2048 : index
    %swap3A_268 = arith.constant 0 : index
    %swap3A_269 = vector.load %arg9[%swap3A_267, %swap3A_268] : memref<4096x8xf32, #tpu.memory_space<vmem>>, vector<256x8xf32>
    tpu.vector_store %arg9[%swap3A_267, %swap3A_268], %add3A_266 {strides = array<i32>} : memref<4096x8xf32, #tpu.memory_space<vmem>>, vector<256x8xf32>,
    %slice3A_270 = vector.extract_strided_slice %dot_general3A_216 {offsets = [9, 0], sizes = [1, 8], strides = [1, 1]} : vector<16x8xf32> to vector<1x8xf32>
    %add3A_271 = vector.broadcast %slice3A_270 : vector<1x8xf32> to vector<256x8xf32>
    %add3A_272 = arith.addf %dot_general3A_151, %add3A_271 : vector<256x8xf32>
    %swap3A_273 = arith.constant 2304 : index
    %swap3A_274 = arith.constant 0 : index
    %swap3A_275 = vector.load %arg9[%swap3A_273, %swap3A_274] : memref<4096x8xf32, #tpu.memory_space<vmem>>, vector<256x8xf32>
    tpu.vector_store %arg9[%swap3A_273, %swap3A_274], %add3A_272 {strides = array<i32>} : memref<4096x8xf32, #tpu.memory_space<vmem>>, vector<256x8xf32>,
    %slice3A_276 = vector.extract_strided_slice %dot_general3A_216 {offsets = [10, 0], sizes = [1, 8], strides = [1, 1]} : vector<16x8xf32> to vector<1x8xf32>
    %add3A_277 = vector.broadcast %slice3A_276 : vector<1x8xf32> to vector<256x8xf32>
    %add3A_278 = arith.addf %dot_general3A_160, %add3A_277 : vector<256x8xf32>
    %swap3A_279 = arith.constant 2560 : index
    %swap3A_280 = arith.constant 0 : index
    %swap3A_281 = vector.load %arg9[%swap3A_279, %swap3A_280] : memref<4096x8xf32, #tpu.memory_space<vmem>>, vector<256x8xf32>
    tpu.vector_store %arg9[%swap3A_279, %swap3A_280], %add3A_278 {strides = array<i32>} : memref<4096x8xf32, #tpu.memory_space<vmem>>, vector<256x8xf32>,
    %slice3A_282 = vector.extract_strided_slice %dot_general3A_216 {offsets = [11, 0], sizes = [1, 8], strides = [1, 1]} : vector<16x8xf32> to vector<1x8xf32>
    %add3A_283 = vector.broadcast %slice3A_282 : vector<1x8xf32> to vector<256x8xf32>
    %add3A_284 = arith.addf %dot_general3A_169, %add3A_283 : vector<256x8xf32>
    %swap3A_285 = arith.constant 2816 : index
    %swap3A_286 = arith.constant 0 : index
    %swap3A_287 = vector.load %arg9[%swap3A_285, %swap3A_286] : memref<4096x8xf32, #tpu.memory_space<vmem>>, vector<256x8xf32>
    tpu.vector_store %arg9[%swap3A_285, %swap3A_286], %add3A_284 {strides = array<i32>} : memref<4096x8xf32, #tpu.memory_space<vmem>>, vector<256x8xf32>,
    %slice3A_288 = vector.extract_strided_slice %dot_general3A_216 {offsets = [12, 0], sizes = [1, 8], strides = [1, 1]} : vector<16x8xf32> to vector<1x8xf32>
    %add3A_289 = vector.broadcast %slice3A_288 : vector<1x8xf32> to vector<256x8xf32>
    %add3A_290 = arith.addf %dot_general3A_178, %add3A_289 : vector<256x8xf32>
    %swap3A_291 = arith.constant 3072 : index
    %swap3A_292 = arith.constant 0 : index
    %swap3A_293 = vector.load %arg9[%swap3A_291, %swap3A_292] : memref<4096x8xf32, #tpu.memory_space<vmem>>, vector<256x8xf32>
    tpu.vector_store %arg9[%swap3A_291, %swap3A_292], %add3A_290 {strides = array<i32>} : memref<4096x8xf32, #tpu.memory_space<vmem>>, vector<256x8xf32>,
    %slice3A_294 = vector.extract_strided_slice %dot_general3A_216 {offsets = [13, 0], sizes = [1, 8], strides = [1, 1]} : vector<16x8xf32> to vector<1x8xf32>
    %add3A_295 = vector.broadcast %slice3A_294 : vector<1x8xf32> to vector<256x8xf32>
    %add3A_296 = arith.addf %dot_general3A_187, %add3A_295 : vector<256x8xf32>
    %swap3A_297 = arith.constant 3328 : index
    %swap3A_298 = arith.constant 0 : index
    %swap3A_299 = vector.load %arg9[%swap3A_297, %swap3A_298] : memref<4096x8xf32, #tpu.memory_space<vmem>>, vector<256x8xf32>
    tpu.vector_store %arg9[%swap3A_297, %swap3A_298], %add3A_296 {strides = array<i32>} : memref<4096x8xf32, #tpu.memory_space<vmem>>, vector<256x8xf32>,
    %slice3A_300 = vector.extract_strided_slice %dot_general3A_216 {offsets = [14, 0], sizes = [1, 8], strides = [1, 1]} : vector<16x8xf32> to vector<1x8xf32>
    %add3A_301 = vector.broadcast %slice3A_300 : vector<1x8xf32> to vector<256x8xf32>
    %add3A_302 = arith.addf %dot_general3A_196, %add3A_301 : vector<256x8xf32>
    %swap3A_303 = arith.constant 3584 : index
    %swap3A_304 = arith.constant 0 : index
    %swap3A_305 = vector.load %arg9[%swap3A_303, %swap3A_304] : memref<4096x8xf32, #tpu.memory_space<vmem>>, vector<256x8xf32>
    tpu.vector_store %arg9[%swap3A_303, %swap3A_304], %add3A_302 {strides = array<i32>} : memref<4096x8xf32, #tpu.memory_space<vmem>>, vector<256x8xf32>,
    %slice3A_306 = vector.extract_strided_slice %dot_general3A_216 {offsets = [15, 0], sizes = [1, 8], strides = [1, 1]} : vector<16x8xf32> to vector<1x8xf32>
    %add3A_307 = vector.broadcast %slice3A_306 : vector<1x8xf32> to vector<256x8xf32>
    %add3A_308 = arith.addf %dot_general3A_205, %add3A_307 : vector<256x8xf32>
    %swap3A_309 = arith.constant 3840 : index
    %swap3A_310 = arith.constant 0 : index
    %swap3A_311 = vector.load %arg9[%swap3A_309, %swap3A_310] : memref<4096x8xf32, #tpu.memory_space<vmem>>, vector<256x8xf32>
    tpu.vector_store %arg9[%swap3A_309, %swap3A_310], %add3A_308 {strides = array<i32>} : memref<4096x8xf32, #tpu.memory_space<vmem>>, vector<256x8xf32>,
    %slice3A_312 = vector.extract_strided_slice %dot_general3A_216 {offsets = [15, 0], sizes = [1, 8], strides = [1, 1]} : vector<16x8xf32> to vector<1x8xf32>
    %slice3A_313 = vector.extract_strided_slice %concatenate3A_209 {offsets = [15, 0], sizes = [1, 8], strides = [1, 1]} : vector<16x8xf32> to vector<1x8xf32>
    %add3A_314 = arith.addf %slice3A_312, %slice3A_313 : vector<1x8xf32>
    %add3A_315 = arith.constant 5.110000e+02 : f32
    %add3A_316 = vector.broadcast %add3A_315 : f32 to vector<1x8xf32>
    %add3A_317 = arith.addf %add3A_314, %add3A_316 : vector<1x8xf32>
    %div3A_318 = arith.constant 5.120000e+02 : f32
    %div3A_319 = vector.broadcast %div3A_318 : f32 to vector<1x8xf32>
    %div3A_320 = arith.divf %add3A_317, %div3A_319 : vector<1x8xf32>
    %floor3A = math.floor %div3A_320 : vector<1x8xf32>
    %mul3A = arith.constant 5.120000e+02 : f32
    %mul3A_321 = vector.broadcast %mul3A : f32 to vector<1x8xf32>
    %mul3A_322 = arith.mulf %floor3A, %mul3A_321 : vector<1x8xf32>
    %iota3A_323 = tpu.iota {dimensions = array<i32: 0>} : vector<8x8xi32>
    %iota3A_324 = tpu.iota {dimensions = array<i32: 1>} : vector<8x8xi32>
    %lt3A_325 = arith.cmpi slt, %iota3A_324, %iota3A_323 : vector<8x8xi32>
    %convert_element_type3A_326 = arith.extui %lt3A_325 : vector<8x8xi1> to vector<8x8xi32>
    %convert_element_type3A_327 = arith.sitofp %convert_element_type3A_326 : vector<8x8xi32> to vector<8x8xf32>
    %dot_general3A_328 = arith.constant dense<0.000000e+00> : vector<1x8xf32>
    %dot_general3A_329 = tpu.matmul %mul3A_322, %convert_element_type3A_327, %dot_general3A_328 {dimension_numbers = #tpu.dot_dimension_numbers<[1], [1], [0], [0], [0, 0, 1, 0], [], []>, transpose_lhs_hint = false} : vector<1x8xf32>, vector<8x8xf32>, vector<1x8xf32> -> vector<1x8xf32>
    %add3A_330 = arith.addf %dot_general3A_329, %mul3A_322 : vector<1x8xf32>
    %mul3A_331 = arith.constant 0.001953125 : f32
    %mul3A_332 = vector.broadcast %mul3A_331 : f32 to vector<1x8xf32>
    %mul3A_333 = arith.mulf %add3A_330, %mul3A_332 : vector<1x8xf32>
    %convert_element_type3A_334 = arith.fptosi %mul3A_333 : vector<1x8xf32> to vector<1x8xi32>
    %iota3A_335 = tpu.iota {dimensions = array<i32: 0>} : vector<24x8xi32>
    %ge3A = vector.broadcast %convert_element_type3A_334 : vector<1x8xi32> to vector<24x8xi32>
    %ge3A_336 = arith.cmpi sge, %iota3A_335, %ge3A : vector<24x8xi32>
    %convert_element_type3A_337 = arith.extui %ge3A_336 : vector<24x8xi1> to vector<24x8xi32>
    %reduce_sum3A_338 = arith.constant dense<0> : vector<24xi32>
    %reduce_sum3A_339 = vector.multi_reduction <add>, %convert_element_type3A_337, %reduce_sum3A_338 [1] : vector<24x8xi32> to vector<24xi32>
    %min3A = arith.constant 7 : i32
    %min3A_340 = vector.broadcast %min3A : i32 to vector<24xi32>
    %min3A_341 = arith.minsi %reduce_sum3A_339, %min3A_340 : vector<24xi32>
    %broadcast_in_dim3A_342 = vector.shape_cast %min3A_341 : vector<24xi32> to vector<1x24xi32>
    %swap3A_343 = arith.constant 0 : index
    %swap3A_344 = arith.constant 0 : index
    %swap3A_345 = vector.load %arg8[%swap3A_343, %swap3A_344] : memref<1x24xi32, #tpu.memory_space<vmem>>, vector<1x24xi32>
    tpu.vector_store %arg8[%swap3A_343, %swap3A_344], %broadcast_in_dim3A_342 {strides = array<i32>} : memref<1x24xi32, #tpu.memory_space<vmem>>, vector<1x24xi32>,
    %get3A_346 = arith.constant 0 : index
    %get3A_347 = arith.constant 0 : index
    %get3A_348 = vector.load %arg9[%get3A_346, %get3A_347] : memref<4096x8xf32, #tpu.memory_space<vmem>>, vector<4096x8xf32>
    %add3A_349 = vector.broadcast %dot_general3A_329 : vector<1x8xf32> to vector<4096x8xf32>
    %add3A_350 = arith.addf %add3A_349, %get3A_348 : vector<4096x8xf32>
    %jit3A_351 = arith.constant 0.000000e+00 : f32
    %broadcast_in_dim3A_352 = vector.broadcast %jit3A_351 : f32 to vector<4096x8xf32>
    %select_n3A_353 = arith.select %eq3A_52, %add3A_350, %broadcast_in_dim3A_352 : vector<4096x8xi1>, vector<4096x8xf32>
    %reduce_sum3A_354 = arith.constant dense<0.000000e+00> : vector<4096xf32>
    %reduce_sum3A_355 = vector.multi_reduction <add>, %select_n3A_353, %reduce_sum3A_354 [1] : vector<4096x8xf32> to vector<4096xf32>
    %jit3A_356 = arith.constant 0.000000e+00 : f32
    %broadcast_in_dim3A_357 = vector.broadcast %jit3A_356 : f32 to vector<4096x8xf32>
    %select_n3A_358 = arith.select %eq3A_55, %add3A_350, %broadcast_in_dim3A_357 : vector<4096x8xi1>, vector<4096x8xf32>
    %reduce_sum3A_359 = arith.constant dense<0.000000e+00> : vector<4096xf32>
    %reduce_sum3A_360 = vector.multi_reduction <add>, %select_n3A_358, %reduce_sum3A_359 [1] : vector<4096x8xf32> to vector<4096xf32>
    %convert_element_type3A_361 = arith.fptosi %reduce_sum3A_355 : vector<4096xf32> to vector<4096xi32>
    %reshape3A = vector.shape_cast %convert_element_type3A_361 : vector<4096xi32> to vector<32x128xi32>
    %swap3A_362 = arith.constant 0 : index
    %swap3A_363 = arith.constant 0 : index
    %swap3A_364 = vector.load %arg6[%swap3A_362, %swap3A_363] : memref<32x128xi32, #tpu.memory_space<vmem>>, vector<32x128xi32>
    tpu.vector_store %arg6[%swap3A_362, %swap3A_363], %reshape3A {strides = array<i32>} : memref<32x128xi32, #tpu.memory_space<vmem>>, vector<32x128xi32>,
    %convert_element_type3A_365 = arith.fptosi %reduce_sum3A_360 : vector<4096xf32> to vector<4096xi32>
    %reshape3A_366 = vector.shape_cast %convert_element_type3A_365 : vector<4096xi32> to vector<32x128xi32>
    %swap3A_367 = arith.constant 0 : index
    %swap3A_368 = arith.constant 0 : index
    %swap3A_369 = vector.load %arg7[%swap3A_367, %swap3A_368] : memref<32x128xi32, #tpu.memory_space<vmem>>, vector<32x128xi32>
    tpu.vector_store %arg7[%swap3A_367, %swap3A_368], %reshape3A_366 {strides = array<i32>} : memref<32x128xi32, #tpu.memory_space<vmem>>, vector<32x128xi32>,
    return
  }
}

module attributes {stable_mosaic.version = 14 : i64} {
  func.func @_group_body(%arg0: i32, %arg1: memref<1x24xi32, #tpu.memory_space<smem>>, %arg2: memref<512x1024xf32, #tpu.memory_space<vmem>>, %arg3: memref<1x512x1024xf32, #tpu.memory_space<vmem>>, %arg4: memref<1x1x512xf32, #tpu.memory_space<vmem>>, %arg5: memref<1x512x1024xf32, #tpu.memory_space<vmem>>, %arg6: memref<1x1x512xf32, #tpu.memory_space<vmem>>, %arg7: memref<1x1024x512xf32, #tpu.memory_space<vmem>>, %arg8: memref<1x1x1024xf32, #tpu.memory_space<vmem>>, %arg9: memref<512x1024xf32, #tpu.memory_space<vmem>>) attributes {dimension_semantics = [#tpu.dimension_semantics<arbitrary>], iteration_bounds = array<i64: 24>, scalar_prefetch = 1 : i64, scratch_operands = 0 : i64, tpu.core_type = #tpu.core_type<tc>, window_params = [{transform_indices = @transform_0, window_bounds = array<i64: 512, 1024>}, {transform_indices = @transform_1, window_bounds = array<i64: 1, 512, 1024>}, {transform_indices = @transform_2, window_bounds = array<i64: 1, 1, 512>}, {transform_indices = @transform_3, window_bounds = array<i64: 1, 512, 1024>}, {transform_indices = @transform_4, window_bounds = array<i64: 1, 1, 512>}, {transform_indices = @transform_5, window_bounds = array<i64: 1, 1024, 512>}, {transform_indices = @transform_6, window_bounds = array<i64: 1, 1, 1024>}, {transform_indices = @transform_7, window_bounds = array<i64: 512, 1024>}]} {
    %get3A = arith.constant 0 : index
    %get3A_0 = arith.constant 0 : index
    %get3A_1 = vector.load %arg2[%get3A, %get3A_0] : memref<512x1024xf32, #tpu.memory_space<vmem>>, vector<512x1024xf32>
    %convert_element_type3A = arith.truncf %get3A_1 : vector<512x1024xf32> to vector<512x1024xbf16>
    %get3A_2 = arith.constant 0 : index
    %get3A_3 = arith.constant 0 : index
    %get3A_4 = arith.constant 0 : index
    %get3A_5 = vector.load %arg3[%get3A_2, %get3A_3, %get3A_4] : memref<1x512x1024xf32, #tpu.memory_space<vmem>>, vector<1x512x1024xf32>
    %get3A_6 = vector.shape_cast %get3A_5 : vector<1x512x1024xf32> to vector<512x1024xf32>
    %convert_element_type3A_7 = arith.truncf %get3A_6 : vector<512x1024xf32> to vector<512x1024xbf16>
    %dot_general3A = arith.constant dense<0.000000e+00> : vector<512x512xf32>
    %dot_general3A_8 = tpu.matmul %convert_element_type3A, %convert_element_type3A_7, %dot_general3A {dimension_numbers = #tpu.dot_dimension_numbers<[1], [1], [0], [0], [0, 0, 1, 0], [], []>, transpose_lhs_hint = false} : vector<512x1024xbf16>, vector<512x1024xbf16>, vector<512x512xf32> -> vector<512x512xf32>
    %get3A_9 = arith.constant 0 : index
    %get3A_10 = arith.constant 0 : index
    %get3A_11 = arith.constant 0 : index
    %get3A_12 = vector.load %arg4[%get3A_9, %get3A_10, %get3A_11] : memref<1x1x512xf32, #tpu.memory_space<vmem>>, vector<1x1x512xf32>
    %get3A_13 = vector.shape_cast %get3A_12 : vector<1x1x512xf32> to vector<1x512xf32>
    %add3A = vector.broadcast %get3A_13 : vector<1x512xf32> to vector<512x512xf32>
    %add3A_14 = arith.addf %dot_general3A_8, %add3A : vector<512x512xf32>
    %get3A_15 = arith.constant 0 : index
    %get3A_16 = arith.constant 0 : index
    %get3A_17 = arith.constant 0 : index
    %get3A_18 = vector.load %arg5[%get3A_15, %get3A_16, %get3A_17] : memref<1x512x1024xf32, #tpu.memory_space<vmem>>, vector<1x512x1024xf32>
    %get3A_19 = vector.shape_cast %get3A_18 : vector<1x512x1024xf32> to vector<512x1024xf32>
    %convert_element_type3A_20 = arith.truncf %get3A_19 : vector<512x1024xf32> to vector<512x1024xbf16>
    %dot_general3A_21 = arith.constant dense<0.000000e+00> : vector<512x512xf32>
    %dot_general3A_22 = tpu.matmul %convert_element_type3A, %convert_element_type3A_20, %dot_general3A_21 {dimension_numbers = #tpu.dot_dimension_numbers<[1], [1], [0], [0], [0, 0, 1, 0], [], []>, transpose_lhs_hint = false} : vector<512x1024xbf16>, vector<512x1024xbf16>, vector<512x512xf32> -> vector<512x512xf32>
    %get3A_23 = arith.constant 0 : index
    %get3A_24 = arith.constant 0 : index
    %get3A_25 = arith.constant 0 : index
    %get3A_26 = vector.load %arg6[%get3A_23, %get3A_24, %get3A_25] : memref<1x1x512xf32, #tpu.memory_space<vmem>>, vector<1x1x512xf32>
    %get3A_27 = vector.shape_cast %get3A_26 : vector<1x1x512xf32> to vector<1x512xf32>
    %add3A_28 = vector.broadcast %get3A_27 : vector<1x512xf32> to vector<512x512xf32>
    %add3A_29 = arith.addf %dot_general3A_22, %add3A_28 : vector<512x512xf32>
    %logistic3A = arith.negf %add3A_14 : vector<512x512xf32>
    %logistic3A_30 = math.exp %logistic3A : vector<512x512xf32>
    %logistic3A_31 = arith.constant 1.000000e+00 : f32
    %logistic3A_32 = vector.broadcast %logistic3A_31 : f32 to vector<512x512xf32>
    %logistic3A_33 = arith.addf %logistic3A_32, %logistic3A_30 : vector<512x512xf32>
    %logistic3A_34 = arith.divf %logistic3A_32, %logistic3A_33 : vector<512x512xf32>
    %mul3A = arith.mulf %add3A_14, %logistic3A_34 : vector<512x512xf32>
    %mul3A_35 = arith.mulf %mul3A, %add3A_29 : vector<512x512xf32>
    %convert_element_type3A_36 = arith.truncf %mul3A_35 : vector<512x512xf32> to vector<512x512xbf16>
    %get3A_37 = arith.constant 0 : index
    %get3A_38 = arith.constant 0 : index
    %get3A_39 = arith.constant 0 : index
    %get3A_40 = vector.load %arg7[%get3A_37, %get3A_38, %get3A_39] : memref<1x1024x512xf32, #tpu.memory_space<vmem>>, vector<1x1024x512xf32>
    %get3A_41 = vector.shape_cast %get3A_40 : vector<1x1024x512xf32> to vector<1024x512xf32>
    %convert_element_type3A_42 = arith.truncf %get3A_41 : vector<1024x512xf32> to vector<1024x512xbf16>
    %dot_general3A_43 = arith.constant dense<0.000000e+00> : vector<512x1024xf32>
    %dot_general3A_44 = tpu.matmul %convert_element_type3A_36, %convert_element_type3A_42, %dot_general3A_43 {dimension_numbers = #tpu.dot_dimension_numbers<[1], [1], [0], [0], [0, 0, 1, 0], [], []>, transpose_lhs_hint = false} : vector<512x512xbf16>, vector<1024x512xbf16>, vector<512x1024xf32> -> vector<512x1024xf32>
    %get3A_45 = arith.constant 0 : index
    %get3A_46 = arith.constant 0 : index
    %get3A_47 = arith.constant 0 : index
    %get3A_48 = vector.load %arg8[%get3A_45, %get3A_46, %get3A_47] : memref<1x1x1024xf32, #tpu.memory_space<vmem>>, vector<1x1x1024xf32>
    %get3A_49 = vector.shape_cast %get3A_48 : vector<1x1x1024xf32> to vector<1x1024xf32>
    %add3A_50 = vector.broadcast %get3A_49 : vector<1x1024xf32> to vector<512x1024xf32>
    %add3A_51 = arith.addf %dot_general3A_44, %add3A_50 : vector<512x1024xf32>
    %swap3A = arith.constant 0 : index
    %swap3A_52 = arith.constant 0 : index
    %swap3A_53 = vector.load %arg9[%swap3A, %swap3A_52] : memref<512x1024xf32, #tpu.memory_space<vmem>>, vector<512x1024xf32>
    tpu.vector_store %arg9[%swap3A, %swap3A_52], %add3A_51 {strides = array<i32>} : memref<512x1024xf32, #tpu.memory_space<vmem>>, vector<512x1024xf32>,
    return
  }
  func.func @transform_0(%arg0: i32, %arg1: memref<1x24xi32, #tpu.memory_space<smem>>) -> (i32, i32) {
    %c0_i32 = arith.constant 0 : i32
    %c0_i32_0 = arith.constant 0 : i32
    return %arg0, %c0_i32 : i32, i32
  }
  func.func @transform_1(%arg0: i32, %arg1: memref<1x24xi32, #tpu.memory_space<smem>>) -> (i32, i32, i32) {
    %get3A = arith.constant 0 : index
    %get3A_0 = arith.index_cast %arg0 : i32 to index
    %get3A_1 = memref.load %arg1[%get3A, %get3A_0] : memref<1x24xi32, #tpu.memory_space<smem>>
    %c0_i32 = arith.constant 0 : i32
    %c0_i32_2 = arith.constant 0 : i32
    %c0_i32_3 = arith.constant 0 : i32
    return %get3A_1, %c0_i32, %c0_i32_2 : i32, i32, i32
  }
  func.func @transform_2(%arg0: i32, %arg1: memref<1x24xi32, #tpu.memory_space<smem>>) -> (i32, i32, i32) {
    %get3A = arith.constant 0 : index
    %get3A_0 = arith.index_cast %arg0 : i32 to index
    %get3A_1 = memref.load %arg1[%get3A, %get3A_0] : memref<1x24xi32, #tpu.memory_space<smem>>
    %c0_i32 = arith.constant 0 : i32
    %c0_i32_2 = arith.constant 0 : i32
    %c0_i32_3 = arith.constant 0 : i32
    return %get3A_1, %c0_i32, %c0_i32_2 : i32, i32, i32
  }
  func.func @transform_3(%arg0: i32, %arg1: memref<1x24xi32, #tpu.memory_space<smem>>) -> (i32, i32, i32) {
    %get3A = arith.constant 0 : index
    %get3A_0 = arith.index_cast %arg0 : i32 to index
    %get3A_1 = memref.load %arg1[%get3A, %get3A_0] : memref<1x24xi32, #tpu.memory_space<smem>>
    %c0_i32 = arith.constant 0 : i32
    %c0_i32_2 = arith.constant 0 : i32
    %c0_i32_3 = arith.constant 0 : i32
    return %get3A_1, %c0_i32, %c0_i32_2 : i32, i32, i32
  }
  func.func @transform_4(%arg0: i32, %arg1: memref<1x24xi32, #tpu.memory_space<smem>>) -> (i32, i32, i32) {
    %get3A = arith.constant 0 : index
    %get3A_0 = arith.index_cast %arg0 : i32 to index
    %get3A_1 = memref.load %arg1[%get3A, %get3A_0] : memref<1x24xi32, #tpu.memory_space<smem>>
    %c0_i32 = arith.constant 0 : i32
    %c0_i32_2 = arith.constant 0 : i32
    %c0_i32_3 = arith.constant 0 : i32
    return %get3A_1, %c0_i32, %c0_i32_2 : i32, i32, i32
  }
  func.func @transform_5(%arg0: i32, %arg1: memref<1x24xi32, #tpu.memory_space<smem>>) -> (i32, i32, i32) {
    %get3A = arith.constant 0 : index
    %get3A_0 = arith.index_cast %arg0 : i32 to index
    %get3A_1 = memref.load %arg1[%get3A, %get3A_0] : memref<1x24xi32, #tpu.memory_space<smem>>
    %c0_i32 = arith.constant 0 : i32
    %c0_i32_2 = arith.constant 0 : i32
    %c0_i32_3 = arith.constant 0 : i32
    return %get3A_1, %c0_i32, %c0_i32_2 : i32, i32, i32
  }
  func.func @transform_6(%arg0: i32, %arg1: memref<1x24xi32, #tpu.memory_space<smem>>) -> (i32, i32, i32) {
    %get3A = arith.constant 0 : index
    %get3A_0 = arith.index_cast %arg0 : i32 to index
    %get3A_1 = memref.load %arg1[%get3A, %get3A_0] : memref<1x24xi32, #tpu.memory_space<smem>>
    %c0_i32 = arith.constant 0 : i32
    %c0_i32_2 = arith.constant 0 : i32
    %c0_i32_3 = arith.constant 0 : i32
    return %get3A_1, %c0_i32, %c0_i32_2 : i32, i32, i32
  }
  func.func @transform_7(%arg0: i32, %arg1: memref<1x24xi32, #tpu.memory_space<smem>>) -> (i32, i32) {
    %c0_i32 = arith.constant 0 : i32
    %c0_i32_0 = arith.constant 0 : i32
    return %arg0, %c0_i32 : i32, i32
  }
}

module attributes {stable_mosaic.version = 14 : i64} {
  func.func @_shared_h_body(%arg0: i32, %arg1: memref<512x1024xf32, #tpu.memory_space<vmem>>, %arg2: memref<1024x1024xf32, #tpu.memory_space<vmem>>, %arg3: memref<1x1024xf32, #tpu.memory_space<vmem>>, %arg4: memref<1024x1024xf32, #tpu.memory_space<vmem>>, %arg5: memref<1x1024xf32, #tpu.memory_space<vmem>>, %arg6: memref<512x1024xbf16, #tpu.memory_space<vmem>>) attributes {dimension_semantics = [#tpu.dimension_semantics<arbitrary>], iteration_bounds = array<i64: 8>, scalar_prefetch = 0 : i64, scratch_operands = 0 : i64, tpu.core_type = #tpu.core_type<tc>, window_params = [{transform_indices = @transform_0, window_bounds = array<i64: 512, 1024>}, {pipeline_mode = #tpu.pipeline_mode<synchronous>, transform_indices = @transform_1, window_bounds = array<i64: 1024, 1024>}, {pipeline_mode = #tpu.pipeline_mode<synchronous>, transform_indices = @transform_2, window_bounds = array<i64: 1, 1024>}, {pipeline_mode = #tpu.pipeline_mode<synchronous>, transform_indices = @transform_3, window_bounds = array<i64: 1024, 1024>}, {pipeline_mode = #tpu.pipeline_mode<synchronous>, transform_indices = @transform_4, window_bounds = array<i64: 1, 1024>}, {transform_indices = @transform_5, window_bounds = array<i64: 512, 1024>}]} {
    %get3A = arith.constant 0 : index
    %get3A_0 = arith.constant 0 : index
    %get3A_1 = vector.load %arg1[%get3A, %get3A_0] : memref<512x1024xf32, #tpu.memory_space<vmem>>, vector<512x1024xf32>
    %convert_element_type3A = arith.truncf %get3A_1 : vector<512x1024xf32> to vector<512x1024xbf16>
    %get3A_2 = arith.constant 0 : index
    %get3A_3 = arith.constant 0 : index
    %get3A_4 = vector.load %arg2[%get3A_2, %get3A_3] : memref<1024x1024xf32, #tpu.memory_space<vmem>>, vector<1024x1024xf32>
    %convert_element_type3A_5 = arith.truncf %get3A_4 : vector<1024x1024xf32> to vector<1024x1024xbf16>
    %dot_general3A = arith.constant dense<0.000000e+00> : vector<512x1024xf32>
    %dot_general3A_6 = tpu.matmul %convert_element_type3A, %convert_element_type3A_5, %dot_general3A {dimension_numbers = #tpu.dot_dimension_numbers<[1], [1], [0], [0], [0, 0, 1, 0], [], []>, transpose_lhs_hint = false} : vector<512x1024xbf16>, vector<1024x1024xbf16>, vector<512x1024xf32> -> vector<512x1024xf32>
    %get3A_7 = arith.constant 0 : index
    %get3A_8 = arith.constant 0 : index
    %get3A_9 = vector.load %arg3[%get3A_7, %get3A_8] : memref<1x1024xf32, #tpu.memory_space<vmem>>, vector<1x1024xf32>
    %add3A = vector.broadcast %get3A_9 : vector<1x1024xf32> to vector<512x1024xf32>
    %add3A_10 = arith.addf %dot_general3A_6, %add3A : vector<512x1024xf32>
    %get3A_11 = arith.constant 0 : index
    %get3A_12 = arith.constant 0 : index
    %get3A_13 = vector.load %arg4[%get3A_11, %get3A_12] : memref<1024x1024xf32, #tpu.memory_space<vmem>>, vector<1024x1024xf32>
    %convert_element_type3A_14 = arith.truncf %get3A_13 : vector<1024x1024xf32> to vector<1024x1024xbf16>
    %dot_general3A_15 = arith.constant dense<0.000000e+00> : vector<512x1024xf32>
    %dot_general3A_16 = tpu.matmul %convert_element_type3A, %convert_element_type3A_14, %dot_general3A_15 {dimension_numbers = #tpu.dot_dimension_numbers<[1], [1], [0], [0], [0, 0, 1, 0], [], []>, transpose_lhs_hint = false} : vector<512x1024xbf16>, vector<1024x1024xbf16>, vector<512x1024xf32> -> vector<512x1024xf32>
    %get3A_17 = arith.constant 0 : index
    %get3A_18 = arith.constant 0 : index
    %get3A_19 = vector.load %arg5[%get3A_17, %get3A_18] : memref<1x1024xf32, #tpu.memory_space<vmem>>, vector<1x1024xf32>
    %add3A_20 = vector.broadcast %get3A_19 : vector<1x1024xf32> to vector<512x1024xf32>
    %add3A_21 = arith.addf %dot_general3A_16, %add3A_20 : vector<512x1024xf32>
    %logistic3A = arith.negf %add3A_10 : vector<512x1024xf32>
    %logistic3A_22 = math.exp %logistic3A : vector<512x1024xf32>
    %logistic3A_23 = arith.constant 1.000000e+00 : f32
    %logistic3A_24 = vector.broadcast %logistic3A_23 : f32 to vector<512x1024xf32>
    %logistic3A_25 = arith.addf %logistic3A_24, %logistic3A_22 : vector<512x1024xf32>
    %logistic3A_26 = arith.divf %logistic3A_24, %logistic3A_25 : vector<512x1024xf32>
    %mul3A = arith.mulf %add3A_10, %logistic3A_26 : vector<512x1024xf32>
    %mul3A_27 = arith.mulf %mul3A, %add3A_21 : vector<512x1024xf32>
    %convert_element_type3A_28 = arith.truncf %mul3A_27 : vector<512x1024xf32> to vector<512x1024xbf16>
    %swap3A = arith.constant 0 : index
    %swap3A_29 = arith.constant 0 : index
    %swap3A_30 = vector.load %arg6[%swap3A, %swap3A_29] : memref<512x1024xbf16, #tpu.memory_space<vmem>>, vector<512x1024xbf16>
    tpu.vector_store %arg6[%swap3A, %swap3A_29], %convert_element_type3A_28 {strides = array<i32>} : memref<512x1024xbf16, #tpu.memory_space<vmem>>, vector<512x1024xbf16>,
    return
  }
  func.func @transform_0(%arg0: i32) -> (i32, i32) {
    %c0_i32 = arith.constant 0 : i32
    %c0_i32_0 = arith.constant 0 : i32
    return %arg0, %c0_i32 : i32, i32
  }
  func.func @transform_1(%arg0: i32) -> (i32, i32) {
    %c0_i32 = arith.constant 0 : i32
    %c0_i32_0 = arith.constant 0 : i32
    %c0_i32_1 = arith.constant 0 : i32
    return %c0_i32, %c0_i32_0 : i32, i32
  }
  func.func @transform_2(%arg0: i32) -> (i32, i32) {
    %c0_i32 = arith.constant 0 : i32
    %c0_i32_0 = arith.constant 0 : i32
    %c0_i32_1 = arith.constant 0 : i32
    return %c0_i32, %c0_i32_0 : i32, i32
  }
  func.func @transform_3(%arg0: i32) -> (i32, i32) {
    %c0_i32 = arith.constant 0 : i32
    %c0_i32_0 = arith.constant 0 : i32
    %c0_i32_1 = arith.constant 0 : i32
    return %c0_i32, %c0_i32_0 : i32, i32
  }
  func.func @transform_4(%arg0: i32) -> (i32, i32) {
    %c0_i32 = arith.constant 0 : i32
    %c0_i32_0 = arith.constant 0 : i32
    %c0_i32_1 = arith.constant 0 : i32
    return %c0_i32, %c0_i32_0 : i32, i32
  }
  func.func @transform_5(%arg0: i32) -> (i32, i32) {
    %c0_i32 = arith.constant 0 : i32
    %c0_i32_0 = arith.constant 0 : i32
    return %arg0, %c0_i32 : i32, i32
  }
}

module attributes {stable_mosaic.version = 14 : i64} {
  func.func @_shared_body(%arg0: i32, %arg1: memref<512x1024xbf16, #tpu.memory_space<vmem>>, %arg2: memref<1024x1024xf32, #tpu.memory_space<vmem>>, %arg3: memref<1x1024xf32, #tpu.memory_space<vmem>>, %arg4: memref<512x1024xf32, #tpu.memory_space<vmem>>, %arg5: memref<512x1024xf32, #tpu.memory_space<vmem>>, %arg6: memref<512x1xf32, #tpu.memory_space<vmem>>, %arg7: memref<512x1024xf32, #tpu.memory_space<vmem>>) attributes {dimension_semantics = [#tpu.dimension_semantics<arbitrary>], iteration_bounds = array<i64: 8>, scalar_prefetch = 0 : i64, scratch_operands = 0 : i64, tpu.core_type = #tpu.core_type<tc>, window_params = [{transform_indices = @transform_0, window_bounds = array<i64: 512, 1024>}, {pipeline_mode = #tpu.pipeline_mode<synchronous>, transform_indices = @transform_1, window_bounds = array<i64: 1024, 1024>}, {pipeline_mode = #tpu.pipeline_mode<synchronous>, transform_indices = @transform_2, window_bounds = array<i64: 1, 1024>}, {transform_indices = @transform_3, window_bounds = array<i64: 512, 1024>}, {transform_indices = @transform_4, window_bounds = array<i64: 512, 1024>}, {transform_indices = @transform_5, window_bounds = array<i64: 512, 1>}, {transform_indices = @transform_6, window_bounds = array<i64: 512, 1024>}]} {
    %get3A = arith.constant 0 : index
    %get3A_0 = arith.constant 0 : index
    %get3A_1 = vector.load %arg1[%get3A, %get3A_0] : memref<512x1024xbf16, #tpu.memory_space<vmem>>, vector<512x1024xbf16>
    %get3A_2 = arith.constant 0 : index
    %get3A_3 = arith.constant 0 : index
    %get3A_4 = vector.load %arg2[%get3A_2, %get3A_3] : memref<1024x1024xf32, #tpu.memory_space<vmem>>, vector<1024x1024xf32>
    %convert_element_type3A = arith.truncf %get3A_4 : vector<1024x1024xf32> to vector<1024x1024xbf16>
    %dot_general3A = arith.constant dense<0.000000e+00> : vector<512x1024xf32>
    %dot_general3A_5 = tpu.matmul %get3A_1, %convert_element_type3A, %dot_general3A {dimension_numbers = #tpu.dot_dimension_numbers<[1], [1], [0], [0], [0, 0, 1, 0], [], []>, transpose_lhs_hint = false} : vector<512x1024xbf16>, vector<1024x1024xbf16>, vector<512x1024xf32> -> vector<512x1024xf32>
    %get3A_6 = arith.constant 0 : index
    %get3A_7 = arith.constant 0 : index
    %get3A_8 = vector.load %arg3[%get3A_6, %get3A_7] : memref<1x1024xf32, #tpu.memory_space<vmem>>, vector<1x1024xf32>
    %add3A = vector.broadcast %get3A_8 : vector<1x1024xf32> to vector<512x1024xf32>
    %add3A_9 = arith.addf %dot_general3A_5, %add3A : vector<512x1024xf32>
    %get3A_10 = arith.constant 0 : index
    %get3A_11 = arith.constant 0 : index
    %get3A_12 = vector.load %arg4[%get3A_10, %get3A_11] : memref<512x1024xf32, #tpu.memory_space<vmem>>, vector<512x1024xf32>
    %get3A_13 = arith.constant 0 : index
    %get3A_14 = arith.constant 0 : index
    %get3A_15 = vector.load %arg5[%get3A_13, %get3A_14] : memref<512x1024xf32, #tpu.memory_space<vmem>>, vector<512x1024xf32>
    %add3A_16 = arith.addf %get3A_12, %get3A_15 : vector<512x1024xf32>
    %get3A_17 = arith.constant 0 : index
    %get3A_18 = arith.constant 0 : index
    %get3A_19 = vector.load %arg6[%get3A_17, %get3A_18] : memref<512x1xf32, #tpu.memory_space<vmem>>, vector<512x1xf32>
    %mul3A = vector.broadcast %get3A_19 : vector<512x1xf32> to vector<512x1024xf32>
    %mul3A_20 = arith.mulf %add3A_16, %mul3A : vector<512x1024xf32>
    %add3A_21 = arith.addf %mul3A_20, %add3A_9 : vector<512x1024xf32>
    %swap3A = arith.constant 0 : index
    %swap3A_22 = arith.constant 0 : index
    %swap3A_23 = vector.load %arg7[%swap3A, %swap3A_22] : memref<512x1024xf32, #tpu.memory_space<vmem>>, vector<512x1024xf32>
    tpu.vector_store %arg7[%swap3A, %swap3A_22], %add3A_21 {strides = array<i32>} : memref<512x1024xf32, #tpu.memory_space<vmem>>, vector<512x1024xf32>,
    return
  }
  func.func @transform_0(%arg0: i32) -> (i32, i32) {
    %c0_i32 = arith.constant 0 : i32
    %c0_i32_0 = arith.constant 0 : i32
    return %arg0, %c0_i32 : i32, i32
  }
  func.func @transform_1(%arg0: i32) -> (i32, i32) {
    %c0_i32 = arith.constant 0 : i32
    %c0_i32_0 = arith.constant 0 : i32
    %c0_i32_1 = arith.constant 0 : i32
    return %c0_i32, %c0_i32_0 : i32, i32
  }
  func.func @transform_2(%arg0: i32) -> (i32, i32) {
    %c0_i32 = arith.constant 0 : i32
    %c0_i32_0 = arith.constant 0 : i32
    %c0_i32_1 = arith.constant 0 : i32
    return %c0_i32, %c0_i32_0 : i32, i32
  }
  func.func @transform_3(%arg0: i32) -> (i32, i32) {
    %c0_i32 = arith.constant 0 : i32
    %c0_i32_0 = arith.constant 0 : i32
    return %arg0, %c0_i32 : i32, i32
  }
  func.func @transform_4(%arg0: i32) -> (i32, i32) {
    %c0_i32 = arith.constant 0 : i32
    %c0_i32_0 = arith.constant 0 : i32
    return %arg0, %c0_i32 : i32, i32
  }
  func.func @transform_5(%arg0: i32) -> (i32, i32) {
    %c0_i32 = arith.constant 0 : i32
    %c0_i32_0 = arith.constant 0 : i32
    return %arg0, %c0_i32 : i32, i32
  }
  func.func @transform_6(%arg0: i32) -> (i32, i32) {
    %c0_i32 = arith.constant 0 : i32
    %c0_i32_0 = arith.constant 0 : i32
    return %arg0, %c0_i32 : i32, i32
  }
}

</mosaic_0001>

<sc_bundles>
// kernel: kernel.11.cloned.1.call-start
scs
__scs_entry_jumppad:
0x0: {  	(pc) =	sbr.rel $0x88, $3  }
0x1: {  	(tag) =	ssettag $0x0;
	lr =	simm.s32 $0x1  }
0x2: {  	[smem:$0x3F92] =	sst lr;
	_ =	strace $0xD0000000  }
0x3: {  	_ = 	snop  }
0x4: {  	_ = 	snop  }
0x5: {  	_ = 	snop  }
0x6: {  	_ = 	snop  }
0x7: {  	_ = 	snop  }
__scs_overlays_trampoline_lowered:
0x8: {  	[smem:$0x3FA1] =	sst s0  }
0x9: {  	[smem:$0x3FA2] =	sst s1  }
0xa: {  	[smem:$0x3FA3] =	sst s2  }
0xb: {  	[smem:$0x3FA4] =	sst s3  }
0xc: {  	[smem:$0x3FA5] =	sst s4  }
0xd: {  	[smem:$0x3FA6] =	sst s5  }
0xe: {  	[smem:$0x3FA7] =	sst s6  }
0xf: {  	[smem:$0x3FA8] =	sst s7  }
0x10: {  	[smem:$0x3FA9] =	sst s8  }
0x11: {  	[smem:$0x3FAA] =	sst s9;
	s0 =	simm.s32 @!p0 $0x0  }
0x12: {  	s1 =	sld [smem:$0x3F90];
	s0 =	simm.s32 @p0 $0x1  }
0x13: {  	[smem:$0x3FAB] =	sst s0;
	s0 =	simm.s32 @!p1 $0x0  }
0x14: {  	s2 =	sld [smem:$0x3F8F];
	s0 =	simm.s32 @p1 $0x1  }
0x15: {  	[smem:$0x3FAC] =	sst s0;
	s0 =	simm.s32 @!p2 $0x0  }
0x16: {  	s3 =	sld [smem:$0x3FDB];
	s0 =	simm.s32 @p2 $0x1  }
0x17: {  	s4 =	simm.s32 $0x1BF5;
	[smem:$0x3FAE] =	sst s0  }
0x18: {  	s0 =	sld [smem:$0x3F91];
	_ =	swait.ge [sflag:s4], $0x0  }
0x19: {  	s7 =	sld [smem:$0x3F92]  }
0x1a: {  	s8 =	sadd.s32 $0xFFFFE003, lr  }
0x1b: {  	s9 =	sadd.s32 $0xFFFFFEF7, lr;
	s5 =	simm.s32 $0xFFFFFFFF;
	p2 =	slt.u32 s8, $0xFFFFF086  }
0x1c: {  	p1 =	slt.u32 s9, $0xF7A;
	s5 =	simm.s32 @!p2 $0x0  }
0x1d: {  	s5 =	simm.s32 @p1 $0x1;
	p0 =	seq.s32 s7, s2  }
0x1e: {  	s7 =	smul.u32 @!p0 $0xF7A, s2;
	p2 =	seq.s32 @!p0 s5, $0x0  }
0x1f: {  	s9 =	smul.u32 $0xF7A, s1;
	s8 =	simm.s32 @!p0 $0x1BF5;
	p2 =	por !p2, p0  }
0x20: {  	[sflag:s8] =	ssyncset.s32 @!p0 $0xFFFFF086;
	s6 =	sadd.s32 @!p0 s3, s7;
	s7 =	simm.s32 @!p0 $0x108  }
0x21: {  	s3 =	sadd.s32 s3, s9;
	s6 =	sadd.s32 @!p0 $0x88, s6;
	s7 =	simm.s32 @p2 $0x1082  }
0x22: {  	[simem:s7], [sflag:s8] =	dma.local @!p0 [hbm:s6], $0xF7A  }
0x23: {  	s9 =	sor.u32 $0xD0000000, s2;
	s6 =	simm.s32 $0x108;
	_ =	swait.ge @!p0 [sflag:s8], $0x0  }
0x24: {  	s3 =	sadd.s32 $0x88, s3;
	s6 =	simm.s32 @!p1 $0x1082;
	[sflag:s4] =	ssyncset.s32 $0xFFFFF086  }
0x25: {  	[simem:s6], [sflag:s4] =	dma.local [hbm:s3], $0xF7A  }
0x26: {  	[smem:$0x3F92] =	sst s1;
	(tag) =	ssettag s2;
	_ =	strace s9  }
0x27: {  	s1 =	sld [smem:$0x3FA2]  }
0x28: {  	s2 =	sld [smem:$0x3FA3]  }
0x29: {  	s4 =	sld [smem:$0x3FA5]  }
0x2a: {  	p0 =	seq.s32 s5, $0x0;
	s5 =	sld [smem:$0x3FA6]  }
0x2b: {  	s6 =	sld [smem:$0x3FA7]  }
0x2c: {  	s7 =	sld [smem:$0x3FA8]  }
0x2d: {  	s3 =	simm.s32 $0x108;
	s8 =	sld [smem:$0x3FA9]  }
0x2e: {  	s3 =	simm.s32 @!p0 $0x1082;
	s9 =	sld [smem:$0x3FAA]  }
0x2f: {  	lr =	sadd.s32 s0, s3;
	s0 =	sld [smem:$0x3FA1]  }
0x30: {  	s3 =	sld [smem:$0x3FA4]  }
0x31: {  	[smem:$0x3FAD] =	sst s10  }
0x32: {  	s10 =	sld [smem:$0x3FAB];
	_ =	sdelay $0x3  }
0x33: {  	p0 =	seq.s32 s10, $0x1;
	s10 =	sld [smem:$0x3FAD];
	_ =	sdelay $0x3  }
0x34: {  	[smem:$0x3FAD] =	sst s10  }
0x35: {  	s10 =	sld [smem:$0x3FAC];
	_ =	sdelay $0x3  }
0x36: {  	p1 =	seq.s32 s10, $0x1;
	s10 =	sld [smem:$0x3FAD];
	_ =	sdelay $0x3  }
0x37: {  	[smem:$0x3FAD] =	sst s10  }
0x38: {  	s10 =	sld [smem:$0x3FAE]  }
0x39: {  	_ = 	snop;
	(pc) =	sbr.ind lr, $3  }
0x3a: {  	_ = 	snop  }
0x3b: {  	_ = 	snop  }
0x3c: {  	p2 =	seq.s32 s10, $0x1;
	s10 =	sld [smem:$0x3FAD]  }
0x3d: {  	_ =	shalt  }
0x3e: {  	_ =	shalt  }
0x3f: {  	_ =	shalt  }
0x40: {  	_ =	shalt  }
0x41: {  	_ =	shalt  }
0x42: {  	_ =	shalt  }
0x43: {  	_ =	shalt  }
0x44: {  	_ =	shalt  }
0x45: {  	_ =	shalt  }
0x46: {  	_ =	shalt  }
0x47: {  	_ =	shalt  }
0x48: {  	_ =	shalt  }
0x49: {  	_ =	shalt  }
0x4a: {  	_ =	shalt  }
0x4b: {  	_ =	shalt  }
0x4c: {  	_ =	shalt  }
0x4d: {  	_ =	shalt  }
0x4e: {  	_ =	shalt  }
0x4f: {  	_ =	shalt  }
0x50: {  	_ =	shalt  }
0x51: {  	_ =	shalt  }
0x52: {  	_ =	shalt  }
0x53: {  	_ =	shalt  }
0x54: {  	_ =	shalt  }
0x55: {  	_ =	shalt  }
0x56: {  	_ =	shalt  }
0x57: {  	_ =	shalt  }
0x58: {  	_ =	shalt  }
0x59: {  	_ =	shalt  }
0x5a: {  	_ =	shalt  }
0x5b: {  	_ =	shalt  }
0x5c: {  	_ =	shalt  }
0x5d: {  	_ =	shalt  }
0x5e: {  	_ =	shalt  }
0x5f: {  	_ =	shalt  }
0x60: {  	_ =	shalt  }
0x61: {  	_ =	shalt  }
0x62: {  	_ =	shalt  }
0x63: {  	_ =	shalt  }
0x64: {  	_ =	shalt  }
0x65: {  	_ =	shalt  }
0x66: {  	_ =	shalt  }
0x67: {  	_ =	shalt  }
0x68: {  	_ =	shalt  }
0x69: {  	_ =	shalt  }
0x6a: {  	_ =	shalt  }
0x6b: {  	_ =	shalt  }
0x6c: {  	_ =	shalt  }
0x6d: {  	_ =	shalt  }
0x6e: {  	_ =	shalt  }
0x6f: {  	_ =	shalt  }
0x70: {  	_ =	shalt  }
0x71: {  	_ =	shalt  }
0x72: {  	_ =	shalt  }
0x73: {  	_ =	shalt  }
0x74: {  	_ =	shalt  }
0x75: {  	_ =	shalt  }
0x76: {  	_ =	shalt  }
0x77: {  	_ =	shalt  }
0x78: {  	_ =	shalt  }
0x79: {  	_ =	shalt  }
0x7a: {  	_ =	shalt  }
0x7b: {  	_ =	shalt  }
0x7c: {  	_ =	shalt  }
0x7d: {  	_ =	shalt  }
0x7e: {  	_ =	shalt  }
0x7f: {  	_ =	shalt  }
0x80: {  	_ =	shalt  }
0x81: {  	_ =	shalt  }
0x82: {  	_ =	shalt  }
0x83: {  	_ =	shalt  }
0x84: {  	_ =	shalt  }
0x85: {  	_ =	shalt  }
0x86: {  	_ =	shalt  }
0x87: {  	_ =	shalt  }
.Lfunc_end0:
.L_simem_size_0:
called_computation.1_lowered:
.L_overlay_start_0:
0x88: {  	s2 =	sld [smem:$0x3FD9]  }
0x89: {  	s3 =	sld [smem:$0x3FFE];
	_ =	sdelay $0x1  }
0x8a: {  	s1 =	srdreg.scid  }
0x8b: {  	s0 =	sand.u32 $0x1, s1  }
0x8c: {  	s16 =	sshll.u32 s0, $0xA;
	s2 =	sadd.s32 s3, s2  }
0x8d: {  	s2 =	sadd.s32 s2, s16  }
0x8e: {  	[smem:$0x3FB9] =	sst s2  }
0x8f: {  	_ = 	snop  }
0x90: {  	(tm) =	ssettm $0x1  }
0x91: {  	s17 =	sld [smem:$0x3FFB];
	_ =	sdelay $0x3  }
0x92: {  	_ =	strace s17  }
0x93: {  	s2 =	sld [smem:$0x3FFC];
	_ =	sdelay $0x3  }
0x94: {  	_ =	strace s2  }
0x95: {  	s2 =	sld [smem:$0x3FFD];
	_ =	sdelay $0x3  }
0x96: {  	_ =	strace s2  }
0x97: {  	_ =	strace $0x8FFFFFFF  }
0x98: {  	s18 =	sld [smem:$0x3FDB];
	_ =	sdelay $0x1  }
0x99: {  	s19 =	simm.s32 $_scs_section_size  }
0x9a: {  	s4 =	simm.s32 $_size__tile_overlayer_lowered;
	s5 =	simm.s32 $_tile_overlayer_lowered  }
0x9b: {  	s22 =	simm.s32 $0x1BFF;
	s21 =	sshll.u32 s5, $0x1;
	s2 =	sadd.s32 s19, s18  }
0x9c: {  	s6 =	simm.s32 $0x0;
	s20 =	sshll.u32 s4, $0x1;
	s4 =	sadd.s32 s21, s2  }
0x9d: {  	[timem:s6], [sflag:s22] =	dma.local [hbm:s4], s20  }
0x9e: {  	_ =	swait.ge [sflag:s22], s20  }
0x9f: {  	s3 =	ssub.s32 $0x0, s20;
	[sflag:s22] =	ssyncset.done $0x0  }
0xa0: {  	[sflag:s22] =	ssyncadd.s32 s3;
	_ =	sdelay $0x1  }
0xa1: {  	s23 =	simm.s32 $0x1B8B  }
0xa2: {  	_ =	swait.ge [sflag:s23], $0x1  }
0xa3: {  	[sflag:s23] =	ssyncset.done $0x0  }
0xa4: {  	s25 =	simm.s32 $0x1B8E;
	s24 =	sld [smem:$0x3FFE];
	[sflag:s23] =	ssyncadd.s32 $0xFFFFFFFF  }
0xa5: {  	s26 =	simm.s32 $execute0_lowered;
	[smem:$0x3FD2] =	sst s25  }
0xa6: {  	s4 =	sshll.u32 s26, $0x1;
	_ =	strace $0x80000049;
	[dreg:$0x1] =	wrdreg $0xFFFFFFFF  }
0xa7: {  	s28 =	simm.s32 $_size_execute0_lowered;
	s2 =	sadd.s32 s2, s4;
	[dreg:$0x0] =	wrdreg $0x0  }
0xa8: {  	s4 =	sshll.u32 s28, $0x1;
	[dreg:$0x2] =	wrdreg s2  }
0xa9: {  	[dreg:$0x3] =	wrdreg s4  }
0xaa: {  	[dreg:$0x4] =	wrdreg $0xC0  }
0xab: {  	_ =	task [dreg:s6], $0x5FFFF  }
0xac: {  	[dreg:$0x1] =	wrdreg $0xFFFFFFFF  }
0xad: {  	[dreg:$0x0] =	wrdreg $0x60  }
0xae: {  	[dreg:$0x2] =	wrdreg s24  }
0xaf: {  	[dreg:$0x3] =	wrdreg $0x9  }
0xb0: {  	_ =	task.clear_ibuf [dreg:s6], $0x4FFFF;
	_ =	strace $0x90000049  }
0xb1: {  	s29 =	simm.s32 $0x9;
	_ =	strace $0x8000004B  }
0xb2: {  	_ =	swait.ge [sflag:s29], $0x1  }
0xb3: {  	[sflag:s29] =	ssyncadd.s32 $0xFFFFFFFF  }
0xb4: {  	_ =	strace $0x9000004B  }
0xb5: {  	_ =	sfence  }
0xb6: {  	s30 =	sld [smem:$0x0];
	_ =	sdelay $0x2  }
0xb7: {  	s31 =	sshll.u32 s1, $0xD;
	s1 =	sshrl.u32 s1, $0x2  }
0xb8: {  	s3 =	sand.u32 $0x4000, s31;
	s1 =	sadd.s32 s1, s30  }
0xb9: {  	s0 =	sor.u32 s3, s0;
	s1 =	sshll.u32 s1, $0x11  }
0xba: {  	s0 =	sor.u32 s1, s0  }
0xbb: {  	s0 =	sadd.s32 $0x8F2B, s0  }
0xbc: {  	[sflag:s0] =	ssyncadd.remote.s32 $0x1  }
0xbd: {  	_ =	sfence.sel $0xFFFF  }
0xbe: {  	[dreg:$0x0] =	wrdreg $0xFFFFFFFF;
	(pc) =	sbr.abs _section_cstart, $3  }
0xbf: {  	[dreg:$0x1] =	wrdreg $0xFFFFFFFF  }
0xc0: {  	_ =	task.clear_ibuf [dreg:s6], $0x2FFFF;
	_ =	strace $0x9FFFFFFF  }
0xc1: {  	(tm) =	ssettm $0x7FFFFFFF  }
tec
execute0_lowered:
.L_overlay_start_1:
0x0: {  	(tag) =	ssettag $0x1  }
0x1: {  	s0 =	srdreg.scid  }
0x2: {  	s2 =	stileid.u32;
	s1 =	rddreg [dreg:$0x0]  }
0x3: {  	s26 =	simm.s32 $0x200;
	s28 =	simm.s32 $0x2400;
	s29 =	simm.s32 $0x2C00  }
0x4: {  	s30 =	simm.s32 $0x3400;
	s31 =	simm.s32 $0x3C00;
	s16 =	simm.s32 $0x4C00  }
0x5: {  	s10 =	simm.s32 $0x5400;
	s11 =	simm.s32 $0x5C00;
	s12 =	simm.s32 $0x6400  }
0x6: {  	s13 =	simm.s32 $0x6C00;
	s14 =	simm.s32 $0x7400;
	s15 =	simm.s32 $0x7C00  }
0x7: {  	s0 =	sand.u32 $0x1, s0;
	s3 =	sshll.u32 s2, $0x1;
	s2 =	simm.s32 $0x0  }
0x8: {  	s6 =	sadd.s32 $0x25000, s1;
	s7 =	sadd.s32 $0xA5000, s1;
	s4 =	sor.u32 s0, s3  }
0x9: {  	[smem:$0x7FF] =	sst s2;
	s3 =	sadd.s32 $0x1A5000, s1;
	s0 =	ssub.s32 $0x2, s0  }
0xa: {  	s5 =	sshll.u32 s4, $0x6;
	_ =	strace $0x8000004A;
	s4 =	sshll.u32 s4, $0xE  }
0xb: {  	s9 =	sshrl.u32 s0, $0x1;
	[dreg:$0xc] =	wrdreg s26;
	s26 =	simm.s32 $0x1C00  }
0xc: {  	s5 =	sadd.s32 s5, s1;
	s17 =	sadd.s32 s6, s4;
	s18 =	sadd.s32 s7, s4  }
0xd: {  	s19 =	sor.u32 $0x1000, s4;
	s22 =	sor.u32 $0x2000, s4;
	[dreg:$0x4] =	wrdreg s17  }
0xe: {  	s0 =	ssub.s32 s0, s9;
	s8 =	sadd.s32 $0x24000, s5;
	[dreg:$0x5] =	wrdreg s18  }
0xf: {  	s25 =	sor.u32 $0x3000, s4;
	s5 =	sadd.s32 $0x24800, s5;
	[dreg:$0x2] =	wrdreg s8  }
0x10: {  	s4 =	sadd.s32 $0x1A5100, s1;
	s20 =	sadd.s32 s6, s19;
	[dreg:$0x3] =	wrdreg s5  }
0x11: {  	s9 =	simm.s32 $0x400;
	s21 =	sadd.s32 s7, s19;
	[dreg:$0x6] =	wrdreg s20  }
0x12: {  	s23 =	sadd.s32 s6, s22;
	s24 =	sadd.s32 s7, s22;
	[dreg:$0x7] =	wrdreg s21  }
0x13: {  	s6 =	sadd.s32 s6, s25;
	s7 =	sadd.s32 s7, s25;
	[dreg:$0x8] =	wrdreg s23  }
0x14: {  	s25 =	simm.s32 $0x8400;
	s18 =	simm.s32 $0x1;
	[dreg:$0x9] =	wrdreg s24  }
0x15: {  	v2 =	vlaneseq.u32;
	s19 =	simm.s32 $0x3;
	s5 =	sadd.s32 $0x1A5200, s1;
	[dreg:$0xa] =	wrdreg s6  }
0x16: {  	vm0 =	vmmov $0xffff;
	v1 =	vshrl.u32 v2, $0x3;
	s6 =	sadd.s32 $0x1A5300, s1;
	[dreg:$0xb] =	wrdreg s7;
	s7 =	smax.u32 s0, $0x1  }
0x17: {  	v0 =	vand.u32 $0x7, v2;
	v2 =	vor.u32 $0x8, v2;
	v1 =	vmul.u32 $0x8, v1;
	s20 =	simm.s32 $0x2;
	s21 =	simm.s32 $0x4;
	s24 =	simm.s32 $0x1400  }
.LBB2_1:
0x18: {  	s22 =	rddreg [dreg:$0x2];
	s0 =	simm.s32 $0x5  }
0x19: {  	[tilespmem:s2], [sflag:$0x5] =	stream.linear.gather [hbm4b:s22+s2], $0x200, $0x38;
	[tilespmem:$0x10400] =	vst v63  }
0x1a: {  	_ =	swait.ge [sflag:s0], $0x200  }
0x1b: {  	s8 =	rddreg [dreg:$0x3];
	[sflag:s0] =	ssyncset.done $0x0  }
0x1c: {  	s23 =	rddreg [dreg:$0xc];
	[sflag:s0] =	ssyncadd.s32 $0xFFFFFE00  }
0x1d: {  	[tilespmem:s23], [sflag:$0x5] =	stream.linear.gather [hbm4b:s8+s2], $0x200, $0x38;
	[tilespmem:$0x10400] =	vst v63  }
0x1e: {  	_ =	swait.ge [sflag:s0], $0x200  }
0x1f: {  	[sflag:s0] =	ssyncset.done $0x0  }
0x20: {  	[sflag:s0] =	ssyncadd.s32 $0xFFFFFE00  }
0x21: {  	v3 =	vld [tilespmem:$0x0];
	_ =	sdelay $0x4  }
0x22: {  	v4 =	vshll.u32 v3, $0x3  }
0x23: {  	v3 =	vand.u32 $0x7, v3;
	v4 =	vand.u32 $0xFFFFFFC0, v4  }
0x24: {  	v3 =	vor.u32 v3, v4  }
0x25: {  	v4 =	vperm.xlane v3, v0;
	_ =	sdelay $0x1  }
0x26: {  	v4 =	vadd.s32 v1, v4;
	_ =	sdelay $0x4  }
0x27: {  	[tilespmem:s9], [sflag:$0x1] =	stream.indirect_vreg.gather [hbm4b:s3+s2], $0x80, v4, vm0, $0xb8;
	[tilespmem:$0x10400] =	vst v63  }
0x28: {  	s23 =	simm.s32 $0xC00;
	v3 =	vperm.xlane v3, v2  }
0x29: {  	[tilespmem:s23], [sflag:$0x1] =	stream.indirect_vreg.gather [hbm4b:s4+s2], $0x80, v4, vm0, $0xb8;
	[tilespmem:$0x10400] =	vst v63  }
0x2a: {  	v3 =	vadd.s32 v1, v3  }
0x2b: {  	[tilespmem:s24], [sflag:$0x1] =	stream.indirect_vreg.gather [hbm4b:s5+s2], $0x80, v4, vm0, $0xb8;
	[tilespmem:$0x10400] =	vst v63  }
0x2c: {  	_ = 	snop  }
0x2d: {  	[tilespmem:s26], [sflag:$0x1] =	stream.indirect_vreg.gather [hbm4b:s6+s2], $0x80, v4, vm0, $0xb8;
	[tilespmem:$0x10400] =	vst v63  }
0x2e: {  	_ = 	snop  }
0x2f: {  	[tilespmem:s28], [sflag:$0x1] =	stream.indirect_vreg.gather [hbm4b:s3+s2], $0x80, v3, vm0, $0xb8;
	[tilespmem:$0x10400] =	vst v63  }
0x30: {  	_ = 	snop  }
0x31: {  	[tilespmem:s29], [sflag:$0x1] =	stream.indirect_vreg.gather [hbm4b:s4+s2], $0x80, v3, vm0, $0xb8;
	[tilespmem:$0x10400] =	vst v63  }
0x32: {  	_ = 	snop  }
0x33: {  	[tilespmem:s30], [sflag:$0x1] =	stream.indirect_vreg.gather [hbm4b:s5+s2], $0x80, v3, vm0, $0xb8;
	[tilespmem:$0x10400] =	vst v63  }
0x34: {  	_ = 	snop  }
0x35: {  	[tilespmem:s31], [sflag:$0x1] =	stream.indirect_vreg.gather [hbm4b:s6+s2], $0x80, v3, vm0, $0xb8;
	[tilespmem:$0x10400] =	vst v63  }
0x36: {  	v3 =	vld [tilespmem:$0x10];
	_ =	sdelay $0x4  }
0x37: {  	v49 =	vshll.u32 v3, $0x3  }
0x38: {  	v3 =	vand.u32 $0x7, v3;
	v4 =	vand.u32 $0xFFFFFFC0, v49  }
0x39: {  	v3 =	vor.u32 v3, v4  }
0x3a: {  	v4 =	vperm.xlane v3, v0;
	_ =	sdelay $0x1  }
0x3b: {  	v4 =	vadd.s32 v1, v4;
	_ =	sdelay $0x3  }
0x3c: {  	s1 =	simm.s32 $0x4400  }
0x3d: {  	[tilespmem:s1], [sflag:$0x1] =	stream.indirect_vreg.gather [hbm4b:s3+s2], $0x80, v4, vm0, $0xb8;
	[tilespmem:$0x10400] =	vst v63  }
0x3e: {  	v3 =	vperm.xlane v3, v2  }
0x3f: {  	[tilespmem:s16], [sflag:$0x1] =	stream.indirect_vreg.gather [hbm4b:s4+s2], $0x80, v4, vm0, $0xb8;
	[tilespmem:$0x10400] =	vst v63  }
0x40: {  	v3 =	vadd.s32 v1, v3  }
0x41: {  	[tilespmem:s10], [sflag:$0x1] =	stream.indirect_vreg.gather [hbm4b:s5+s2], $0x80, v4, vm0, $0xb8;
	[tilespmem:$0x10400] =	vst v63  }
0x42: {  	_ = 	snop  }
0x43: {  	[tilespmem:s11], [sflag:$0x1] =	stream.indirect_vreg.gather [hbm4b:s6+s2], $0x80, v4, vm0, $0xb8;
	[tilespmem:$0x10400] =	vst v63  }
0x44: {  	_ = 	snop  }
0x45: {  	[tilespmem:s12], [sflag:$0x1] =	stream.indirect_vreg.gather [hbm4b:s3+s2], $0x80, v3, vm0, $0xb8;
	[tilespmem:$0x10400] =	vst v63  }
0x46: {  	_ = 	snop  }
0x47: {  	[tilespmem:s13], [sflag:$0x1] =	stream.indirect_vreg.gather [hbm4b:s4+s2], $0x80, v3, vm0, $0xb8;
	[tilespmem:$0x10400] =	vst v63  }
0x48: {  	_ = 	snop  }
0x49: {  	[tilespmem:s14], [sflag:$0x1] =	stream.indirect_vreg.gather [hbm4b:s5+s2], $0x80, v3, vm0, $0xb8;
	[tilespmem:$0x10400] =	vst v63  }
0x4a: {  	_ = 	snop  }
0x4b: {  	[tilespmem:s15], [sflag:$0x1] =	stream.indirect_vreg.gather [hbm4b:s6+s2], $0x80, v3, vm0, $0xb8;
	[tilespmem:$0x10400] =	vst v63  }
0x4c: {  	v3 =	vld [tilespmem:$0x200];
	_ =	sdelay $0x4  }
0x4d: {  	v50 =	vshll.u32 v3, $0x3  }
0x4e: {  	v3 =	vand.u32 $0x7, v3;
	v4 =	vand.u32 $0xFFFFFFC0, v50  }
0x4f: {  	v3 =	vor.u32 v3, v4  }
0x50: {  	v4 =	vperm.xlane v3, v0;
	_ =	sdelay $0x1  }
0x51: {  	v4 =	vadd.s32 v1, v4;
	_ =	sdelay $0x4  }
0x52: {  	[tilespmem:s25], [sflag:$0x2] =	stream.indirect_vreg.gather [hbm4b:s3+s2], $0x80, v4, vm0, $0xb8;
	[tilespmem:$0x10400] =	vst v63  }
0x53: {  	s8 =	simm.s32 $0x8C00;
	v3 =	vperm.xlane v3, v2  }
0x54: {  	[tilespmem:s8], [sflag:$0x2] =	stream.indirect_vreg.gather [hbm4b:s4+s2], $0x80, v4, vm0, $0xb8;
	[tilespmem:$0x10400] =	vst v63  }
0x55: {  	s17 =	simm.s32 $0x9400;
	v3 =	vadd.s32 v1, v3  }
0x56: {  	[tilespmem:s17], [sflag:$0x2] =	stream.indirect_vreg.gather [hbm4b:s5+s2], $0x80, v4, vm0, $0xb8;
	[tilespmem:$0x10400] =	vst v63  }
0x57: {  	s22 =	simm.s32 $0x9C00  }
0x58: {  	[tilespmem:s22], [sflag:$0x2] =	stream.indirect_vreg.gather [hbm4b:s6+s2], $0x80, v4, vm0, $0xb8;
	[tilespmem:$0x10400] =	vst v63  }
0x59: {  	s17 =	simm.s32 $0xA400  }
0x5a: {  	[tilespmem:s17], [sflag:$0x2] =	stream.indirect_vreg.gather [hbm4b:s3+s2], $0x80, v3, vm0, $0xb8;
	[tilespmem:$0x10400] =	vst v63  }
0x5b: {  	s8 =	simm.s32 $0xAC00  }
0x5c: {  	[tilespmem:s8], [sflag:$0x2] =	stream.indirect_vreg.gather [hbm4b:s4+s2], $0x80, v3, vm0, $0xb8;
	[tilespmem:$0x10400] =	vst v63  }
0x5d: {  	s17 =	simm.s32 $0xB400  }
0x5e: {  	[tilespmem:s17], [sflag:$0x2] =	stream.indirect_vreg.gather [hbm4b:s5+s2], $0x80, v3, vm0, $0xb8;
	[tilespmem:$0x10400] =	vst v63  }
0x5f: {  	s8 =	simm.s32 $0xBC00  }
0x60: {  	[tilespmem:s8], [sflag:$0x2] =	stream.indirect_vreg.gather [hbm4b:s6+s2], $0x80, v3, vm0, $0xb8;
	[tilespmem:$0x10400] =	vst v63  }
0x61: {  	v3 =	vld [tilespmem:$0x210];
	_ =	sdelay $0x4  }
0x62: {  	v51 =	vshll.u32 v3, $0x3  }
0x63: {  	v3 =	vand.u32 $0x7, v3;
	v4 =	vand.u32 $0xFFFFFFC0, v51  }
0x64: {  	v3 =	vor.u32 v3, v4  }
0x65: {  	v4 =	vperm.xlane v3, v0;
	_ =	sdelay $0x1  }
0x66: {  	v4 =	vadd.s32 v1, v4;
	_ =	sdelay $0x3  }
0x67: {  	s17 =	simm.s32 $0xC400  }
0x68: {  	[tilespmem:s17], [sflag:$0x2] =	stream.indirect_vreg.gather [hbm4b:s3+s2], $0x80, v4, vm0, $0xb8;
	[tilespmem:$0x10400] =	vst v63  }
0x69: {  	s22 =	simm.s32 $0xCC00;
	v3 =	vperm.xlane v3, v2  }
0x6a: {  	[tilespmem:s22], [sflag:$0x2] =	stream.indirect_vreg.gather [hbm4b:s4+s2], $0x80, v4, vm0, $0xb8;
	[tilespmem:$0x10400] =	vst v63  }
0x6b: {  	v3 =	vadd.s32 v1, v3;
	s22 =	simm.s32 $0xD400  }
0x6c: {  	[tilespmem:s22], [sflag:$0x2] =	stream.indirect_vreg.gather [hbm4b:s5+s2], $0x80, v4, vm0, $0xb8;
	[tilespmem:$0x10400] =	vst v63  }
0x6d: {  	s22 =	simm.s32 $0xDC00  }
0x6e: {  	[tilespmem:s22], [sflag:$0x2] =	stream.indirect_vreg.gather [hbm4b:s6+s2], $0x80, v4, vm0, $0xb8;
	[tilespmem:$0x10400] =	vst v63  }
0x6f: {  	s22 =	simm.s32 $0xE400  }
0x70: {  	[tilespmem:s22], [sflag:$0x2] =	stream.indirect_vreg.gather [hbm4b:s3+s2], $0x80, v3, vm0, $0xb8;
	[tilespmem:$0x10400] =	vst v63  }
0x71: {  	s22 =	simm.s32 $0xEC00  }
0x72: {  	[tilespmem:s22], [sflag:$0x2] =	stream.indirect_vreg.gather [hbm4b:s4+s2], $0x80, v3, vm0, $0xb8;
	[tilespmem:$0x10400] =	vst v63  }
0x73: {  	s22 =	simm.s32 $0xF400  }
0x74: {  	[tilespmem:s22], [sflag:$0x2] =	stream.indirect_vreg.gather [hbm4b:s5+s2], $0x80, v3, vm0, $0xb8;
	[tilespmem:$0x10400] =	vst v63  }
0x75: {  	s22 =	simm.s32 $0xFC00  }
0x76: {  	[tilespmem:s22], [sflag:$0x2] =	stream.indirect_vreg.gather [hbm4b:s6+s2], $0x80, v3, vm0, $0xb8;
	[tilespmem:$0x10400] =	vst v63  }
0x77: {  	_ =	swait.ge [sflag:s18], $0x8000  }
0x78: {  	[sflag:s18] =	ssyncset.done $0x0  }
0x79: {  	s22 =	rddreg [dreg:$0x4];
	[sflag:s18] =	ssyncadd.s32 $0xFFFF8000  }
0x7a: {  	[hbm4b:s22+s2] =	stream.linear.scatter [tilespmem:s9], [sflag:$0x3], $0x8000, $0x38;
	[tilespmem:$0x10400] =	vst v63  }
0x7b: {  	_ =	swait.ge [sflag:s19], $0x8000  }
0x7c: {  	[sflag:s19] =	ssyncset.done $0x0  }
0x7d: {  	[sflag:s19] =	ssyncadd.s32 $0xFFFF8000  }
0x7e: {  	v3 =	vld [tilespmem:$0x80];
	_ =	sdelay $0x4  }
0x7f: {  	v52 =	vshll.u32 v3, $0x3  }
0x80: {  	v3 =	vand.u32 $0x7, v3;
	v4 =	vand.u32 $0xFFFFFFC0, v52  }
0x81: {  	v3 =	vor.u32 v3, v4  }
0x82: {  	v4 =	vperm.xlane v3, v0;
	_ =	sdelay $0x1  }
0x83: {  	v4 =	vadd.s32 v1, v4;
	_ =	sdelay $0x4  }
0x84: {  	[tilespmem:s9], [sflag:$0x1] =	stream.indirect_vreg.gather [hbm4b:s3+s2], $0x80, v4, vm0, $0xb8;
	[tilespmem:$0x10400] =	vst v63  }
0x85: {  	v3 =	vperm.xlane v3, v2  }
0x86: {  	[tilespmem:s23], [sflag:$0x1] =	stream.indirect_vreg.gather [hbm4b:s4+s2], $0x80, v4, vm0, $0xb8;
	[tilespmem:$0x10400] =	vst v63  }
0x87: {  	v3 =	vadd.s32 v1, v3  }
0x88: {  	[tilespmem:s24], [sflag:$0x1] =	stream.indirect_vreg.gather [hbm4b:s5+s2], $0x80, v4, vm0, $0xb8;
	[tilespmem:$0x10400] =	vst v63  }
0x89: {  	_ = 	snop  }
0x8a: {  	[tilespmem:s26], [sflag:$0x1] =	stream.indirect_vreg.gather [hbm4b:s6+s2], $0x80, v4, vm0, $0xb8;
	[tilespmem:$0x10400] =	vst v63  }
0x8b: {  	_ = 	snop  }
0x8c: {  	[tilespmem:s28], [sflag:$0x1] =	stream.indirect_vreg.gather [hbm4b:s3+s2], $0x80, v3, vm0, $0xb8;
	[tilespmem:$0x10400] =	vst v63  }
0x8d: {  	_ = 	snop  }
0x8e: {  	[tilespmem:s29], [sflag:$0x1] =	stream.indirect_vreg.gather [hbm4b:s4+s2], $0x80, v3, vm0, $0xb8;
	[tilespmem:$0x10400] =	vst v63  }
0x8f: {  	_ = 	snop  }
0x90: {  	[tilespmem:s30], [sflag:$0x1] =	stream.indirect_vreg.gather [hbm4b:s5+s2], $0x80, v3, vm0, $0xb8;
	[tilespmem:$0x10400] =	vst v63  }
0x91: {  	_ = 	snop  }
0x92: {  	[tilespmem:s31], [sflag:$0x1] =	stream.indirect_vreg.gather [hbm4b:s6+s2], $0x80, v3, vm0, $0xb8;
	[tilespmem:$0x10400] =	vst v63  }
0x93: {  	v3 =	vld [tilespmem:$0x90];
	_ =	sdelay $0x4  }
0x94: {  	v53 =	vshll.u32 v3, $0x3  }
0x95: {  	v3 =	vand.u32 $0x7, v3;
	v4 =	vand.u32 $0xFFFFFFC0, v53  }
0x96: {  	v3 =	vor.u32 v3, v4  }
0x97: {  	v4 =	vperm.xlane v3, v0;
	_ =	sdelay $0x1  }
0x98: {  	v4 =	vadd.s32 v1, v4;
	_ =	sdelay $0x4  }
0x99: {  	[tilespmem:s1], [sflag:$0x1] =	stream.indirect_vreg.gather [hbm4b:s3+s2], $0x80, v4, vm0, $0xb8;
	[tilespmem:$0x10400] =	vst v63  }
0x9a: {  	v3 =	vperm.xlane v3, v2  }
0x9b: {  	[tilespmem:s16], [sflag:$0x1] =	stream.indirect_vreg.gather [hbm4b:s4+s2], $0x80, v4, vm0, $0xb8;
	[tilespmem:$0x10400] =	vst v63  }
0x9c: {  	v3 =	vadd.s32 v1, v3  }
0x9d: {  	[tilespmem:s10], [sflag:$0x1] =	stream.indirect_vreg.gather [hbm4b:s5+s2], $0x80, v4, vm0, $0xb8;
	[tilespmem:$0x10400] =	vst v63  }
0x9e: {  	_ = 	snop  }
0x9f: {  	[tilespmem:s11], [sflag:$0x1] =	stream.indirect_vreg.gather [hbm4b:s6+s2], $0x80, v4, vm0, $0xb8;
	[tilespmem:$0x10400] =	vst v63  }
0xa0: {  	_ = 	snop  }
0xa1: {  	[tilespmem:s12], [sflag:$0x1] =	stream.indirect_vreg.gather [hbm4b:s3+s2], $0x80, v3, vm0, $0xb8;
	[tilespmem:$0x10400] =	vst v63  }
0xa2: {  	_ = 	snop  }
0xa3: {  	[tilespmem:s13], [sflag:$0x1] =	stream.indirect_vreg.gather [hbm4b:s4+s2], $0x80, v3, vm0, $0xb8;
	[tilespmem:$0x10400] =	vst v63  }
0xa4: {  	_ = 	snop  }
0xa5: {  	[tilespmem:s14], [sflag:$0x1] =	stream.indirect_vreg.gather [hbm4b:s5+s2], $0x80, v3, vm0, $0xb8;
	[tilespmem:$0x10400] =	vst v63  }
0xa6: {  	_ = 	snop  }
0xa7: {  	[tilespmem:s15], [sflag:$0x1] =	stream.indirect_vreg.gather [hbm4b:s6+s2], $0x80, v3, vm0, $0xb8;
	[tilespmem:$0x10400] =	vst v63  }
0xa8: {  	_ =	swait.ge [sflag:s20], $0x8000  }
0xa9: {  	[sflag:s20] =	ssyncset.done $0x0  }
0xaa: {  	s22 =	rddreg [dreg:$0x5];
	[sflag:s20] =	ssyncadd.s32 $0xFFFF8000  }
0xab: {  	[hbm4b:s22+s2] =	stream.linear.scatter [tilespmem:s25], [sflag:$0x4], $0x8000, $0x38;
	[tilespmem:$0x10400] =	vst v63  }
0xac: {  	_ =	swait.ge [sflag:s21], $0x8000  }
0xad: {  	[sflag:s21] =	ssyncset.done $0x0  }
0xae: {  	[sflag:s21] =	ssyncadd.s32 $0xFFFF8000  }
0xaf: {  	v3 =	vld [tilespmem:$0x280];
	_ =	sdelay $0x4  }
0xb0: {  	v54 =	vshll.u32 v3, $0x3  }
0xb1: {  	v3 =	vand.u32 $0x7, v3;
	v4 =	vand.u32 $0xFFFFFFC0, v54  }
0xb2: {  	v3 =	vor.u32 v3, v4  }
0xb3: {  	v4 =	vperm.xlane v3, v0;
	_ =	sdelay $0x1  }
0xb4: {  	v4 =	vadd.s32 v1, v4;
	_ =	sdelay $0x4  }
0xb5: {  	[tilespmem:s25], [sflag:$0x2] =	stream.indirect_vreg.gather [hbm4b:s3+s2], $0x80, v4, vm0, $0xb8;
	[tilespmem:$0x10400] =	vst v63  }
0xb6: {  	s0 =	simm.s32 $0x8C00;
	v3 =	vperm.xlane v3, v2  }
0xb7: {  	[tilespmem:s0], [sflag:$0x2] =	stream.indirect_vreg.gather [hbm4b:s4+s2], $0x80, v4, vm0, $0xb8;
	[tilespmem:$0x10400] =	vst v63  }
0xb8: {  	v3 =	vadd.s32 v1, v3;
	s0 =	simm.s32 $0x9400  }
0xb9: {  	[tilespmem:s0], [sflag:$0x2] =	stream.indirect_vreg.gather [hbm4b:s5+s2], $0x80, v4, vm0, $0xb8;
	[tilespmem:$0x10400] =	vst v63  }
0xba: {  	s22 =	simm.s32 $0x9C00  }
0xbb: {  	[tilespmem:s22], [sflag:$0x2] =	stream.indirect_vreg.gather [hbm4b:s6+s2], $0x80, v4, vm0, $0xb8;
	[tilespmem:$0x10400] =	vst v63  }
0xbc: {  	s22 =	simm.s32 $0xA400  }
0xbd: {  	[tilespmem:s22], [sflag:$0x2] =	stream.indirect_vreg.gather [hbm4b:s3+s2], $0x80, v3, vm0, $0xb8;
	[tilespmem:$0x10400] =	vst v63  }
0xbe: {  	s22 =	simm.s32 $0xAC00  }
0xbf: {  	[tilespmem:s22], [sflag:$0x2] =	stream.indirect_vreg.gather [hbm4b:s4+s2], $0x80, v3, vm0, $0xb8;
	[tilespmem:$0x10400] =	vst v63  }
0xc0: {  	s22 =	simm.s32 $0xB400  }
0xc1: {  	[tilespmem:s22], [sflag:$0x2] =	stream.indirect_vreg.gather [hbm4b:s5+s2], $0x80, v3, vm0, $0xb8;
	[tilespmem:$0x10400] =	vst v63  }
0xc2: {  	s8 =	simm.s32 $0xBC00  }
0xc3: {  	[tilespmem:s8], [sflag:$0x2] =	stream.indirect_vreg.gather [hbm4b:s6+s2], $0x80, v3, vm0, $0xb8;
	[tilespmem:$0x10400] =	vst v63  }
0xc4: {  	v3 =	vld [tilespmem:$0x290];
	_ =	sdelay $0x4  }
0xc5: {  	v55 =	vshll.u32 v3, $0x3  }
0xc6: {  	v3 =	vand.u32 $0x7, v3;
	v4 =	vand.u32 $0xFFFFFFC0, v55  }
0xc7: {  	v3 =	vor.u32 v3, v4  }
0xc8: {  	v4 =	vperm.xlane v3, v0;
	_ =	sdelay $0x1  }
0xc9: {  	v4 =	vadd.s32 v1, v4;
	_ =	sdelay $0x3  }
0xca: {  	s17 =	simm.s32 $0xC400  }
0xcb: {  	[tilespmem:s17], [sflag:$0x2] =	stream.indirect_vreg.gather [hbm4b:s3+s2], $0x80, v4, vm0, $0xb8;
	[tilespmem:$0x10400] =	vst v63  }
0xcc: {  	s22 =	simm.s32 $0xCC00;
	v3 =	vperm.xlane v3, v2  }
0xcd: {  	[tilespmem:s22], [sflag:$0x2] =	stream.indirect_vreg.gather [hbm4b:s4+s2], $0x80, v4, vm0, $0xb8;
	[tilespmem:$0x10400] =	vst v63  }
0xce: {  	v3 =	vadd.s32 v1, v3;
	s17 =	simm.s32 $0xD400  }
0xcf: {  	[tilespmem:s17], [sflag:$0x2] =	stream.indirect_vreg.gather [hbm4b:s5+s2], $0x80, v4, vm0, $0xb8;
	[tilespmem:$0x10400] =	vst v63  }
0xd0: {  	s22 =	simm.s32 $0xDC00  }
0xd1: {  	[tilespmem:s22], [sflag:$0x2] =	stream.indirect_vreg.gather [hbm4b:s6+s2], $0x80, v4, vm0, $0xb8;
	[tilespmem:$0x10400] =	vst v63  }
0xd2: {  	s17 =	simm.s32 $0xE400  }
0xd3: {  	[tilespmem:s17], [sflag:$0x2] =	stream.indirect_vreg.gather [hbm4b:s3+s2], $0x80, v3, vm0, $0xb8;
	[tilespmem:$0x10400] =	vst v63  }
0xd4: {  	s22 =	simm.s32 $0xEC00  }
0xd5: {  	[tilespmem:s22], [sflag:$0x2] =	stream.indirect_vreg.gather [hbm4b:s4+s2], $0x80, v3, vm0, $0xb8;
	[tilespmem:$0x10400] =	vst v63  }
0xd6: {  	s17 =	simm.s32 $0xF400  }
0xd7: {  	[tilespmem:s17], [sflag:$0x2] =	stream.indirect_vreg.gather [hbm4b:s5+s2], $0x80, v3, vm0, $0xb8;
	[tilespmem:$0x10400] =	vst v63  }
0xd8: {  	s22 =	simm.s32 $0xFC00  }
0xd9: {  	[tilespmem:s22], [sflag:$0x2] =	stream.indirect_vreg.gather [hbm4b:s6+s2], $0x80, v3, vm0, $0xb8;
	[tilespmem:$0x10400] =	vst v63  }
0xda: {  	_ =	swait.ge [sflag:s18], $0x8000  }
0xdb: {  	[sflag:s18] =	ssyncset.done $0x0  }
0xdc: {  	s17 =	rddreg [dreg:$0x6];
	[sflag:s18] =	ssyncadd.s32 $0xFFFF8000  }
0xdd: {  	[hbm4b:s17+s2] =	stream.linear.scatter [tilespmem:s9], [sflag:$0x3], $0x8000, $0x38;
	[tilespmem:$0x10400] =	vst v63  }
0xde: {  	_ =	swait.ge [sflag:s19], $0x8000  }
0xdf: {  	[sflag:s19] =	ssyncset.done $0x0  }
0xe0: {  	[sflag:s19] =	ssyncadd.s32 $0xFFFF8000  }
0xe1: {  	v3 =	vld [tilespmem:$0x100];
	_ =	sdelay $0x4  }
0xe2: {  	v56 =	vshll.u32 v3, $0x3  }
0xe3: {  	v3 =	vand.u32 $0x7, v3;
	v4 =	vand.u32 $0xFFFFFFC0, v56  }
0xe4: {  	v3 =	vor.u32 v3, v4  }
0xe5: {  	v4 =	vperm.xlane v3, v0;
	_ =	sdelay $0x1  }
0xe6: {  	v4 =	vadd.s32 v1, v4;
	_ =	sdelay $0x4  }
0xe7: {  	[tilespmem:s9], [sflag:$0x1] =	stream.indirect_vreg.gather [hbm4b:s3+s2], $0x80, v4, vm0, $0xb8;
	[tilespmem:$0x10400] =	vst v63  }
0xe8: {  	v3 =	vperm.xlane v3, v2  }
0xe9: {  	[tilespmem:s23], [sflag:$0x1] =	stream.indirect_vreg.gather [hbm4b:s4+s2], $0x80, v4, vm0, $0xb8;
	[tilespmem:$0x10400] =	vst v63  }
0xea: {  	v3 =	vadd.s32 v1, v3  }
0xeb: {  	[tilespmem:s24], [sflag:$0x1] =	stream.indirect_vreg.gather [hbm4b:s5+s2], $0x80, v4, vm0, $0xb8;
	[tilespmem:$0x10400] =	vst v63  }
0xec: {  	_ = 	snop  }
0xed: {  	[tilespmem:s26], [sflag:$0x1] =	stream.indirect_vreg.gather [hbm4b:s6+s2], $0x80, v4, vm0, $0xb8;
	[tilespmem:$0x10400] =	vst v63  }
0xee: {  	_ = 	snop  }
0xef: {  	[tilespmem:s28], [sflag:$0x1] =	stream.indirect_vreg.gather [hbm4b:s3+s2], $0x80, v3, vm0, $0xb8;
	[tilespmem:$0x10400] =	vst v63  }
0xf0: {  	_ = 	snop  }
0xf1: {  	[tilespmem:s29], [sflag:$0x1] =	stream.indirect_vreg.gather [hbm4b:s4+s2], $0x80, v3, vm0, $0xb8;
	[tilespmem:$0x10400] =	vst v63  }
0xf2: {  	_ = 	snop  }
0xf3: {  	[tilespmem:s30], [sflag:$0x1] =	stream.indirect_vreg.gather [hbm4b:s5+s2], $0x80, v3, vm0, $0xb8;
	[tilespmem:$0x10400] =	vst v63  }
0xf4: {  	_ = 	snop  }
0xf5: {  	[tilespmem:s31], [sflag:$0x1] =	stream.indirect_vreg.gather [hbm4b:s6+s2], $0x80, v3, vm0, $0xb8;
	[tilespmem:$0x10400] =	vst v63  }
0xf6: {  	v3 =	vld [tilespmem:$0x110];
	_ =	sdelay $0x4  }
0xf7: {  	v57 =	vshll.u32 v3, $0x3  }
0xf8: {  	v3 =	vand.u32 $0x7, v3;
	v4 =	vand.u32 $0xFFFFFFC0, v57  }
0xf9: {  	v3 =	vor.u32 v3, v4  }
0xfa: {  	v4 =	vperm.xlane v3, v0;
	_ =	sdelay $0x1  }
0xfb: {  	v4 =	vadd.s32 v1, v4;
	_ =	sdelay $0x4  }
0xfc: {  	[tilespmem:s1], [sflag:$0x1] =	stream.indirect_vreg.gather [hbm4b:s3+s2], $0x80, v4, vm0, $0xb8;
	[tilespmem:$0x10400] =	vst v63  }
0xfd: {  	v3 =	vperm.xlane v3, v2  }
0xfe: {  	[tilespmem:s16], [sflag:$0x1] =	stream.indirect_vreg.gather [hbm4b:s4+s2], $0x80, v4, vm0, $0xb8;
	[tilespmem:$0x10400] =	vst v63  }
0xff: {  	v3 =	vadd.s32 v1, v3  }
0x100: {  	[tilespmem:s10], [sflag:$0x1] =	stream.indirect_vreg.gather [hbm4b:s5+s2], $0x80, v4, vm0, $0xb8;
	[tilespmem:$0x10400] =	vst v63  }
0x101: {  	_ = 	snop  }
0x102: {  	[tilespmem:s11], [sflag:$0x1] =	stream.indirect_vreg.gather [hbm4b:s6+s2], $0x80, v4, vm0, $0xb8;
	[tilespmem:$0x10400] =	vst v63  }
0x103: {  	_ = 	snop  }
0x104: {  	[tilespmem:s12], [sflag:$0x1] =	stream.indirect_vreg.gather [hbm4b:s3+s2], $0x80, v3, vm0, $0xb8;
	[tilespmem:$0x10400] =	vst v63  }
0x105: {  	_ = 	snop  }
0x106: {  	[tilespmem:s13], [sflag:$0x1] =	stream.indirect_vreg.gather [hbm4b:s4+s2], $0x80, v3, vm0, $0xb8;
	[tilespmem:$0x10400] =	vst v63  }
0x107: {  	_ = 	snop  }
0x108: {  	[tilespmem:s14], [sflag:$0x1] =	stream.indirect_vreg.gather [hbm4b:s5+s2], $0x80, v3, vm0, $0xb8;
	[tilespmem:$0x10400] =	vst v63  }
0x109: {  	_ = 	snop  }
0x10a: {  	[tilespmem:s15], [sflag:$0x1] =	stream.indirect_vreg.gather [hbm4b:s6+s2], $0x80, v3, vm0, $0xb8;
	[tilespmem:$0x10400] =	vst v63  }
0x10b: {  	_ =	swait.ge [sflag:s20], $0x8000  }
0x10c: {  	[sflag:s20] =	ssyncset.done $0x0  }
0x10d: {  	s8 =	rddreg [dreg:$0x7];
	[sflag:s20] =	ssyncadd.s32 $0xFFFF8000  }
0x10e: {  	[hbm4b:s8+s2] =	stream.linear.scatter [tilespmem:s25], [sflag:$0x4], $0x8000, $0x38;
	[tilespmem:$0x10400] =	vst v63  }
0x10f: {  	_ =	swait.ge [sflag:s21], $0x8000  }
0x110: {  	[sflag:s21] =	ssyncset.done $0x0  }
0x111: {  	[sflag:s21] =	ssyncadd.s32 $0xFFFF8000  }
0x112: {  	v3 =	vld [tilespmem:$0x300];
	_ =	sdelay $0x4  }
0x113: {  	v58 =	vshll.u32 v3, $0x3  }
0x114: {  	v3 =	vand.u32 $0x7, v3;
	v4 =	vand.u32 $0xFFFFFFC0, v58  }
0x115: {  	v3 =	vor.u32 v3, v4  }
0x116: {  	v4 =	vperm.xlane v3, v0;
	_ =	sdelay $0x1  }
0x117: {  	v4 =	vadd.s32 v1, v4;
	_ =	sdelay $0x4  }
0x118: {  	[tilespmem:s25], [sflag:$0x2] =	stream.indirect_vreg.gather [hbm4b:s3+s2], $0x80, v4, vm0, $0xb8;
	[tilespmem:$0x10400] =	vst v63  }
0x119: {  	s17 =	simm.s32 $0x8C00;
	v3 =	vperm.xlane v3, v2  }
0x11a: {  	[tilespmem:s17], [sflag:$0x2] =	stream.indirect_vreg.gather [hbm4b:s4+s2], $0x80, v4, vm0, $0xb8;
	[tilespmem:$0x10400] =	vst v63  }
0x11b: {  	v3 =	vadd.s32 v1, v3  }
0x11c: {  	[tilespmem:s0], [sflag:$0x2] =	stream.indirect_vreg.gather [hbm4b:s5+s2], $0x80, v4, vm0, $0xb8;
	[tilespmem:$0x10400] =	vst v63  }
0x11d: {  	s22 =	simm.s32 $0x9C00  }
0x11e: {  	[tilespmem:s22], [sflag:$0x2] =	stream.indirect_vreg.gather [hbm4b:s6+s2], $0x80, v4, vm0, $0xb8;
	[tilespmem:$0x10400] =	vst v63  }
0x11f: {  	s17 =	simm.s32 $0xA400  }
0x120: {  	[tilespmem:s17], [sflag:$0x2] =	stream.indirect_vreg.gather [hbm4b:s3+s2], $0x80, v3, vm0, $0xb8;
	[tilespmem:$0x10400] =	vst v63  }
0x121: {  	s22 =	simm.s32 $0xAC00  }
0x122: {  	[tilespmem:s22], [sflag:$0x2] =	stream.indirect_vreg.gather [hbm4b:s4+s2], $0x80, v3, vm0, $0xb8;
	[tilespmem:$0x10400] =	vst v63  }
0x123: {  	s22 =	simm.s32 $0xB400  }
0x124: {  	[tilespmem:s22], [sflag:$0x2] =	stream.indirect_vreg.gather [hbm4b:s5+s2], $0x80, v3, vm0, $0xb8;
	[tilespmem:$0x10400] =	vst v63  }
0x125: {  	s22 =	simm.s32 $0xBC00  }
0x126: {  	[tilespmem:s22], [sflag:$0x2] =	stream.indirect_vreg.gather [hbm4b:s6+s2], $0x80, v3, vm0, $0xb8;
	[tilespmem:$0x10400] =	vst v63  }
0x127: {  	v3 =	vld [tilespmem:$0x310];
	_ =	sdelay $0x4  }
0x128: {  	v59 =	vshll.u32 v3, $0x3  }
0x129: {  	v3 =	vand.u32 $0x7, v3;
	v4 =	vand.u32 $0xFFFFFFC0, v59  }
0x12a: {  	v3 =	vor.u32 v3, v4  }
0x12b: {  	v4 =	vperm.xlane v3, v0;
	_ =	sdelay $0x1  }
0x12c: {  	v4 =	vadd.s32 v1, v4;
	_ =	sdelay $0x3  }
0x12d: {  	s22 =	simm.s32 $0xC400  }
0x12e: {  	[tilespmem:s22], [sflag:$0x2] =	stream.indirect_vreg.gather [hbm4b:s3+s2], $0x80, v4, vm0, $0xb8;
	[tilespmem:$0x10400] =	vst v63  }
0x12f: {  	v3 =	vperm.xlane v3, v2;
	s22 =	simm.s32 $0xCC00  }
0x130: {  	[tilespmem:s22], [sflag:$0x2] =	stream.indirect_vreg.gather [hbm4b:s4+s2], $0x80, v4, vm0, $0xb8;
	[tilespmem:$0x10400] =	vst v63  }
0x131: {  	v3 =	vadd.s32 v1, v3;
	s22 =	simm.s32 $0xD400  }
0x132: {  	[tilespmem:s22], [sflag:$0x2] =	stream.indirect_vreg.gather [hbm4b:s5+s2], $0x80, v4, vm0, $0xb8;
	[tilespmem:$0x10400] =	vst v63  }
0x133: {  	s22 =	simm.s32 $0xDC00  }
0x134: {  	[tilespmem:s22], [sflag:$0x2] =	stream.indirect_vreg.gather [hbm4b:s6+s2], $0x80, v4, vm0, $0xb8;
	[tilespmem:$0x10400] =	vst v63  }
0x135: {  	s22 =	simm.s32 $0xE400  }
0x136: {  	[tilespmem:s22], [sflag:$0x2] =	stream.indirect_vreg.gather [hbm4b:s3+s2], $0x80, v3, vm0, $0xb8;
	[tilespmem:$0x10400] =	vst v63  }
0x137: {  	s22 =	simm.s32 $0xEC00  }
0x138: {  	[tilespmem:s22], [sflag:$0x2] =	stream.indirect_vreg.gather [hbm4b:s4+s2], $0x80, v3, vm0, $0xb8;
	[tilespmem:$0x10400] =	vst v63  }
0x139: {  	s22 =	simm.s32 $0xF400  }
0x13a: {  	[tilespmem:s22], [sflag:$0x2] =	stream.indirect_vreg.gather [hbm4b:s5+s2], $0x80, v3, vm0, $0xb8;
	[tilespmem:$0x10400] =	vst v63  }
0x13b: {  	s22 =	simm.s32 $0xFC00  }
0x13c: {  	[tilespmem:s22], [sflag:$0x2] =	stream.indirect_vreg.gather [hbm4b:s6+s2], $0x80, v3, vm0, $0xb8;
	[tilespmem:$0x10400] =	vst v63  }
0x13d: {  	_ =	swait.ge [sflag:s18], $0x8000  }
0x13e: {  	[sflag:s18] =	ssyncset.done $0x0  }
0x13f: {  	s22 =	rddreg [dreg:$0x8];
	[sflag:s18] =	ssyncadd.s32 $0xFFFF8000  }
0x140: {  	[hbm4b:s22+s2] =	stream.linear.scatter [tilespmem:s9], [sflag:$0x3], $0x8000, $0x38;
	[tilespmem:$0x10400] =	vst v63  }
0x141: {  	_ =	swait.ge [sflag:s19], $0x8000  }
0x142: {  	[sflag:s19] =	ssyncset.done $0x0  }
0x143: {  	[sflag:s19] =	ssyncadd.s32 $0xFFFF8000  }
0x144: {  	v3 =	vld [tilespmem:$0x180];
	_ =	sdelay $0x4  }
0x145: {  	v60 =	vshll.u32 v3, $0x3  }
0x146: {  	v3 =	vand.u32 $0x7, v3;
	v4 =	vand.u32 $0xFFFFFFC0, v60  }
0x147: {  	v3 =	vor.u32 v3, v4  }
0x148: {  	v4 =	vperm.xlane v3, v0;
	_ =	sdelay $0x1  }
0x149: {  	v4 =	vadd.s32 v1, v4;
	_ =	sdelay $0x4  }
0x14a: {  	[tilespmem:s9], [sflag:$0x1] =	stream.indirect_vreg.gather [hbm4b:s3+s2], $0x80, v4, vm0, $0xb8;
	[tilespmem:$0x10400] =	vst v63  }
0x14b: {  	v3 =	vperm.xlane v3, v2  }
0x14c: {  	[tilespmem:s23], [sflag:$0x1] =	stream.indirect_vreg.gather [hbm4b:s4+s2], $0x80, v4, vm0, $0xb8;
	[tilespmem:$0x10400] =	vst v63  }
0x14d: {  	v3 =	vadd.s32 v1, v3  }
0x14e: {  	[tilespmem:s24], [sflag:$0x1] =	stream.indirect_vreg.gather [hbm4b:s5+s2], $0x80, v4, vm0, $0xb8;
	[tilespmem:$0x10400] =	vst v63  }
0x14f: {  	_ = 	snop  }
0x150: {  	[tilespmem:s26], [sflag:$0x1] =	stream.indirect_vreg.gather [hbm4b:s6+s2], $0x80, v4, vm0, $0xb8;
	[tilespmem:$0x10400] =	vst v63  }
0x151: {  	_ = 	snop  }
0x152: {  	[tilespmem:s28], [sflag:$0x1] =	stream.indirect_vreg.gather [hbm4b:s3+s2], $0x80, v3, vm0, $0xb8;
	[tilespmem:$0x10400] =	vst v63  }
0x153: {  	_ = 	snop  }
0x154: {  	[tilespmem:s29], [sflag:$0x1] =	stream.indirect_vreg.gather [hbm4b:s4+s2], $0x80, v3, vm0, $0xb8;
	[tilespmem:$0x10400] =	vst v63  }
0x155: {  	_ = 	snop  }
0x156: {  	[tilespmem:s30], [sflag:$0x1] =	stream.indirect_vreg.gather [hbm4b:s5+s2], $0x80, v3, vm0, $0xb8;
	[tilespmem:$0x10400] =	vst v63  }
0x157: {  	_ = 	snop  }
0x158: {  	[tilespmem:s31], [sflag:$0x1] =	stream.indirect_vreg.gather [hbm4b:s6+s2], $0x80, v3, vm0, $0xb8;
	[tilespmem:$0x10400] =	vst v63  }
0x159: {  	v3 =	vld [tilespmem:$0x190];
	_ =	sdelay $0x4  }
0x15a: {  	v61 =	vshll.u32 v3, $0x3  }
0x15b: {  	v3 =	vand.u32 $0x7, v3;
	v4 =	vand.u32 $0xFFFFFFC0, v61  }
0x15c: {  	v3 =	vor.u32 v3, v4  }
0x15d: {  	v4 =	vperm.xlane v3, v0;
	_ =	sdelay $0x1  }
0x15e: {  	v4 =	vadd.s32 v1, v4;
	_ =	sdelay $0x4  }
0x15f: {  	[tilespmem:s1], [sflag:$0x1] =	stream.indirect_vreg.gather [hbm4b:s3+s2], $0x80, v4, vm0, $0xb8;
	[tilespmem:$0x10400] =	vst v63  }
0x160: {  	v3 =	vperm.xlane v3, v2  }
0x161: {  	[tilespmem:s16], [sflag:$0x1] =	stream.indirect_vreg.gather [hbm4b:s4+s2], $0x80, v4, vm0, $0xb8;
	[tilespmem:$0x10400] =	vst v63  }
0x162: {  	v3 =	vadd.s32 v1, v3  }
0x163: {  	[tilespmem:s10], [sflag:$0x1] =	stream.indirect_vreg.gather [hbm4b:s5+s2], $0x80, v4, vm0, $0xb8;
	[tilespmem:$0x10400] =	vst v63  }
0x164: {  	_ = 	snop  }
0x165: {  	[tilespmem:s11], [sflag:$0x1] =	stream.indirect_vreg.gather [hbm4b:s6+s2], $0x80, v4, vm0, $0xb8;
	[tilespmem:$0x10400] =	vst v63  }
0x166: {  	_ = 	snop  }
0x167: {  	[tilespmem:s12], [sflag:$0x1] =	stream.indirect_vreg.gather [hbm4b:s3+s2], $0x80, v3, vm0, $0xb8;
	[tilespmem:$0x10400] =	vst v63  }
0x168: {  	_ = 	snop  }
0x169: {  	[tilespmem:s13], [sflag:$0x1] =	stream.indirect_vreg.gather [hbm4b:s4+s2], $0x80, v3, vm0, $0xb8;
	[tilespmem:$0x10400] =	vst v63  }
0x16a: {  	_ = 	snop  }
0x16b: {  	[tilespmem:s14], [sflag:$0x1] =	stream.indirect_vreg.gather [hbm4b:s5+s2], $0x80, v3, vm0, $0xb8;
	[tilespmem:$0x10400] =	vst v63  }
0x16c: {  	_ = 	snop  }
0x16d: {  	[tilespmem:s15], [sflag:$0x1] =	stream.indirect_vreg.gather [hbm4b:s6+s2], $0x80, v3, vm0, $0xb8;
	[tilespmem:$0x10400] =	vst v63  }
0x16e: {  	_ =	swait.ge [sflag:s20], $0x8000  }
0x16f: {  	[sflag:s20] =	ssyncset.done $0x0  }
0x170: {  	s1 =	rddreg [dreg:$0x9];
	[sflag:s20] =	ssyncadd.s32 $0xFFFF8000  }
0x171: {  	[hbm4b:s1+s2] =	stream.linear.scatter [tilespmem:s25], [sflag:$0x4], $0x8000, $0x38;
	[tilespmem:$0x10400] =	vst v63  }
0x172: {  	_ =	swait.ge [sflag:s21], $0x8000  }
0x173: {  	[sflag:s21] =	ssyncset.done $0x0  }
0x174: {  	[sflag:s21] =	ssyncadd.s32 $0xFFFF8000  }
0x175: {  	v3 =	vld [tilespmem:$0x380];
	_ =	sdelay $0x4  }
0x176: {  	v62 =	vshll.u32 v3, $0x3  }
0x177: {  	v3 =	vand.u32 $0x7, v3;
	v4 =	vand.u32 $0xFFFFFFC0, v62  }
0x178: {  	v3 =	vor.u32 v3, v4  }
0x179: {  	v4 =	vperm.xlane v3, v0;
	_ =	sdelay $0x1  }
0x17a: {  	v4 =	vadd.s32 v1, v4;
	_ =	sdelay $0x4  }
0x17b: {  	[tilespmem:s25], [sflag:$0x2] =	stream.indirect_vreg.gather [hbm4b:s3+s2], $0x80, v4, vm0, $0xb8;
	[tilespmem:$0x10400] =	vst v63  }
0x17c: {  	s23 =	simm.s32 $0x8C00;
	v3 =	vperm.xlane v3, v2  }
0x17d: {  	[tilespmem:s23], [sflag:$0x2] =	stream.indirect_vreg.gather [hbm4b:s4+s2], $0x80, v4, vm0, $0xb8;
	[tilespmem:$0x10400] =	vst v63  }
0x17e: {  	s0 =	simm.s32 $0x9400;
	v3 =	vadd.s32 v1, v3  }
0x17f: {  	[tilespmem:s0], [sflag:$0x2] =	stream.indirect_vreg.gather [hbm4b:s5+s2], $0x80, v4, vm0, $0xb8;
	[tilespmem:$0x10400] =	vst v63  }
0x180: {  	s1 =	simm.s32 $0x9C00  }
0x181: {  	[tilespmem:s1], [sflag:$0x2] =	stream.indirect_vreg.gather [hbm4b:s6+s2], $0x80, v4, vm0, $0xb8;
	[tilespmem:$0x10400] =	vst v63  }
0x182: {  	s8 =	simm.s32 $0xA400  }
0x183: {  	[tilespmem:s8], [sflag:$0x2] =	stream.indirect_vreg.gather [hbm4b:s3+s2], $0x80, v3, vm0, $0xb8;
	[tilespmem:$0x10400] =	vst v63  }
0x184: {  	s17 =	simm.s32 $0xAC00  }
0x185: {  	[tilespmem:s17], [sflag:$0x2] =	stream.indirect_vreg.gather [hbm4b:s4+s2], $0x80, v3, vm0, $0xb8;
	[tilespmem:$0x10400] =	vst v63  }
0x186: {  	s17 =	simm.s32 $0xB400  }
0x187: {  	[tilespmem:s17], [sflag:$0x2] =	stream.indirect_vreg.gather [hbm4b:s5+s2], $0x80, v3, vm0, $0xb8;
	[tilespmem:$0x10400] =	vst v63  }
0x188: {  	s22 =	simm.s32 $0xBC00  }
0x189: {  	[tilespmem:s22], [sflag:$0x2] =	stream.indirect_vreg.gather [hbm4b:s6+s2], $0x80, v3, vm0, $0xb8;
	[tilespmem:$0x10400] =	vst v63  }
0x18a: {  	v3 =	vld [tilespmem:$0x390];
	_ =	sdelay $0x4  }
0x18b: {  	v63 =	vshll.u32 v3, $0x3  }
0x18c: {  	v3 =	vand.u32 $0x7, v3;
	v4 =	vand.u32 $0xFFFFFFC0, v63  }
0x18d: {  	v3 =	vor.u32 v3, v4  }
0x18e: {  	v4 =	vperm.xlane v3, v0;
	_ =	sdelay $0x1  }
0x18f: {  	v4 =	vadd.s32 v1, v4;
	_ =	sdelay $0x3  }
0x190: {  	s23 =	simm.s32 $0xC400  }
0x191: {  	[tilespmem:s23], [sflag:$0x2] =	stream.indirect_vreg.gather [hbm4b:s3+s2], $0x80, v4, vm0, $0xb8;
	[tilespmem:$0x10400] =	vst v63  }
0x192: {  	s1 =	simm.s32 $0xCC00;
	v3 =	vperm.xlane v3, v2  }
0x193: {  	[tilespmem:s1], [sflag:$0x2] =	stream.indirect_vreg.gather [hbm4b:s4+s2], $0x80, v4, vm0, $0xb8;
	[tilespmem:$0x10400] =	vst v63  }
0x194: {  	s8 =	simm.s32 $0xD400;
	v3 =	vadd.s32 v1, v3  }
0x195: {  	[tilespmem:s8], [sflag:$0x2] =	stream.indirect_vreg.gather [hbm4b:s5+s2], $0x80, v4, vm0, $0xb8;
	[tilespmem:$0x10400] =	vst v63  }
0x196: {  	s17 =	simm.s32 $0xDC00  }
0x197: {  	[tilespmem:s17], [sflag:$0x2] =	stream.indirect_vreg.gather [hbm4b:s6+s2], $0x80, v4, vm0, $0xb8;
	[tilespmem:$0x10400] =	vst v63  }
0x198: {  	s22 =	simm.s32 $0xE400  }
0x199: {  	[tilespmem:s22], [sflag:$0x2] =	stream.indirect_vreg.gather [hbm4b:s3+s2], $0x80, v3, vm0, $0xb8;
	[tilespmem:$0x10400] =	vst v63  }
0x19a: {  	s23 =	simm.s32 $0xEC00  }
0x19b: {  	[tilespmem:s23], [sflag:$0x2] =	stream.indirect_vreg.gather [hbm4b:s4+s2], $0x80, v3, vm0, $0xb8;
	[tilespmem:$0x10400] =	vst v63  }
0x19c: {  	s1 =	simm.s32 $0xF400  }
0x19d: {  	[tilespmem:s1], [sflag:$0x2] =	stream.indirect_vreg.gather [hbm4b:s5+s2], $0x80, v3, vm0, $0xb8;
	[tilespmem:$0x10400] =	vst v63  }
0x19e: {  	s8 =	simm.s32 $0xFC00  }
0x19f: {  	[tilespmem:s8], [sflag:$0x2] =	stream.indirect_vreg.gather [hbm4b:s6+s2], $0x80, v3, vm0, $0xb8;
	[tilespmem:$0x10400] =	vst v63  }
0x1a0: {  	_ =	swait.ge [sflag:s18], $0x8000  }
0x1a1: {  	[sflag:s18] =	ssyncset.done $0x0  }
0x1a2: {  	s17 =	rddreg [dreg:$0xa];
	[sflag:s18] =	ssyncadd.s32 $0xFFFF8000  }
0x1a3: {  	[hbm4b:s17+s2] =	stream.linear.scatter [tilespmem:s9], [sflag:$0x3], $0x8000, $0x38;
	[tilespmem:$0x10400] =	vst v63  }
0x1a4: {  	_ =	swait.ge [sflag:s20], $0x8000  }
0x1a5: {  	[sflag:s20] =	ssyncset.done $0x0  }
0x1a6: {  	s23 =	rddreg [dreg:$0xb];
	[sflag:s20] =	ssyncadd.s32 $0xFFFF8000  }
0x1a7: {  	[hbm4b:s23+s2] =	stream.linear.scatter [tilespmem:s25], [sflag:$0x4], $0x8000, $0x38;
	[tilespmem:$0x10400] =	vst v63  }
0x1a8: {  	p0 =	sne.s32 s7, $0x1;
	_ =	swait.ge [sflag:s19], $0x8000  }
.Ltmp0:
0x1a9: {  	[sflag:s19] =	ssyncset.done $0x0;
	(pc) =	sbr.rel @p0 .LBB2_1-.Ltmp0, $4  }
0x1aa: {  	[sflag:s19] =	ssyncadd.s32 $0xFFFF8000  }
0x1ab: {  	_ =	swait.ge [sflag:s21], $0x8000  }
0x1ac: {  	[sflag:s21] =	ssyncset.done $0x0  }
0x1ad: {  	s7 =	sadd.s32 $0xFFFFFFFF, s7;
	[sflag:s21] =	ssyncadd.s32 $0xFFFF8000  }
0x1ae: {  	_ =	sfence.sel $0x180000  }
0x1af: {  	[bflag:$0x0] =	sbarrier.arrive $0xFFFF  }
0x1b0: {  	_ =	strace $0x9000004A  }
0x1b1: {  	s0 =	stileid.u32;
	[bflag:$0x2] =	sbarrier.arrive $0xFFFF  }
0x1b2: {  	p0 =	sne.s32 s0, $0x0;
	s0 =	rddreg [dreg:$0x1]  }
0x1b3: {  	s0 =	sadd.s32 @!p0 $0x100000, s0  }
0x1b4: {  	[sflag:s0] =	ssyncadd.tile.s32 @!p0 $0x1;
	_ =	shalt  }
.Lfunc_end2:
_tile_overlayer_lowered:
.L_overlay_start_2:
0x1b5: {  	(tag) =	ssettag $0x2  }
0x1b6: {  	s0 =	rddreg [dreg:$0x0];
	s2 =	stileid.u32  }
0x1b7: {  	s1 =	rddreg [dreg:$0x1];
	p0 =	sne.s32 s2, $0x0  }
0x1b8: {  	s3 =	rddreg [dreg:$0x2];
	[bflag:$0x3] =	sbarrier.arrive $0xFFFF;
	s2 =	simm.s32 @!p0 $0x1C05  }
0x1b9: {  	[timem:s3], [sflag:s2] =	dma.local @!p0 [hbm:s0], s1  }
0x1ba: {  	s0 =	simm.s32 @!p0 $0x5  }
0x1bb: {  	_ =	swait.ge @!p0 [sflag:s0], s1  }
0x1bc: {  	s1 =	ssub.s32 @!p0 $0x0, s1;
	[sflag:s0] =	ssyncset.done @!p0 $0x0  }
0x1bd: {  	[sflag:s0] =	ssyncadd.s32 @!p0 s1  }
0x1be: {  	[bflag:$0x3] =	sbarrier.arrive $0xFFFF  }
0x1bf: {  	_ =	shalt  }

// kernel: kernel.8.cloned.1.call-start
scs
__scs_entry_jumppad:
0x0: {  	(pc) =	sbr.rel $0x88, $3  }
0x1: {  	(tag) =	ssettag $0x0;
	lr =	simm.s32 $0x1  }
0x2: {  	[smem:$0x3F92] =	sst lr;
	_ =	strace $0xD0000000  }
0x3: {  	_ = 	snop  }
0x4: {  	_ = 	snop  }
0x5: {  	_ = 	snop  }
0x6: {  	_ = 	snop  }
0x7: {  	_ = 	snop  }
__scs_overlays_trampoline_lowered:
0x8: {  	[smem:$0x3FA1] =	sst s0  }
0x9: {  	[smem:$0x3FA2] =	sst s1  }
0xa: {  	[smem:$0x3FA3] =	sst s2  }
0xb: {  	[smem:$0x3FA4] =	sst s3  }
0xc: {  	[smem:$0x3FA5] =	sst s4  }
0xd: {  	[smem:$0x3FA6] =	sst s5  }
0xe: {  	[smem:$0x3FA7] =	sst s6  }
0xf: {  	[smem:$0x3FA8] =	sst s7  }
0x10: {  	[smem:$0x3FA9] =	sst s8  }
0x11: {  	[smem:$0x3FAA] =	sst s9;
	s0 =	simm.s32 @!p0 $0x0  }
0x12: {  	s1 =	sld [smem:$0x3F90];
	s0 =	simm.s32 @p0 $0x1  }
0x13: {  	[smem:$0x3FAB] =	sst s0;
	s0 =	simm.s32 @!p1 $0x0  }
0x14: {  	s2 =	sld [smem:$0x3F8F];
	s0 =	simm.s32 @p1 $0x1  }
0x15: {  	[smem:$0x3FAC] =	sst s0;
	s0 =	simm.s32 @!p2 $0x0  }
0x16: {  	s3 =	sld [smem:$0x3FDB];
	s0 =	simm.s32 @p2 $0x1  }
0x17: {  	s4 =	simm.s32 $0x1BF5;
	[smem:$0x3FAE] =	sst s0  }
0x18: {  	s0 =	sld [smem:$0x3F91];
	_ =	swait.ge [sflag:s4], $0x0  }
0x19: {  	s7 =	sld [smem:$0x3F92]  }
0x1a: {  	s8 =	sadd.s32 $0xFFFFE003, lr  }
0x1b: {  	s9 =	sadd.s32 $0xFFFFFEF7, lr;
	s5 =	simm.s32 $0xFFFFFFFF;
	p2 =	slt.u32 s8, $0xFFFFF086  }
0x1c: {  	p1 =	slt.u32 s9, $0xF7A;
	s5 =	simm.s32 @!p2 $0x0  }
0x1d: {  	s5 =	simm.s32 @p1 $0x1;
	p0 =	seq.s32 s7, s2  }
0x1e: {  	s7 =	smul.u32 @!p0 $0xF7A, s2;
	p2 =	seq.s32 @!p0 s5, $0x0  }
0x1f: {  	s9 =	smul.u32 $0xF7A, s1;
	s8 =	simm.s32 @!p0 $0x1BF5;
	p2 =	por !p2, p0  }
0x20: {  	[sflag:s8] =	ssyncset.s32 @!p0 $0xFFFFF086;
	s6 =	sadd.s32 @!p0 s3, s7;
	s7 =	simm.s32 @!p0 $0x108  }
0x21: {  	s3 =	sadd.s32 s3, s9;
	s6 =	sadd.s32 @!p0 $0x88, s6;
	s7 =	simm.s32 @p2 $0x1082  }
0x22: {  	[simem:s7], [sflag:s8] =	dma.local @!p0 [hbm:s6], $0xF7A  }
0x23: {  	s9 =	sor.u32 $0xD0000000, s2;
	s6 =	simm.s32 $0x108;
	_ =	swait.ge @!p0 [sflag:s8], $0x0  }
0x24: {  	s3 =	sadd.s32 $0x88, s3;
	s6 =	simm.s32 @!p1 $0x1082;
	[sflag:s4] =	ssyncset.s32 $0xFFFFF086  }
0x25: {  	[simem:s6], [sflag:s4] =	dma.local [hbm:s3], $0xF7A  }
0x26: {  	[smem:$0x3F92] =	sst s1;
	(tag) =	ssettag s2;
	_ =	strace s9  }
0x27: {  	s1 =	sld [smem:$0x3FA2]  }
0x28: {  	s2 =	sld [smem:$0x3FA3]  }
0x29: {  	s4 =	sld [smem:$0x3FA5]  }
0x2a: {  	p0 =	seq.s32 s5, $0x0;
	s5 =	sld [smem:$0x3FA6]  }
0x2b: {  	s6 =	sld [smem:$0x3FA7]  }
0x2c: {  	s7 =	sld [smem:$0x3FA8]  }
0x2d: {  	s3 =	simm.s32 $0x108;
	s8 =	sld [smem:$0x3FA9]  }
0x2e: {  	s3 =	simm.s32 @!p0 $0x1082;
	s9 =	sld [smem:$0x3FAA]  }
0x2f: {  	lr =	sadd.s32 s0, s3;
	s0 =	sld [smem:$0x3FA1]  }
0x30: {  	s3 =	sld [smem:$0x3FA4]  }
0x31: {  	[smem:$0x3FAD] =	sst s10  }
0x32: {  	s10 =	sld [smem:$0x3FAB];
	_ =	sdelay $0x3  }
0x33: {  	p0 =	seq.s32 s10, $0x1;
	s10 =	sld [smem:$0x3FAD];
	_ =	sdelay $0x3  }
0x34: {  	[smem:$0x3FAD] =	sst s10  }
0x35: {  	s10 =	sld [smem:$0x3FAC];
	_ =	sdelay $0x3  }
0x36: {  	p1 =	seq.s32 s10, $0x1;
	s10 =	sld [smem:$0x3FAD];
	_ =	sdelay $0x3  }
0x37: {  	[smem:$0x3FAD] =	sst s10  }
0x38: {  	s10 =	sld [smem:$0x3FAE]  }
0x39: {  	_ = 	snop;
	(pc) =	sbr.ind lr, $3  }
0x3a: {  	_ = 	snop  }
0x3b: {  	_ = 	snop  }
0x3c: {  	p2 =	seq.s32 s10, $0x1;
	s10 =	sld [smem:$0x3FAD]  }
0x3d: {  	_ =	shalt  }
0x3e: {  	_ =	shalt  }
0x3f: {  	_ =	shalt  }
0x40: {  	_ =	shalt  }
0x41: {  	_ =	shalt  }
0x42: {  	_ =	shalt  }
0x43: {  	_ =	shalt  }
0x44: {  	_ =	shalt  }
0x45: {  	_ =	shalt  }
0x46: {  	_ =	shalt  }
0x47: {  	_ =	shalt  }
0x48: {  	_ =	shalt  }
0x49: {  	_ =	shalt  }
0x4a: {  	_ =	shalt  }
0x4b: {  	_ =	shalt  }
0x4c: {  	_ =	shalt  }
0x4d: {  	_ =	shalt  }
0x4e: {  	_ =	shalt  }
0x4f: {  	_ =	shalt  }
0x50: {  	_ =	shalt  }
0x51: {  	_ =	shalt  }
0x52: {  	_ =	shalt  }
0x53: {  	_ =	shalt  }
0x54: {  	_ =	shalt  }
0x55: {  	_ =	shalt  }
0x56: {  	_ =	shalt  }
0x57: {  	_ =	shalt  }
0x58: {  	_ =	shalt  }
0x59: {  	_ =	shalt  }
0x5a: {  	_ =	shalt  }
0x5b: {  	_ =	shalt  }
0x5c: {  	_ =	shalt  }
0x5d: {  	_ =	shalt  }
0x5e: {  	_ =	shalt  }
0x5f: {  	_ =	shalt  }
0x60: {  	_ =	shalt  }
0x61: {  	_ =	shalt  }
0x62: {  	_ =	shalt  }
0x63: {  	_ =	shalt  }
0x64: {  	_ =	shalt  }
0x65: {  	_ =	shalt  }
0x66: {  	_ =	shalt  }
0x67: {  	_ =	shalt  }
0x68: {  	_ =	shalt  }
0x69: {  	_ =	shalt  }
0x6a: {  	_ =	shalt  }
0x6b: {  	_ =	shalt  }
0x6c: {  	_ =	shalt  }
0x6d: {  	_ =	shalt  }
0x6e: {  	_ =	shalt  }
0x6f: {  	_ =	shalt  }
0x70: {  	_ =	shalt  }
0x71: {  	_ =	shalt  }
0x72: {  	_ =	shalt  }
0x73: {  	_ =	shalt  }
0x74: {  	_ =	shalt  }
0x75: {  	_ =	shalt  }
0x76: {  	_ =	shalt  }
0x77: {  	_ =	shalt  }
0x78: {  	_ =	shalt  }
0x79: {  	_ =	shalt  }
0x7a: {  	_ =	shalt  }
0x7b: {  	_ =	shalt  }
0x7c: {  	_ =	shalt  }
0x7d: {  	_ =	shalt  }
0x7e: {  	_ =	shalt  }
0x7f: {  	_ =	shalt  }
0x80: {  	_ =	shalt  }
0x81: {  	_ =	shalt  }
0x82: {  	_ =	shalt  }
0x83: {  	_ =	shalt  }
0x84: {  	_ =	shalt  }
0x85: {  	_ =	shalt  }
0x86: {  	_ =	shalt  }
0x87: {  	_ =	shalt  }
.Lfunc_end0:
.L_simem_size_0:
called_computation_lowered:
.L_overlay_start_0:
0x88: {  	s2 =	sld [smem:$0x3FD9]  }
0x89: {  	s3 =	sld [smem:$0x3FFE];
	_ =	sdelay $0x1  }
0x8a: {  	s1 =	srdreg.scid  }
0x8b: {  	s0 =	sand.u32 $0x1, s1  }
0x8c: {  	s17 =	sshll.u32 s0, $0xA;
	s2 =	sadd.s32 s3, s2  }
0x8d: {  	s2 =	sadd.s32 s2, s17  }
0x8e: {  	[smem:$0x3FB9] =	sst s2  }
0x8f: {  	_ = 	snop  }
0x90: {  	s2 =	sld [smem:$0x3FC9];
	(tm) =	ssettm $0x1  }
0x91: {  	s18 =	sld [smem:$0x3FFB];
	_ =	sdelay $0x3  }
0x92: {  	_ =	strace s18  }
0x93: {  	s3 =	sld [smem:$0x3FFC];
	_ =	sdelay $0x3  }
0x94: {  	_ =	strace s3  }
0x95: {  	s3 =	sld [smem:$0x3FFD];
	_ =	sdelay $0x3  }
0x96: {  	_ =	strace s3  }
0x97: {  	_ =	strace $0x8FFFFFFF  }
0x98: {  	s19 =	sld [smem:$0x3FDB];
	_ =	sdelay $0x1  }
0x99: {  	s4 =	simm.s32 $_scs_section_size  }
0x9a: {  	s5 =	simm.s32 $_size__tile_overlayer_lowered;
	s6 =	simm.s32 $_tile_overlayer_lowered  }
0x9b: {  	s22 =	simm.s32 $0x1BFF;
	s21 =	sshll.u32 s6, $0x1;
	s3 =	sadd.s32 s4, s19  }
0x9c: {  	s7 =	simm.s32 $0x0;
	s20 =	sshll.u32 s5, $0x1;
	s5 =	sadd.s32 s21, s3  }
0x9d: {  	[timem:s7], [sflag:s22] =	dma.local [hbm:s5], s20  }
0x9e: {  	_ =	swait.ge [sflag:s22], s20  }
0x9f: {  	s4 =	ssub.s32 $0x0, s20;
	[sflag:s22] =	ssyncset.done $0x0  }
0xa0: {  	[sflag:s22] =	ssyncadd.s32 s4;
	_ =	sdelay $0x1  }
0xa1: {  	s23 =	simm.s32 $0x1B8B  }
0xa2: {  	_ =	swait.ge [sflag:s23], $0x1  }
0xa3: {  	[sflag:s23] =	ssyncset.done $0x0  }
0xa4: {  	s25 =	simm.s32 $0x1B8E;
	s24 =	sld [smem:$0x3FFE];
	[sflag:s23] =	ssyncadd.s32 $0xFFFFFFFF  }
0xa5: {  	s26 =	simm.s32 $execute0_lowered;
	[smem:$0x3FD2] =	sst s25  }
0xa6: {  	s5 =	sshll.u32 s26, $0x1;
	_ =	strace $0x80000046;
	[dreg:$0x1] =	wrdreg $0xFFFFFFFF  }
0xa7: {  	s28 =	simm.s32 $_size_execute0_lowered;
	s3 =	sadd.s32 s3, s5;
	[dreg:$0x0] =	wrdreg $0x0  }
0xa8: {  	s5 =	sshll.u32 s28, $0x1;
	[dreg:$0x2] =	wrdreg s3  }
0xa9: {  	[dreg:$0x3] =	wrdreg s5  }
0xaa: {  	[dreg:$0x4] =	wrdreg $0xC0  }
0xab: {  	_ =	task [dreg:s7], $0x5FFFF  }
0xac: {  	[dreg:$0x1] =	wrdreg $0xFFFFFFFF  }
0xad: {  	[dreg:$0x0] =	wrdreg $0x60  }
0xae: {  	[dreg:$0x2] =	wrdreg s2  }
0xaf: {  	[dreg:$0x3] =	wrdreg s24  }
0xb0: {  	[dreg:$0x4] =	wrdreg $0x9  }
0xb1: {  	_ =	task.clear_ibuf [dreg:s7], $0x5FFFF;
	_ =	strace $0x90000046  }
0xb2: {  	s29 =	simm.s32 $0x9;
	_ =	strace $0x80000048  }
0xb3: {  	_ =	swait.ge [sflag:s29], $0x1  }
0xb4: {  	[sflag:s29] =	ssyncadd.s32 $0xFFFFFFFF  }
0xb5: {  	_ =	strace $0x90000048  }
0xb6: {  	_ =	sfence  }
0xb7: {  	s30 =	sld [smem:$0x0];
	_ =	sdelay $0x2  }
0xb8: {  	s31 =	sshll.u32 s1, $0xD;
	s1 =	sshrl.u32 s1, $0x2  }
0xb9: {  	s3 =	sand.u32 $0x4000, s31;
	s1 =	sadd.s32 s1, s30  }
0xba: {  	s0 =	sor.u32 s3, s0;
	s1 =	sshll.u32 s1, $0x11  }
0xbb: {  	s0 =	sor.u32 s1, s0  }
0xbc: {  	s0 =	sadd.s32 $0x8F2B, s0  }
0xbd: {  	[sflag:s0] =	ssyncadd.remote.s32 $0x1  }
0xbe: {  	_ =	sfence.sel $0xFFFF  }
0xbf: {  	[dreg:$0x0] =	wrdreg $0xFFFFFFFF;
	(pc) =	sbr.abs _section_cstart, $3  }
0xc0: {  	[dreg:$0x1] =	wrdreg $0xFFFFFFFF  }
0xc1: {  	_ =	task.clear_ibuf [dreg:s7], $0x2FFFF;
	_ =	strace $0x9FFFFFFF  }
0xc2: {  	(tm) =	ssettm $0x7FFFFFFF  }
0xc3: {  	_ =	shalt  }
tec
execute0_lowered:
.L_overlay_start_1:
0x0: {  	(tag) =	ssettag $0x1  }
0x1: {  	s0 =	rddreg [dreg:$0x0]  }
0x2: {  	s1 =	rddreg [dreg:$0x1];
	s3 =	srdreg.scid  }
0x3: {  	s5 =	stileid.u32;
	s2 =	simm.s32 $0x0;
	s30 =	simm.s32 $0x200  }
0x4: {  	s29 =	simm.s32 $0x3400;
	s28 =	simm.s32 $0x5400;
	s31 =	simm.s32 $0x5C00  }
0x5: {  	s4 =	sand.u32 $0x1, s3;
	s21 =	sshll.u32 s5, $0x1;
	[smem:$0x7FF] =	sst s2  }
0x6: {  	s5 =	sor.u32 s4, s21;
	_ =	strace $0x80000047;
	s4 =	ssub.s32 $0x2, s4  }
0x7: {  	[dreg:$0x8] =	wrdreg s30;
	s3 =	sshll.u32 s5, $0x6;
	s5 =	sshll.u32 s5, $0xE  }
0x8: {  	s7 =	sshrl.u32 s4, $0x1;
	s6 =	sadd.s32 s3, s1;
	s22 =	sadd.s32 s0, s5  }
0x9: {  	s3 =	sadd.s32 $0x25000, s1;
	s8 =	sadd.s32 $0x24000, s6;
	[dreg:$0x9] =	wrdreg s22  }
0xa: {  	s23 =	ssub.s32 s4, s7;
	s6 =	sadd.s32 $0x24800, s6;
	[dreg:$0x3] =	wrdreg s8  }
0xb: {  	s5 =	sadd.s32 $0x25100, s1;
	s24 =	sadd.s32 $0x1000, s22;
	[dreg:$0x4] =	wrdreg s6  }
0xc: {  	v2 =	vlaneseq.u32;
	s7 =	sadd.s32 $0x25300, s1;
	s25 =	sadd.s32 $0x2000, s22;
	[dreg:$0x5] =	wrdreg s24  }
0xd: {  	vm0 =	vmmov $0xffff;
	v1 =	vshrl.u32 v2, $0x3;
	s26 =	sadd.s32 $0x3000, s22;
	s19 =	smax.u32 s23, $0x1;
	[dreg:$0x6] =	wrdreg s25  }
0xe: {  	v0 =	vand.u32 $0x7, v2;
	v2 =	vor.u32 $0x8, v2;
	v1 =	vmul.u32 $0x8, v1;
	s6 =	sadd.s32 $0x25200, s1;
	[dreg:$0x7] =	wrdreg s26;
	s24 =	simm.s32 $0x3C00  }
.LBB2_1:
0xf: {  	s25 =	rddreg [dreg:$0x3];
	s0 =	simm.s32 $0x5  }
0x10: {  	[tilespmem:s2], [sflag:$0x5] =	stream.linear.gather [hbm4b:s25+s2], $0x200, $0x38;
	[tilespmem:$0x10400] =	vst v63  }
0x11: {  	_ =	swait.ge [sflag:s0], $0x200  }
0x12: {  	s10 =	rddreg [dreg:$0x4];
	[sflag:s0] =	ssyncset.done $0x0  }
0x13: {  	s26 =	rddreg [dreg:$0x8];
	[sflag:s0] =	ssyncadd.s32 $0xFFFFFE00  }
0x14: {  	[tilespmem:s26], [sflag:$0x5] =	stream.linear.gather [hbm4b:s10+s2], $0x200, $0x38;
	[tilespmem:$0x10400] =	vst v63  }
0x15: {  	_ =	swait.ge [sflag:s0], $0x200  }
0x16: {  	[sflag:s0] =	ssyncset.done $0x0  }
0x17: {  	s13 =	simm.s32 $0x400;
	s12 =	rddreg [dreg:$0x9];
	[sflag:s0] =	ssyncadd.s32 $0xFFFFFE00  }
0x18: {  	[tilespmem:s13], [sflag:$0x1] =	stream.linear.gather [hbm4b:s12+s2], $0x8000, $0x38;
	[tilespmem:$0x10400] =	vst v63  }
0x19: {  	s14 =	simm.s32 $0x8400;
	s30 =	simm.s32 $0x1;
	s11 =	rddreg [dreg:$0x5]  }
0x1a: {  	[tilespmem:s14], [sflag:$0x2] =	stream.linear.gather [hbm4b:s11+s2], $0x8000, $0x38;
	[tilespmem:$0x10400] =	vst v63  }
0x1b: {  	_ =	swait.ge [sflag:s30], $0x8000  }
0x1c: {  	[sflag:s30] =	ssyncset.done $0x0  }
0x1d: {  	[sflag:s30] =	ssyncadd.s32 $0xFFFF8000  }
0x1e: {  	v3 =	vld [tilespmem:$0x0];
	_ =	sdelay $0x4  }
0x1f: {  	v4 =	vshll.u32 v3, $0x3  }
0x20: {  	v3 =	vand.u32 $0x7, v3;
	v4 =	vand.u32 $0xFFFFFFC0, v4  }
0x21: {  	v3 =	vor.u32 v3, v4  }
0x22: {  	v4 =	vperm.xlane v3, v0;
	_ =	sdelay $0x1  }
0x23: {  	v4 =	vadd.s32 v1, v4;
	_ =	sdelay $0x3  }
0x24: {  	s26 =	simm.s32 $0x400  }
0x25: {  	[hbm4b:s3+s2] =	stream.indirect_vreg.scatter [tilespmem:s26], [sflag:$0x3], $0x80, v4, vm0, $0xb8;
	[tilespmem:$0x10400] =	vst v63  }
0x26: {  	s15 =	simm.s32 $0xC00;
	v3 =	vperm.xlane v3, v2  }
0x27: {  	[hbm4b:s5+s2] =	stream.indirect_vreg.scatter [tilespmem:s15], [sflag:$0x3], $0x80, v4, vm0, $0xb8;
	[tilespmem:$0x10400] =	vst v63  }
0x28: {  	s16 =	simm.s32 $0x1400;
	v3 =	vadd.s32 v1, v3  }
0x29: {  	[hbm4b:s6+s2] =	stream.indirect_vreg.scatter [tilespmem:s16], [sflag:$0x3], $0x80, v4, vm0, $0xb8;
	[tilespmem:$0x10400] =	vst v63  }
0x2a: {  	s17 =	simm.s32 $0x1C00  }
0x2b: {  	[hbm4b:s7+s2] =	stream.indirect_vreg.scatter [tilespmem:s17], [sflag:$0x3], $0x80, v4, vm0, $0xb8;
	[tilespmem:$0x10400] =	vst v63  }
0x2c: {  	s18 =	simm.s32 $0x2400  }
0x2d: {  	[hbm4b:s3+s2] =	stream.indirect_vreg.scatter [tilespmem:s18], [sflag:$0x3], $0x80, v3, vm0, $0xb8;
	[tilespmem:$0x10400] =	vst v63  }
0x2e: {  	s21 =	simm.s32 $0x2C00  }
0x2f: {  	[hbm4b:s5+s2] =	stream.indirect_vreg.scatter [tilespmem:s21], [sflag:$0x3], $0x80, v3, vm0, $0xb8;
	[tilespmem:$0x10400] =	vst v63  }
0x30: {  	s23 =	simm.s32 $0x3400  }
0x31: {  	[hbm4b:s6+s2] =	stream.indirect_vreg.scatter [tilespmem:s23], [sflag:$0x3], $0x80, v3, vm0, $0xb8;
	[tilespmem:$0x10400] =	vst v63  }
0x32: {  	s25 =	simm.s32 $0x3C00  }
0x33: {  	[hbm4b:s7+s2] =	stream.indirect_vreg.scatter [tilespmem:s25], [sflag:$0x3], $0x80, v3, vm0, $0xb8;
	[tilespmem:$0x10400] =	vst v63  }
0x34: {  	v3 =	vld [tilespmem:$0x10];
	_ =	sdelay $0x4  }
0x35: {  	v49 =	vshll.u32 v3, $0x3  }
0x36: {  	v3 =	vand.u32 $0x7, v3;
	v4 =	vand.u32 $0xFFFFFFC0, v49  }
0x37: {  	v3 =	vor.u32 v3, v4  }
0x38: {  	v4 =	vperm.xlane v3, v0;
	_ =	sdelay $0x1  }
0x39: {  	v4 =	vadd.s32 v1, v4;
	_ =	sdelay $0x3  }
0x3a: {  	s9 =	simm.s32 $0x4400  }
0x3b: {  	[hbm4b:s3+s2] =	stream.indirect_vreg.scatter [tilespmem:s9], [sflag:$0x3], $0x80, v4, vm0, $0xb8;
	[tilespmem:$0x10400] =	vst v63  }
0x3c: {  	s10 =	simm.s32 $0x4C00;
	v3 =	vperm.xlane v3, v2  }
0x3d: {  	[hbm4b:s5+s2] =	stream.indirect_vreg.scatter [tilespmem:s10], [sflag:$0x3], $0x80, v4, vm0, $0xb8;
	[tilespmem:$0x10400] =	vst v63  }
0x3e: {  	s11 =	simm.s32 $0x5400;
	v3 =	vadd.s32 v1, v3  }
0x3f: {  	[hbm4b:s6+s2] =	stream.indirect_vreg.scatter [tilespmem:s11], [sflag:$0x3], $0x80, v4, vm0, $0xb8;
	[tilespmem:$0x10400] =	vst v63  }
0x40: {  	s12 =	simm.s32 $0x5C00  }
0x41: {  	[hbm4b:s7+s2] =	stream.indirect_vreg.scatter [tilespmem:s12], [sflag:$0x3], $0x80, v4, vm0, $0xb8;
	[tilespmem:$0x10400] =	vst v63  }
0x42: {  	s13 =	simm.s32 $0x6400  }
0x43: {  	[hbm4b:s3+s2] =	stream.indirect_vreg.scatter [tilespmem:s13], [sflag:$0x3], $0x80, v3, vm0, $0xb8;
	[tilespmem:$0x10400] =	vst v63  }
0x44: {  	s15 =	simm.s32 $0x6C00  }
0x45: {  	[hbm4b:s5+s2] =	stream.indirect_vreg.scatter [tilespmem:s15], [sflag:$0x3], $0x80, v3, vm0, $0xb8;
	[tilespmem:$0x10400] =	vst v63  }
0x46: {  	s21 =	simm.s32 $0x7400  }
0x47: {  	[hbm4b:s6+s2] =	stream.indirect_vreg.scatter [tilespmem:s21], [sflag:$0x3], $0x80, v3, vm0, $0xb8;
	[tilespmem:$0x10400] =	vst v63  }
0x48: {  	s23 =	simm.s32 $0x7C00  }
0x49: {  	[hbm4b:s7+s2] =	stream.indirect_vreg.scatter [tilespmem:s23], [sflag:$0x3], $0x80, v3, vm0, $0xb8;
	[tilespmem:$0x10400] =	vst v63  }
0x4a: {  	v3 =	vld [tilespmem:$0x200];
	_ =	sdelay $0x4  }
0x4b: {  	v50 =	vshll.u32 v3, $0x3  }
0x4c: {  	v3 =	vand.u32 $0x7, v3;
	v4 =	vand.u32 $0xFFFFFFC0, v50  }
0x4d: {  	v3 =	vor.u32 v3, v4  }
0x4e: {  	v4 =	vperm.xlane v3, v0;
	_ =	sdelay $0x1  }
0x4f: {  	v4 =	vadd.s32 v1, v4;
	_ =	sdelay $0x4  }
0x50: {  	[hbm4b:s3+s2] =	stream.indirect_vreg.scatter [tilespmem:s26], [sflag:$0x3], $0x80, v4, vm0, $0xb8;
	[tilespmem:$0x10400] =	vst v63  }
0x51: {  	s22 =	simm.s32 $0xC00;
	v3 =	vperm.xlane v3, v2  }
0x52: {  	[hbm4b:s5+s2] =	stream.indirect_vreg.scatter [tilespmem:s22], [sflag:$0x3], $0x80, v4, vm0, $0xb8;
	[tilespmem:$0x10400] =	vst v63  }
0x53: {  	s14 =	simm.s32 $0x1400;
	v3 =	vadd.s32 v1, v3  }
0x54: {  	[hbm4b:s6+s2] =	stream.indirect_vreg.scatter [tilespmem:s14], [sflag:$0x3], $0x80, v4, vm0, $0xb8;
	[tilespmem:$0x10400] =	vst v63  }
0x55: {  	s20 =	simm.s32 $0x1C00  }
0x56: {  	[hbm4b:s7+s2] =	stream.indirect_vreg.scatter [tilespmem:s20], [sflag:$0x3], $0x80, v4, vm0, $0xb8;
	[tilespmem:$0x10400] =	vst v63  }
0x57: {  	s1 =	simm.s32 $0x2400  }
0x58: {  	[hbm4b:s3+s2] =	stream.indirect_vreg.scatter [tilespmem:s1], [sflag:$0x3], $0x80, v3, vm0, $0xb8;
	[tilespmem:$0x10400] =	vst v63  }
0x59: {  	s4 =	simm.s32 $0x2C00  }
0x5a: {  	[hbm4b:s5+s2] =	stream.indirect_vreg.scatter [tilespmem:s4], [sflag:$0x3], $0x80, v3, vm0, $0xb8;
	[tilespmem:$0x10400] =	vst v63  }
0x5b: {  	s8 =	simm.s32 $0x3400  }
0x5c: {  	[hbm4b:s6+s2] =	stream.indirect_vreg.scatter [tilespmem:s8], [sflag:$0x3], $0x80, v3, vm0, $0xb8;
	[tilespmem:$0x10400] =	vst v63  }
0x5d: {  	s16 =	simm.s32 $0x3C00  }
0x5e: {  	[hbm4b:s7+s2] =	stream.indirect_vreg.scatter [tilespmem:s16], [sflag:$0x3], $0x80, v3, vm0, $0xb8;
	[tilespmem:$0x10400] =	vst v63  }
0x5f: {  	v3 =	vld [tilespmem:$0x210];
	_ =	sdelay $0x4  }
0x60: {  	v51 =	vshll.u32 v3, $0x3  }
0x61: {  	v3 =	vand.u32 $0x7, v3;
	v4 =	vand.u32 $0xFFFFFFC0, v51  }
0x62: {  	v3 =	vor.u32 v3, v4  }
0x63: {  	v4 =	vperm.xlane v3, v0;
	_ =	sdelay $0x1  }
0x64: {  	v4 =	vadd.s32 v1, v4;
	_ =	sdelay $0x3  }
0x65: {  	s17 =	simm.s32 $0x4400  }
0x66: {  	[hbm4b:s3+s2] =	stream.indirect_vreg.scatter [tilespmem:s17], [sflag:$0x3], $0x80, v4, vm0, $0xb8;
	[tilespmem:$0x10400] =	vst v63  }
0x67: {  	s18 =	simm.s32 $0x4C00;
	v3 =	vperm.xlane v3, v2  }
0x68: {  	[hbm4b:s5+s2] =	stream.indirect_vreg.scatter [tilespmem:s18], [sflag:$0x3], $0x80, v4, vm0, $0xb8;
	[tilespmem:$0x10400] =	vst v63  }
0x69: {  	s9 =	simm.s32 $0x5400;
	v3 =	vadd.s32 v1, v3  }
0x6a: {  	[hbm4b:s6+s2] =	stream.indirect_vreg.scatter [tilespmem:s9], [sflag:$0x3], $0x80, v4, vm0, $0xb8;
	[tilespmem:$0x10400] =	vst v63  }
0x6b: {  	s10 =	simm.s32 $0x5C00  }
0x6c: {  	[hbm4b:s7+s2] =	stream.indirect_vreg.scatter [tilespmem:s10], [sflag:$0x3], $0x80, v4, vm0, $0xb8;
	[tilespmem:$0x10400] =	vst v63  }
0x6d: {  	s11 =	simm.s32 $0x6400  }
0x6e: {  	[hbm4b:s3+s2] =	stream.indirect_vreg.scatter [tilespmem:s11], [sflag:$0x3], $0x80, v3, vm0, $0xb8;
	[tilespmem:$0x10400] =	vst v63  }
0x6f: {  	s12 =	simm.s32 $0x6C00  }
0x70: {  	[hbm4b:s5+s2] =	stream.indirect_vreg.scatter [tilespmem:s12], [sflag:$0x3], $0x80, v3, vm0, $0xb8;
	[tilespmem:$0x10400] =	vst v63  }
0x71: {  	s13 =	simm.s32 $0x7400  }
0x72: {  	[hbm4b:s6+s2] =	stream.indirect_vreg.scatter [tilespmem:s13], [sflag:$0x3], $0x80, v3, vm0, $0xb8;
	[tilespmem:$0x10400] =	vst v63  }
0x73: {  	s25 =	simm.s32 $0x7C00;
	s4 =	simm.s32 $0x3  }
0x74: {  	[hbm4b:s7+s2] =	stream.indirect_vreg.scatter [tilespmem:s25], [sflag:$0x3], $0x80, v3, vm0, $0xb8;
	[tilespmem:$0x10400] =	vst v63  }
0x75: {  	_ =	swait.ge [sflag:s4], $0x8000  }
0x76: {  	[sflag:s4] =	ssyncset.done $0x0  }
0x77: {  	[sflag:s4] =	ssyncadd.s32 $0xFFFF8000  }
0x78: {  	_ =	swait.ge [sflag:s4], $0x8000  }
0x79: {  	[sflag:s4] =	ssyncset.done $0x0  }
0x7a: {  	s0 =	simm.s32 $0x2;
	s11 =	rddreg [dreg:$0x6];
	[sflag:s4] =	ssyncadd.s32 $0xFFFF8000  }
0x7b: {  	[tilespmem:s26], [sflag:$0x1] =	stream.linear.gather [hbm4b:s11+s2], $0x8000, $0x38;
	[tilespmem:$0x10400] =	vst v63  }
0x7c: {  	_ =	swait.ge [sflag:s0], $0x8000  }
0x7d: {  	[sflag:s0] =	ssyncset.done $0x0  }
0x7e: {  	[sflag:s0] =	ssyncadd.s32 $0xFFFF8000  }
0x7f: {  	v3 =	vld [tilespmem:$0x80];
	_ =	sdelay $0x4  }
0x80: {  	v52 =	vshll.u32 v3, $0x3  }
0x81: {  	v3 =	vand.u32 $0x7, v3;
	v4 =	vand.u32 $0xFFFFFFC0, v52  }
0x82: {  	v3 =	vor.u32 v3, v4  }
0x83: {  	v4 =	vperm.xlane v3, v0;
	_ =	sdelay $0x1  }
0x84: {  	v4 =	vadd.s32 v1, v4;
	_ =	sdelay $0x3  }
0x85: {  	s21 =	simm.s32 $0x8400  }
0x86: {  	[hbm4b:s3+s2] =	stream.indirect_vreg.scatter [tilespmem:s21], [sflag:$0x4], $0x80, v4, vm0, $0xb8;
	[tilespmem:$0x10400] =	vst v63  }
0x87: {  	s22 =	simm.s32 $0x8C00;
	v3 =	vperm.xlane v3, v2  }
0x88: {  	[hbm4b:s5+s2] =	stream.indirect_vreg.scatter [tilespmem:s22], [sflag:$0x4], $0x80, v4, vm0, $0xb8;
	[tilespmem:$0x10400] =	vst v63  }
0x89: {  	s12 =	simm.s32 $0x9400;
	v3 =	vadd.s32 v1, v3  }
0x8a: {  	[hbm4b:s6+s2] =	stream.indirect_vreg.scatter [tilespmem:s12], [sflag:$0x4], $0x80, v4, vm0, $0xb8;
	[tilespmem:$0x10400] =	vst v63  }
0x8b: {  	s13 =	simm.s32 $0x9C00  }
0x8c: {  	[hbm4b:s7+s2] =	stream.indirect_vreg.scatter [tilespmem:s13], [sflag:$0x4], $0x80, v4, vm0, $0xb8;
	[tilespmem:$0x10400] =	vst v63  }
0x8d: {  	s14 =	simm.s32 $0xA400  }
0x8e: {  	[hbm4b:s3+s2] =	stream.indirect_vreg.scatter [tilespmem:s14], [sflag:$0x4], $0x80, v3, vm0, $0xb8;
	[tilespmem:$0x10400] =	vst v63  }
0x8f: {  	s1 =	simm.s32 $0xAC00  }
0x90: {  	[hbm4b:s5+s2] =	stream.indirect_vreg.scatter [tilespmem:s1], [sflag:$0x4], $0x80, v3, vm0, $0xb8;
	[tilespmem:$0x10400] =	vst v63  }
0x91: {  	s15 =	simm.s32 $0xB400  }
0x92: {  	[hbm4b:s6+s2] =	stream.indirect_vreg.scatter [tilespmem:s15], [sflag:$0x4], $0x80, v3, vm0, $0xb8;
	[tilespmem:$0x10400] =	vst v63  }
0x93: {  	s16 =	simm.s32 $0xBC00  }
0x94: {  	[hbm4b:s7+s2] =	stream.indirect_vreg.scatter [tilespmem:s16], [sflag:$0x4], $0x80, v3, vm0, $0xb8;
	[tilespmem:$0x10400] =	vst v63  }
0x95: {  	v3 =	vld [tilespmem:$0x90];
	_ =	sdelay $0x4  }
0x96: {  	v53 =	vshll.u32 v3, $0x3  }
0x97: {  	v3 =	vand.u32 $0x7, v3;
	v4 =	vand.u32 $0xFFFFFFC0, v53  }
0x98: {  	v3 =	vor.u32 v3, v4  }
0x99: {  	v4 =	vperm.xlane v3, v0;
	_ =	sdelay $0x1  }
0x9a: {  	v4 =	vadd.s32 v1, v4;
	_ =	sdelay $0x3  }
0x9b: {  	s17 =	simm.s32 $0xC400  }
0x9c: {  	[hbm4b:s3+s2] =	stream.indirect_vreg.scatter [tilespmem:s17], [sflag:$0x4], $0x80, v4, vm0, $0xb8;
	[tilespmem:$0x10400] =	vst v63  }
0x9d: {  	s18 =	simm.s32 $0xCC00;
	v3 =	vperm.xlane v3, v2  }
0x9e: {  	[hbm4b:s5+s2] =	stream.indirect_vreg.scatter [tilespmem:s18], [sflag:$0x4], $0x80, v4, vm0, $0xb8;
	[tilespmem:$0x10400] =	vst v63  }
0x9f: {  	s20 =	simm.s32 $0xD400;
	v3 =	vadd.s32 v1, v3  }
0xa0: {  	[hbm4b:s6+s2] =	stream.indirect_vreg.scatter [tilespmem:s20], [sflag:$0x4], $0x80, v4, vm0, $0xb8;
	[tilespmem:$0x10400] =	vst v63  }
0xa1: {  	s16 =	simm.s32 $0xDC00  }
0xa2: {  	[hbm4b:s7+s2] =	stream.indirect_vreg.scatter [tilespmem:s16], [sflag:$0x4], $0x80, v4, vm0, $0xb8;
	[tilespmem:$0x10400] =	vst v63  }
0xa3: {  	s17 =	simm.s32 $0xE400  }
0xa4: {  	[hbm4b:s3+s2] =	stream.indirect_vreg.scatter [tilespmem:s17], [sflag:$0x4], $0x80, v3, vm0, $0xb8;
	[tilespmem:$0x10400] =	vst v63  }
0xa5: {  	s18 =	simm.s32 $0xEC00  }
0xa6: {  	[hbm4b:s5+s2] =	stream.indirect_vreg.scatter [tilespmem:s18], [sflag:$0x4], $0x80, v3, vm0, $0xb8;
	[tilespmem:$0x10400] =	vst v63  }
0xa7: {  	s15 =	simm.s32 $0xF400  }
0xa8: {  	[hbm4b:s6+s2] =	stream.indirect_vreg.scatter [tilespmem:s15], [sflag:$0x4], $0x80, v3, vm0, $0xb8;
	[tilespmem:$0x10400] =	vst v63  }
0xa9: {  	s20 =	simm.s32 $0xFC00  }
0xaa: {  	[hbm4b:s7+s2] =	stream.indirect_vreg.scatter [tilespmem:s20], [sflag:$0x4], $0x80, v3, vm0, $0xb8;
	[tilespmem:$0x10400] =	vst v63  }
0xab: {  	v3 =	vld [tilespmem:$0x280];
	_ =	sdelay $0x4  }
0xac: {  	v54 =	vshll.u32 v3, $0x3  }
0xad: {  	v3 =	vand.u32 $0x7, v3;
	v4 =	vand.u32 $0xFFFFFFC0, v54  }
0xae: {  	v3 =	vor.u32 v3, v4  }
0xaf: {  	v4 =	vperm.xlane v3, v0;
	_ =	sdelay $0x1  }
0xb0: {  	v4 =	vadd.s32 v1, v4;
	_ =	sdelay $0x4  }
0xb1: {  	[hbm4b:s3+s2] =	stream.indirect_vreg.scatter [tilespmem:s21], [sflag:$0x4], $0x80, v4, vm0, $0xb8;
	[tilespmem:$0x10400] =	vst v63  }
0xb2: {  	v3 =	vperm.xlane v3, v2  }
0xb3: {  	[hbm4b:s5+s2] =	stream.indirect_vreg.scatter [tilespmem:s22], [sflag:$0x4], $0x80, v4, vm0, $0xb8;
	[tilespmem:$0x10400] =	vst v63  }
0xb4: {  	s23 =	simm.s32 $0x9400;
	v3 =	vadd.s32 v1, v3  }
0xb5: {  	[hbm4b:s6+s2] =	stream.indirect_vreg.scatter [tilespmem:s23], [sflag:$0x4], $0x80, v4, vm0, $0xb8;
	[tilespmem:$0x10400] =	vst v63  }
0xb6: {  	s8 =	simm.s32 $0x9C00  }
0xb7: {  	[hbm4b:s7+s2] =	stream.indirect_vreg.scatter [tilespmem:s8], [sflag:$0x4], $0x80, v4, vm0, $0xb8;
	[tilespmem:$0x10400] =	vst v63  }
0xb8: {  	s9 =	simm.s32 $0xA400  }
0xb9: {  	[hbm4b:s3+s2] =	stream.indirect_vreg.scatter [tilespmem:s9], [sflag:$0x4], $0x80, v3, vm0, $0xb8;
	[tilespmem:$0x10400] =	vst v63  }
0xba: {  	_ = 	snop  }
0xbb: {  	[hbm4b:s5+s2] =	stream.indirect_vreg.scatter [tilespmem:s1], [sflag:$0x4], $0x80, v3, vm0, $0xb8;
	[tilespmem:$0x10400] =	vst v63  }
0xbc: {  	s11 =	simm.s32 $0xB400  }
0xbd: {  	[hbm4b:s6+s2] =	stream.indirect_vreg.scatter [tilespmem:s11], [sflag:$0x4], $0x80, v3, vm0, $0xb8;
	[tilespmem:$0x10400] =	vst v63  }
0xbe: {  	s10 =	simm.s32 $0xBC00  }
0xbf: {  	[hbm4b:s7+s2] =	stream.indirect_vreg.scatter [tilespmem:s10], [sflag:$0x4], $0x80, v3, vm0, $0xb8;
	[tilespmem:$0x10400] =	vst v63  }
0xc0: {  	v3 =	vld [tilespmem:$0x290];
	_ =	sdelay $0x4  }
0xc1: {  	v55 =	vshll.u32 v3, $0x3  }
0xc2: {  	v3 =	vand.u32 $0x7, v3;
	v4 =	vand.u32 $0xFFFFFFC0, v55  }
0xc3: {  	v3 =	vor.u32 v3, v4  }
0xc4: {  	v4 =	vperm.xlane v3, v0;
	_ =	sdelay $0x1  }
0xc5: {  	v4 =	vadd.s32 v1, v4;
	_ =	sdelay $0x3  }
0xc6: {  	s12 =	simm.s32 $0xC400  }
0xc7: {  	[hbm4b:s3+s2] =	stream.indirect_vreg.scatter [tilespmem:s12], [sflag:$0x4], $0x80, v4, vm0, $0xb8;
	[tilespmem:$0x10400] =	vst v63  }
0xc8: {  	s13 =	simm.s32 $0xCC00;
	v3 =	vperm.xlane v3, v2  }
0xc9: {  	[hbm4b:s5+s2] =	stream.indirect_vreg.scatter [tilespmem:s13], [sflag:$0x4], $0x80, v4, vm0, $0xb8;
	[tilespmem:$0x10400] =	vst v63  }
0xca: {  	s14 =	simm.s32 $0xD400;
	v3 =	vadd.s32 v1, v3  }
0xcb: {  	[hbm4b:s6+s2] =	stream.indirect_vreg.scatter [tilespmem:s14], [sflag:$0x4], $0x80, v4, vm0, $0xb8;
	[tilespmem:$0x10400] =	vst v63  }
0xcc: {  	_ = 	snop  }
0xcd: {  	[hbm4b:s7+s2] =	stream.indirect_vreg.scatter [tilespmem:s16], [sflag:$0x4], $0x80, v4, vm0, $0xb8;
	[tilespmem:$0x10400] =	vst v63  }
0xce: {  	_ = 	snop  }
0xcf: {  	[hbm4b:s3+s2] =	stream.indirect_vreg.scatter [tilespmem:s17], [sflag:$0x4], $0x80, v3, vm0, $0xb8;
	[tilespmem:$0x10400] =	vst v63  }
0xd0: {  	_ = 	snop  }
0xd1: {  	[hbm4b:s5+s2] =	stream.indirect_vreg.scatter [tilespmem:s18], [sflag:$0x4], $0x80, v3, vm0, $0xb8;
	[tilespmem:$0x10400] =	vst v63  }
0xd2: {  	s15 =	simm.s32 $0xF400  }
0xd3: {  	[hbm4b:s6+s2] =	stream.indirect_vreg.scatter [tilespmem:s15], [sflag:$0x4], $0x80, v3, vm0, $0xb8;
	[tilespmem:$0x10400] =	vst v63  }
0xd4: {  	s8 =	simm.s32 $0x4  }
0xd5: {  	[hbm4b:s7+s2] =	stream.indirect_vreg.scatter [tilespmem:s20], [sflag:$0x4], $0x80, v3, vm0, $0xb8;
	[tilespmem:$0x10400] =	vst v63  }
0xd6: {  	_ =	swait.ge [sflag:s8], $0x8000  }
0xd7: {  	[sflag:s8] =	ssyncset.done $0x0  }
0xd8: {  	[sflag:s8] =	ssyncadd.s32 $0xFFFF8000  }
0xd9: {  	_ =	swait.ge [sflag:s8], $0x8000  }
0xda: {  	[sflag:s8] =	ssyncset.done $0x0  }
0xdb: {  	s25 =	simm.s32 $0x8400;
	s23 =	rddreg [dreg:$0x7];
	[sflag:s8] =	ssyncadd.s32 $0xFFFF8000  }
0xdc: {  	[tilespmem:s25], [sflag:$0x2] =	stream.linear.gather [hbm4b:s23+s2], $0x8000, $0x38;
	[tilespmem:$0x10400] =	vst v63  }
0xdd: {  	_ =	swait.ge [sflag:s30], $0x8000  }
0xde: {  	[sflag:s30] =	ssyncset.done $0x0  }
0xdf: {  	[sflag:s30] =	ssyncadd.s32 $0xFFFF8000  }
0xe0: {  	v3 =	vld [tilespmem:$0x100];
	_ =	sdelay $0x4  }
0xe1: {  	v56 =	vshll.u32 v3, $0x3  }
0xe2: {  	v3 =	vand.u32 $0x7, v3;
	v4 =	vand.u32 $0xFFFFFFC0, v56  }
0xe3: {  	v3 =	vor.u32 v3, v4  }
0xe4: {  	v4 =	vperm.xlane v3, v0;
	_ =	sdelay $0x1  }
0xe5: {  	v4 =	vadd.s32 v1, v4;
	_ =	sdelay $0x4  }
0xe6: {  	[hbm4b:s3+s2] =	stream.indirect_vreg.scatter [tilespmem:s26], [sflag:$0x3], $0x80, v4, vm0, $0xb8;
	[tilespmem:$0x10400] =	vst v63  }
0xe7: {  	s15 =	simm.s32 $0xC00;
	v3 =	vperm.xlane v3, v2  }
0xe8: {  	[hbm4b:s5+s2] =	stream.indirect_vreg.scatter [tilespmem:s15], [sflag:$0x3], $0x80, v4, vm0, $0xb8;
	[tilespmem:$0x10400] =	vst v63  }
0xe9: {  	s13 =	simm.s32 $0x1400;
	v3 =	vadd.s32 v1, v3  }
0xea: {  	[hbm4b:s6+s2] =	stream.indirect_vreg.scatter [tilespmem:s13], [sflag:$0x3], $0x80, v4, vm0, $0xb8;
	[tilespmem:$0x10400] =	vst v63  }
0xeb: {  	s14 =	simm.s32 $0x1C00  }
0xec: {  	[hbm4b:s7+s2] =	stream.indirect_vreg.scatter [tilespmem:s14], [sflag:$0x3], $0x80, v4, vm0, $0xb8;
	[tilespmem:$0x10400] =	vst v63  }
0xed: {  	s25 =	simm.s32 $0x2400  }
0xee: {  	[hbm4b:s3+s2] =	stream.indirect_vreg.scatter [tilespmem:s25], [sflag:$0x3], $0x80, v3, vm0, $0xb8;
	[tilespmem:$0x10400] =	vst v63  }
0xef: {  	s30 =	simm.s32 $0x2C00  }
0xf0: {  	[hbm4b:s5+s2] =	stream.indirect_vreg.scatter [tilespmem:s30], [sflag:$0x3], $0x80, v3, vm0, $0xb8;
	[tilespmem:$0x10400] =	vst v63  }
0xf1: {  	_ = 	snop  }
0xf2: {  	[hbm4b:s6+s2] =	stream.indirect_vreg.scatter [tilespmem:s29], [sflag:$0x3], $0x80, v3, vm0, $0xb8;
	[tilespmem:$0x10400] =	vst v63  }
0xf3: {  	_ = 	snop  }
0xf4: {  	[hbm4b:s7+s2] =	stream.indirect_vreg.scatter [tilespmem:s24], [sflag:$0x3], $0x80, v3, vm0, $0xb8;
	[tilespmem:$0x10400] =	vst v63  }
0xf5: {  	v3 =	vld [tilespmem:$0x110];
	_ =	sdelay $0x4  }
0xf6: {  	v57 =	vshll.u32 v3, $0x3  }
0xf7: {  	v3 =	vand.u32 $0x7, v3;
	v4 =	vand.u32 $0xFFFFFFC0, v57  }
0xf8: {  	v3 =	vor.u32 v3, v4  }
0xf9: {  	v4 =	vperm.xlane v3, v0;
	_ =	sdelay $0x1  }
0xfa: {  	v4 =	vadd.s32 v1, v4;
	_ =	sdelay $0x3  }
0xfb: {  	s9 =	simm.s32 $0x4400  }
0xfc: {  	[hbm4b:s3+s2] =	stream.indirect_vreg.scatter [tilespmem:s9], [sflag:$0x3], $0x80, v4, vm0, $0xb8;
	[tilespmem:$0x10400] =	vst v63  }
0xfd: {  	s10 =	simm.s32 $0x4C00;
	v3 =	vperm.xlane v3, v2  }
0xfe: {  	[hbm4b:s5+s2] =	stream.indirect_vreg.scatter [tilespmem:s10], [sflag:$0x3], $0x80, v4, vm0, $0xb8;
	[tilespmem:$0x10400] =	vst v63  }
0xff: {  	v3 =	vadd.s32 v1, v3  }
0x100: {  	[hbm4b:s6+s2] =	stream.indirect_vreg.scatter [tilespmem:s28], [sflag:$0x3], $0x80, v4, vm0, $0xb8;
	[tilespmem:$0x10400] =	vst v63  }
0x101: {  	_ = 	snop  }
0x102: {  	[hbm4b:s7+s2] =	stream.indirect_vreg.scatter [tilespmem:s31], [sflag:$0x3], $0x80, v4, vm0, $0xb8;
	[tilespmem:$0x10400] =	vst v63  }
0x103: {  	s21 =	simm.s32 $0x6400  }
0x104: {  	[hbm4b:s3+s2] =	stream.indirect_vreg.scatter [tilespmem:s21], [sflag:$0x3], $0x80, v3, vm0, $0xb8;
	[tilespmem:$0x10400] =	vst v63  }
0x105: {  	s23 =	simm.s32 $0x6C00  }
0x106: {  	[hbm4b:s5+s2] =	stream.indirect_vreg.scatter [tilespmem:s23], [sflag:$0x3], $0x80, v3, vm0, $0xb8;
	[tilespmem:$0x10400] =	vst v63  }
0x107: {  	s11 =	simm.s32 $0x7400  }
0x108: {  	[hbm4b:s6+s2] =	stream.indirect_vreg.scatter [tilespmem:s11], [sflag:$0x3], $0x80, v3, vm0, $0xb8;
	[tilespmem:$0x10400] =	vst v63  }
0x109: {  	s12 =	simm.s32 $0x7C00  }
0x10a: {  	[hbm4b:s7+s2] =	stream.indirect_vreg.scatter [tilespmem:s12], [sflag:$0x3], $0x80, v3, vm0, $0xb8;
	[tilespmem:$0x10400] =	vst v63  }
0x10b: {  	v3 =	vld [tilespmem:$0x300];
	_ =	sdelay $0x4  }
0x10c: {  	v58 =	vshll.u32 v3, $0x3  }
0x10d: {  	v3 =	vand.u32 $0x7, v3;
	v4 =	vand.u32 $0xFFFFFFC0, v58  }
0x10e: {  	v3 =	vor.u32 v3, v4  }
0x10f: {  	v4 =	vperm.xlane v3, v0;
	_ =	sdelay $0x1  }
0x110: {  	v4 =	vadd.s32 v1, v4;
	_ =	sdelay $0x4  }
0x111: {  	[hbm4b:s3+s2] =	stream.indirect_vreg.scatter [tilespmem:s26], [sflag:$0x3], $0x80, v4, vm0, $0xb8;
	[tilespmem:$0x10400] =	vst v63  }
0x112: {  	v3 =	vperm.xlane v3, v2  }
0x113: {  	[hbm4b:s5+s2] =	stream.indirect_vreg.scatter [tilespmem:s15], [sflag:$0x3], $0x80, v4, vm0, $0xb8;
	[tilespmem:$0x10400] =	vst v63  }
0x114: {  	v3 =	vadd.s32 v1, v3  }
0x115: {  	[hbm4b:s6+s2] =	stream.indirect_vreg.scatter [tilespmem:s13], [sflag:$0x3], $0x80, v4, vm0, $0xb8;
	[tilespmem:$0x10400] =	vst v63  }
0x116: {  	_ = 	snop  }
0x117: {  	[hbm4b:s7+s2] =	stream.indirect_vreg.scatter [tilespmem:s14], [sflag:$0x3], $0x80, v4, vm0, $0xb8;
	[tilespmem:$0x10400] =	vst v63  }
0x118: {  	_ = 	snop  }
0x119: {  	[hbm4b:s3+s2] =	stream.indirect_vreg.scatter [tilespmem:s25], [sflag:$0x3], $0x80, v3, vm0, $0xb8;
	[tilespmem:$0x10400] =	vst v63  }
0x11a: {  	_ = 	snop  }
0x11b: {  	[hbm4b:s5+s2] =	stream.indirect_vreg.scatter [tilespmem:s30], [sflag:$0x3], $0x80, v3, vm0, $0xb8;
	[tilespmem:$0x10400] =	vst v63  }
0x11c: {  	_ = 	snop  }
0x11d: {  	[hbm4b:s6+s2] =	stream.indirect_vreg.scatter [tilespmem:s29], [sflag:$0x3], $0x80, v3, vm0, $0xb8;
	[tilespmem:$0x10400] =	vst v63  }
0x11e: {  	_ = 	snop  }
0x11f: {  	[hbm4b:s7+s2] =	stream.indirect_vreg.scatter [tilespmem:s24], [sflag:$0x3], $0x80, v3, vm0, $0xb8;
	[tilespmem:$0x10400] =	vst v63  }
0x120: {  	v3 =	vld [tilespmem:$0x310];
	_ =	sdelay $0x4  }
0x121: {  	v59 =	vshll.u32 v3, $0x3  }
0x122: {  	v3 =	vand.u32 $0x7, v3;
	v4 =	vand.u32 $0xFFFFFFC0, v59  }
0x123: {  	v3 =	vor.u32 v3, v4  }
0x124: {  	v4 =	vperm.xlane v3, v0;
	_ =	sdelay $0x1  }
0x125: {  	v4 =	vadd.s32 v1, v4;
	_ =	sdelay $0x4  }
0x126: {  	[hbm4b:s3+s2] =	stream.indirect_vreg.scatter [tilespmem:s9], [sflag:$0x3], $0x80, v4, vm0, $0xb8;
	[tilespmem:$0x10400] =	vst v63  }
0x127: {  	v3 =	vperm.xlane v3, v2  }
0x128: {  	[hbm4b:s5+s2] =	stream.indirect_vreg.scatter [tilespmem:s10], [sflag:$0x3], $0x80, v4, vm0, $0xb8;
	[tilespmem:$0x10400] =	vst v63  }
0x129: {  	v3 =	vadd.s32 v1, v3  }
0x12a: {  	[hbm4b:s6+s2] =	stream.indirect_vreg.scatter [tilespmem:s28], [sflag:$0x3], $0x80, v4, vm0, $0xb8;
	[tilespmem:$0x10400] =	vst v63  }
0x12b: {  	_ = 	snop  }
0x12c: {  	[hbm4b:s7+s2] =	stream.indirect_vreg.scatter [tilespmem:s31], [sflag:$0x3], $0x80, v4, vm0, $0xb8;
	[tilespmem:$0x10400] =	vst v63  }
0x12d: {  	_ = 	snop  }
0x12e: {  	[hbm4b:s3+s2] =	stream.indirect_vreg.scatter [tilespmem:s21], [sflag:$0x3], $0x80, v3, vm0, $0xb8;
	[tilespmem:$0x10400] =	vst v63  }
0x12f: {  	_ = 	snop  }
0x130: {  	[hbm4b:s5+s2] =	stream.indirect_vreg.scatter [tilespmem:s23], [sflag:$0x3], $0x80, v3, vm0, $0xb8;
	[tilespmem:$0x10400] =	vst v63  }
0x131: {  	_ = 	snop  }
0x132: {  	[hbm4b:s6+s2] =	stream.indirect_vreg.scatter [tilespmem:s11], [sflag:$0x3], $0x80, v3, vm0, $0xb8;
	[tilespmem:$0x10400] =	vst v63  }
0x133: {  	_ = 	snop  }
0x134: {  	[hbm4b:s7+s2] =	stream.indirect_vreg.scatter [tilespmem:s12], [sflag:$0x3], $0x80, v3, vm0, $0xb8;
	[tilespmem:$0x10400] =	vst v63  }
0x135: {  	_ =	swait.ge [sflag:s0], $0x8000  }
0x136: {  	[sflag:s0] =	ssyncset.done $0x0  }
0x137: {  	[sflag:s0] =	ssyncadd.s32 $0xFFFF8000  }
0x138: {  	v3 =	vld [tilespmem:$0x180];
	_ =	sdelay $0x4  }
0x139: {  	v60 =	vshll.u32 v3, $0x3  }
0x13a: {  	v3 =	vand.u32 $0x7, v3;
	v4 =	vand.u32 $0xFFFFFFC0, v60  }
0x13b: {  	v3 =	vor.u32 v3, v4  }
0x13c: {  	v4 =	vperm.xlane v3, v0;
	_ =	sdelay $0x1  }
0x13d: {  	v4 =	vadd.s32 v1, v4;
	_ =	sdelay $0x3  }
0x13e: {  	s30 =	simm.s32 $0x8400  }
0x13f: {  	[hbm4b:s3+s2] =	stream.indirect_vreg.scatter [tilespmem:s30], [sflag:$0x4], $0x80, v4, vm0, $0xb8;
	[tilespmem:$0x10400] =	vst v63  }
0x140: {  	v3 =	vperm.xlane v3, v2  }
0x141: {  	[hbm4b:s5+s2] =	stream.indirect_vreg.scatter [tilespmem:s22], [sflag:$0x4], $0x80, v4, vm0, $0xb8;
	[tilespmem:$0x10400] =	vst v63  }
0x142: {  	s10 =	simm.s32 $0x9400;
	v3 =	vadd.s32 v1, v3  }
0x143: {  	[hbm4b:s6+s2] =	stream.indirect_vreg.scatter [tilespmem:s10], [sflag:$0x4], $0x80, v4, vm0, $0xb8;
	[tilespmem:$0x10400] =	vst v63  }
0x144: {  	s11 =	simm.s32 $0x9C00  }
0x145: {  	[hbm4b:s7+s2] =	stream.indirect_vreg.scatter [tilespmem:s11], [sflag:$0x4], $0x80, v4, vm0, $0xb8;
	[tilespmem:$0x10400] =	vst v63  }
0x146: {  	s12 =	simm.s32 $0xA400  }
0x147: {  	[hbm4b:s3+s2] =	stream.indirect_vreg.scatter [tilespmem:s12], [sflag:$0x4], $0x80, v3, vm0, $0xb8;
	[tilespmem:$0x10400] =	vst v63  }
0x148: {  	_ = 	snop  }
0x149: {  	[hbm4b:s5+s2] =	stream.indirect_vreg.scatter [tilespmem:s1], [sflag:$0x4], $0x80, v3, vm0, $0xb8;
	[tilespmem:$0x10400] =	vst v63  }
0x14a: {  	s13 =	simm.s32 $0xB400  }
0x14b: {  	[hbm4b:s6+s2] =	stream.indirect_vreg.scatter [tilespmem:s13], [sflag:$0x4], $0x80, v3, vm0, $0xb8;
	[tilespmem:$0x10400] =	vst v63  }
0x14c: {  	s14 =	simm.s32 $0xBC00  }
0x14d: {  	[hbm4b:s7+s2] =	stream.indirect_vreg.scatter [tilespmem:s14], [sflag:$0x4], $0x80, v3, vm0, $0xb8;
	[tilespmem:$0x10400] =	vst v63  }
0x14e: {  	v3 =	vld [tilespmem:$0x190];
	_ =	sdelay $0x4  }
0x14f: {  	v61 =	vshll.u32 v3, $0x3  }
0x150: {  	v3 =	vand.u32 $0x7, v3;
	v4 =	vand.u32 $0xFFFFFFC0, v61  }
0x151: {  	v3 =	vor.u32 v3, v4  }
0x152: {  	v4 =	vperm.xlane v3, v0;
	_ =	sdelay $0x1  }
0x153: {  	v4 =	vadd.s32 v1, v4;
	_ =	sdelay $0x3  }
0x154: {  	s15 =	simm.s32 $0xC400  }
0x155: {  	[hbm4b:s3+s2] =	stream.indirect_vreg.scatter [tilespmem:s15], [sflag:$0x4], $0x80, v4, vm0, $0xb8;
	[tilespmem:$0x10400] =	vst v63  }
0x156: {  	s25 =	simm.s32 $0xCC00;
	v3 =	vperm.xlane v3, v2  }
0x157: {  	[hbm4b:s5+s2] =	stream.indirect_vreg.scatter [tilespmem:s25], [sflag:$0x4], $0x80, v4, vm0, $0xb8;
	[tilespmem:$0x10400] =	vst v63  }
0x158: {  	s26 =	simm.s32 $0xD400;
	v3 =	vadd.s32 v1, v3  }
0x159: {  	[hbm4b:s6+s2] =	stream.indirect_vreg.scatter [tilespmem:s26], [sflag:$0x4], $0x80, v4, vm0, $0xb8;
	[tilespmem:$0x10400] =	vst v63  }
0x15a: {  	_ = 	snop  }
0x15b: {  	[hbm4b:s7+s2] =	stream.indirect_vreg.scatter [tilespmem:s16], [sflag:$0x4], $0x80, v4, vm0, $0xb8;
	[tilespmem:$0x10400] =	vst v63  }
0x15c: {  	_ = 	snop  }
0x15d: {  	[hbm4b:s3+s2] =	stream.indirect_vreg.scatter [tilespmem:s17], [sflag:$0x4], $0x80, v3, vm0, $0xb8;
	[tilespmem:$0x10400] =	vst v63  }
0x15e: {  	_ = 	snop  }
0x15f: {  	[hbm4b:s5+s2] =	stream.indirect_vreg.scatter [tilespmem:s18], [sflag:$0x4], $0x80, v3, vm0, $0xb8;
	[tilespmem:$0x10400] =	vst v63  }
0x160: {  	s30 =	simm.s32 $0xF400  }
0x161: {  	[hbm4b:s6+s2] =	stream.indirect_vreg.scatter [tilespmem:s30], [sflag:$0x4], $0x80, v3, vm0, $0xb8;
	[tilespmem:$0x10400] =	vst v63  }
0x162: {  	_ = 	snop  }
0x163: {  	[hbm4b:s7+s2] =	stream.indirect_vreg.scatter [tilespmem:s20], [sflag:$0x4], $0x80, v3, vm0, $0xb8;
	[tilespmem:$0x10400] =	vst v63  }
0x164: {  	v3 =	vld [tilespmem:$0x380];
	_ =	sdelay $0x4  }
0x165: {  	v62 =	vshll.u32 v3, $0x3  }
0x166: {  	v3 =	vand.u32 $0x7, v3;
	v4 =	vand.u32 $0xFFFFFFC0, v62  }
0x167: {  	v3 =	vor.u32 v3, v4  }
0x168: {  	v4 =	vperm.xlane v3, v0;
	_ =	sdelay $0x1  }
0x169: {  	v4 =	vadd.s32 v1, v4;
	_ =	sdelay $0x3  }
0x16a: {  	s9 =	simm.s32 $0x8400  }
0x16b: {  	[hbm4b:s3+s2] =	stream.indirect_vreg.scatter [tilespmem:s9], [sflag:$0x4], $0x80, v4, vm0, $0xb8;
	[tilespmem:$0x10400] =	vst v63  }
0x16c: {  	v3 =	vperm.xlane v3, v2  }
0x16d: {  	[hbm4b:s5+s2] =	stream.indirect_vreg.scatter [tilespmem:s22], [sflag:$0x4], $0x80, v4, vm0, $0xb8;
	[tilespmem:$0x10400] =	vst v63  }
0x16e: {  	v3 =	vadd.s32 v1, v3  }
0x16f: {  	[hbm4b:s6+s2] =	stream.indirect_vreg.scatter [tilespmem:s10], [sflag:$0x4], $0x80, v4, vm0, $0xb8;
	[tilespmem:$0x10400] =	vst v63  }
0x170: {  	_ = 	snop  }
0x171: {  	[hbm4b:s7+s2] =	stream.indirect_vreg.scatter [tilespmem:s11], [sflag:$0x4], $0x80, v4, vm0, $0xb8;
	[tilespmem:$0x10400] =	vst v63  }
0x172: {  	_ = 	snop  }
0x173: {  	[hbm4b:s3+s2] =	stream.indirect_vreg.scatter [tilespmem:s12], [sflag:$0x4], $0x80, v3, vm0, $0xb8;
	[tilespmem:$0x10400] =	vst v63  }
0x174: {  	_ = 	snop  }
0x175: {  	[hbm4b:s5+s2] =	stream.indirect_vreg.scatter [tilespmem:s1], [sflag:$0x4], $0x80, v3, vm0, $0xb8;
	[tilespmem:$0x10400] =	vst v63  }
0x176: {  	_ = 	snop  }
0x177: {  	[hbm4b:s6+s2] =	stream.indirect_vreg.scatter [tilespmem:s13], [sflag:$0x4], $0x80, v3, vm0, $0xb8;
	[tilespmem:$0x10400] =	vst v63  }
0x178: {  	_ = 	snop  }
0x179: {  	[hbm4b:s7+s2] =	stream.indirect_vreg.scatter [tilespmem:s14], [sflag:$0x4], $0x80, v3, vm0, $0xb8;
	[tilespmem:$0x10400] =	vst v63  }
0x17a: {  	v3 =	vld [tilespmem:$0x390];
	_ =	sdelay $0x4  }
0x17b: {  	v63 =	vshll.u32 v3, $0x3  }
0x17c: {  	v3 =	vand.u32 $0x7, v3;
	v4 =	vand.u32 $0xFFFFFFC0, v63  }
0x17d: {  	v3 =	vor.u32 v3, v4  }
0x17e: {  	v4 =	vperm.xlane v3, v0;
	_ =	sdelay $0x1  }
0x17f: {  	v4 =	vadd.s32 v1, v4;
	_ =	sdelay $0x4  }
0x180: {  	[hbm4b:s3+s2] =	stream.indirect_vreg.scatter [tilespmem:s15], [sflag:$0x4], $0x80, v4, vm0, $0xb8;
	[tilespmem:$0x10400] =	vst v63  }
0x181: {  	v3 =	vperm.xlane v3, v2  }
0x182: {  	[hbm4b:s5+s2] =	stream.indirect_vreg.scatter [tilespmem:s25], [sflag:$0x4], $0x80, v4, vm0, $0xb8;
	[tilespmem:$0x10400] =	vst v63  }
0x183: {  	v3 =	vadd.s32 v1, v3  }
0x184: {  	[hbm4b:s6+s2] =	stream.indirect_vreg.scatter [tilespmem:s26], [sflag:$0x4], $0x80, v4, vm0, $0xb8;
	[tilespmem:$0x10400] =	vst v63  }
0x185: {  	_ = 	snop  }
0x186: {  	[hbm4b:s7+s2] =	stream.indirect_vreg.scatter [tilespmem:s16], [sflag:$0x4], $0x80, v4, vm0, $0xb8;
	[tilespmem:$0x10400] =	vst v63  }
0x187: {  	_ = 	snop  }
0x188: {  	[hbm4b:s3+s2] =	stream.indirect_vreg.scatter [tilespmem:s17], [sflag:$0x4], $0x80, v3, vm0, $0xb8;
	[tilespmem:$0x10400] =	vst v63  }
0x189: {  	_ = 	snop  }
0x18a: {  	[hbm4b:s5+s2] =	stream.indirect_vreg.scatter [tilespmem:s18], [sflag:$0x4], $0x80, v3, vm0, $0xb8;
	[tilespmem:$0x10400] =	vst v63  }
0x18b: {  	_ = 	snop  }
0x18c: {  	[hbm4b:s6+s2] =	stream.indirect_vreg.scatter [tilespmem:s30], [sflag:$0x4], $0x80, v3, vm0, $0xb8;
	[tilespmem:$0x10400] =	vst v63  }
0x18d: {  	_ = 	snop  }
0x18e: {  	[hbm4b:s7+s2] =	stream.indirect_vreg.scatter [tilespmem:s20], [sflag:$0x4], $0x80, v3, vm0, $0xb8;
	[tilespmem:$0x10400] =	vst v63  }
0x18f: {  	_ =	swait.ge [sflag:s4], $0x8000  }
0x190: {  	[sflag:s4] =	ssyncset.done $0x0  }
0x191: {  	[sflag:s4] =	ssyncadd.s32 $0xFFFF8000  }
0x192: {  	_ =	swait.ge [sflag:s4], $0x8000  }
0x193: {  	[sflag:s4] =	ssyncset.done $0x0  }
0x194: {  	[sflag:s4] =	ssyncadd.s32 $0xFFFF8000  }
0x195: {  	p0 =	sne.s32 s19, $0x1;
	_ =	swait.ge [sflag:s8], $0x8000  }
.Ltmp0:
0x196: {  	[sflag:s8] =	ssyncset.done $0x0;
	(pc) =	sbr.rel @p0 .LBB2_1-.Ltmp0, $4  }
0x197: {  	[sflag:s8] =	ssyncadd.s32 $0xFFFF8000  }
0x198: {  	_ =	swait.ge [sflag:s8], $0x8000  }
0x199: {  	[sflag:s8] =	ssyncset.done $0x0  }
0x19a: {  	s19 =	sadd.s32 $0xFFFFFFFF, s19;
	[sflag:s8] =	ssyncadd.s32 $0xFFFF8000  }
0x19b: {  	_ =	sfence.sel $0x180000  }
0x19c: {  	[bflag:$0x0] =	sbarrier.arrive $0xFFFF  }
0x19d: {  	_ =	strace $0x90000047  }
0x19e: {  	s0 =	stileid.u32;
	[bflag:$0x2] =	sbarrier.arrive $0xFFFF  }
0x19f: {  	p0 =	sne.s32 s0, $0x0;
	s0 =	rddreg [dreg:$0x2]  }
0x1a0: {  	s0 =	sadd.s32 @!p0 $0x100000, s0  }
0x1a1: {  	[sflag:s0] =	ssyncadd.tile.s32 @!p0 $0x1;
	_ =	shalt  }
.Lfunc_end2:
_tile_overlayer_lowered:
.L_overlay_start_2:
0x1a2: {  	(tag) =	ssettag $0x2  }
0x1a3: {  	s0 =	rddreg [dreg:$0x0];
	s2 =	stileid.u32  }
0x1a4: {  	s1 =	rddreg [dreg:$0x1];
	p0 =	sne.s32 s2, $0x0  }
0x1a5: {  	s3 =	rddreg [dreg:$0x2];
	[bflag:$0x3] =	sbarrier.arrive $0xFFFF;
	s2 =	simm.s32 @!p0 $0x1C05  }
0x1a6: {  	[timem:s3], [sflag:s2] =	dma.local @!p0 [hbm:s0], s1  }
0x1a7: {  	s0 =	simm.s32 @!p0 $0x5  }
0x1a8: {  	_ =	swait.ge @!p0 [sflag:s0], s1  }
0x1a9: {  	s1 =	ssub.s32 @!p0 $0x0, s1;
	[sflag:s0] =	ssyncset.done @!p0 $0x0  }
0x1aa: {  	[sflag:s0] =	ssyncadd.s32 @!p0 s1  }
0x1ab: {  	[bflag:$0x3] =	sbarrier.arrive $0xFFFF  }
0x1ac: {  	_ =	shalt  }

</sc_bundles>
